<compile_context>
chip_gen: v7x
topology: tpu7x:2x2x1
jax: 0.10.2.dev20260603
libtpu: 0.0.44.dev20260713+nightly
codegen_flags: <defaults>
</compile_context>

<pallas_src>
import functools

import jax
import jax.numpy as jnp
from jax import lax
from jax.experimental import pallas as pl
from jax.experimental.pallas import tpu as pltpu
from jax.experimental.pallas import tpu_sc as plsc

_N = 10000
_E = 640000
_D = 128
_FIN = 39
_FE = 10
_L = 3
_PREC = lax.Precision.DEFAULT


def _dot3(a, b):
    return jnp.dot(a.astype(jnp.bfloat16), b.astype(jnp.bfloat16),
                   preferred_element_type=jnp.float32, precision=_PREC)

_NC = 2
_NS = 16
_NW = _NC * _NS
_C = 128
_CH = -(-_E // (_NW * _C))
_EPAD = _NW * _CH * _C
_RPT = 632
_NPAD = _NS * _RPT


def _stride8(r):
    s4 = r[0:4] + r[4:8]
    s2 = s4[0:2] + s4[2:4]
    return s2[0:1] + s2[1:2]


def _bn_ref(ref):
    n, d = ref.shape

    def msum(i, acc):
        return acc + ref[pl.ds(pl.multiple_of(8 * i, 8), 8)]

    m = _stride8(lax.fori_loop(1, n // 8, msum, ref[0:8])) * (1.0 / n)

    def vsum(i, acc):
        td = ref[pl.ds(pl.multiple_of(8 * i, 8), 8)] - m
        return acc + td * td

    def vchunk(lo, hi):
        t0 = ref[pl.ds(8 * lo, 8)] - m
        return _stride8(lax.fori_loop(lo + 1, hi, vsum, t0 * t0))

    half = (n // 8) // 2
    v = (vchunk(0, half) + vchunk(half, n // 8)) * (1.0 / n)
    return (ref[...] - m) / jnp.sqrt(v + 1e-5)



def _enc_body(x_ref, w0_ref, b0_ref, w1_ref, b1_ref, o_ref, t_ref):
    h = _dot3(x_ref[...], w0_ref[...])
    t_ref[...] = h + b0_ref[...]
    h = jnp.maximum(_bn_ref(t_ref), 0.0)
    h = _dot3(h, w1_ref[...])
    o_ref[...] = h + b1_ref[...]


def _encoder(xp, w0p, b0, w1, b1):
    return pl.pallas_call(
        _enc_body,
        out_shape=jax.ShapeDtypeStruct((_N, _D), jnp.float32),
        scratch_shapes=[pltpu.VMEM((_N, _D), jnp.float32)],
    )(xp, w0p, b0, w1, b1)


def _eemb_body(ea_ref, w_ref, b_ref, o_ref):
    e = _dot3(ea_ref[...], w_ref[0])
    o_ref[0] = e + b_ref[0]


def _eemb(eap, wb, bb, blk):
    grid = (_L, _EPAD // blk)
    return pl.pallas_call(
        _eemb_body,
        grid=grid,
        in_specs=[
            pl.BlockSpec((blk, 16), lambda l, e: (e, 0)),
            pl.BlockSpec((1, 16, _D), lambda l, e: (l, 0, 0)),
            pl.BlockSpec((1, 1, _D), lambda l, e: (l, 0, 0)),
        ],
        out_specs=pl.BlockSpec((1, blk, _D), lambda l, e: (l, e, 0)),
        out_shape=jax.ShapeDtypeStruct((_L, _EPAD, _D), jnp.float32),
    )(eap, wb, bb)


def _mlp_body(h_ref, ag_ref, eps_ref, wa_ref, ba_ref, wb_ref, bb_ref, o_ref,
              t_ref, *, last):
    h = h_ref[...]
    z = (1.0 + eps_ref[0, 0]) * h + ag_ref[0, :_N, :] + ag_ref[1, :_N, :]
    z = _dot3(z, wa_ref[...])
    t_ref[...] = z + ba_ref[...]
    z = jnp.maximum(_bn_ref(t_ref), 0.0)
    z = _dot3(z, wb_ref[...])
    o_ref[...] = z + bb_ref[...]
    z = _bn_ref(o_ref)
    if not last:
        z = jnp.maximum(z, 0.0)
    o_ref[...] = z


def _node_mlp(h, aggr, eps, wa, ba, wb, bb, last):
    return pl.pallas_call(
        functools.partial(_mlp_body, last=last),
        out_shape=jax.ShapeDtypeStruct((_N, _D), jnp.float32),
        scratch_shapes=[pltpu.VMEM((_N, 2 * _D), jnp.float32)],
    )(h, aggr, eps, wa, ba, wb, bb)



def _sc_body(h_hbm, src_hbm, dst_hbm, eemb_hbm, out_hbm,
             idx_s, idx_d, buf_e, buf_h, aggr, sem):
    c = lax.axis_index("c")
    s = lax.axis_index("s")
    wid = c * _NS + s

    zero16 = jnp.zeros((16,), jnp.float32)

    def _zrow(j, carry):
        for k in range(_D // 16):
            buf_e[j, pl.ds(k * 16, 16)] = zero16
        return carry

    lax.fori_loop(0, _C, _zrow, 0)
    r0 = s * _RPT
    off = 0
    while off < _RPT:
        n = min(_C, _RPT - off)
        pltpu.sync_copy(buf_e.at[pl.ds(0, n)], aggr.at[pl.ds(r0 + off, n)])
        off += n
    plsc.subcore_barrier()

    base_e = wid * (_CH * _C)

    def _chunk(i, carry):
        base = base_e + i * _C
        pltpu.sync_copy(src_hbm.at[pl.ds(base, _C)], idx_s)
        pltpu.sync_copy(dst_hbm.at[pl.ds(base, _C)], idx_d)
        pltpu.sync_copy(eemb_hbm.at[pl.ds(base, _C)], buf_e)
        pltpu.async_copy(h_hbm.at[idx_s], buf_h, sem).wait()

        def _row(j, cc):
            for k in range(_D // 16):
                sl = pl.ds(k * 16, 16)
                buf_e[j, sl] = jnp.maximum(buf_e[j, sl] + buf_h[j, sl], 0.0)
            return cc

        lax.fori_loop(0, _C, _row, 0)
        pltpu.sync_copy(buf_e, aggr.at[idx_d], add=True)
        return carry

    lax.fori_loop(0, _CH, _chunk, 0)
    plsc.subcore_barrier()

    off = 0
    while off < _RPT:
        n = min(_C, _RPT - off)
        pltpu.sync_copy(aggr.at[pl.ds(r0 + off, n)],
                        out_hbm.at[c].at[pl.ds(r0 + off, n)])
        off += n


def _sc_message_pass(h, src, dst, eemb_l):
    mesh = plsc.VectorSubcoreMesh(
        core_axis_name="c", subcore_axis_name="s",
        num_cores=_NC, num_subcores=_NS)
    fn = pl.kernel(
        _sc_body,
        out_type=jax.ShapeDtypeStruct((_NC, _NPAD, _D), jnp.float32),
        mesh=mesh,
        scratch_types=[
            pltpu.VMEM((_C,), jnp.int32),
            pltpu.VMEM((_C,), jnp.int32),
            pltpu.VMEM((_C, _D), jnp.float32),
            pltpu.VMEM((_C, _D), jnp.float32),
            pltpu.VMEM_SHARED((_NPAD, _D), jnp.float32),
            pltpu.SemaphoreType.DMA,
        ],
    )
    return fn(h, src, dst, eemb_l)



def kernel(x, edge_index, edge_attr, batch, params):
    f32 = jnp.float32
    xp = jnp.pad(x, ((0, 0), (0, _D - _FIN)))
    w0p = jnp.pad(params['enc_W0'], ((0, _D - _FIN), (0, 0)))
    b0 = params['enc_b0'].reshape(1, _D)
    b1 = params['enc_b1'].reshape(1, _D)

    src = edge_index[0]
    dst = edge_index[1]
    pad_e = _EPAD - _E
    src_p = jnp.pad(src, (0, pad_e))
    dst_p = jnp.pad(dst, (0, pad_e), constant_values=_N)
    eap = jnp.pad(edge_attr, ((0, pad_e), (0, 16 - _FE)))

    wb = jnp.stack([jnp.pad(params['bond_W%d' % l], ((0, 16 - _FE), (0, 0)))
                    for l in range(_L)])
    bb = jnp.stack([params['bond_b%d' % l].reshape(1, _D) for l in range(_L)])

    h = _encoder(xp, w0p, b0, params['enc_W1'], b1)
    eemb = _eemb(eap, wb, bb, 4096)

    for l in range(_L):
        aggr = _sc_message_pass(h, src_p, dst_p, eemb[l])
        h = _node_mlp(
            h, aggr,
            params['eps%d' % l].reshape(1, 1),
            params['mlpA_W%d' % l], params['mlpA_b%d' % l].reshape(1, 2 * _D),
            params['mlpB_W%d' % l], params['mlpB_b%d' % l].reshape(1, _D),
            last=(l == _L - 1))
    return h

# --- scband reference (transcript-rebuilt; emitter-appended) ---
"""Pipeline reference for scband-gnn-node-41807211660017 (READ-ONLY COPY).

The authoritative reference and input builder live on the scoring server;
editing this copy changes nothing except your own understanding.
"""

import jax, jax.numpy as jnp
import numpy as np

N = 10000
E = 640000
D = 128
FIN = 39
FE = 10
L = 3


def setup_inputs(seed: int = 0) -> dict:
    key = jax.random.key(seed)
    ks = jax.random.split(key, 64)
    ctr = iter(range(64))

    def nrm(shape, scale=0.05):
        return jax.random.normal(ks[next(ctr)], shape, dtype=jnp.float32) * scale

    x = jax.random.normal(ks[next(ctr)], (N, FIN), dtype=jnp.float32)
    edge_index = jax.random.randint(ks[next(ctr)], (2, E), 0, N, dtype=jnp.int32)
    edge_attr = jax.random.normal(ks[next(ctr)], (E, FE), dtype=jnp.float32)
    batch = jnp.zeros((N,), dtype=jnp.int32)

    params = {
        'enc_W0': nrm((FIN, D)), 'enc_b0': jnp.zeros((D,), jnp.float32),
        'enc_W1': nrm((D, D)), 'enc_b1': jnp.zeros((D,), jnp.float32),
    }
    for l in range(L):
        params['bond_W%d' % l] = nrm((FE, D))
        params['bond_b%d' % l] = jnp.zeros((D,), jnp.float32)
        params['mlpA_W%d' % l] = nrm((D, 2 * D))
        params['mlpA_b%d' % l] = jnp.zeros((2 * D,), jnp.float32)
        params['mlpB_W%d' % l] = nrm((2 * D, D))
        params['mlpB_b%d' % l] = jnp.zeros((D,), jnp.float32)
        params['eps%d' % l] = jnp.zeros((), jnp.float32)
    return {'x': x, 'edge_index': edge_index, 'edge_attr': edge_attr, 'batch': batch, 'params': params}


def _bn(h):
    # BatchNorm1d in training mode with default affine init (gamma=1, beta=0);
    # torch normalizes with biased batch variance.
    m = jnp.mean(h, axis=0)
    v = jnp.var(h, axis=0)
    return (h - m) / jnp.sqrt(v + 1e-5)


def _forward(x, edge_attr, params, edge_index):
    # atom_encoder: MLP(num_layers=2): Linear(39,D) -> BN -> ReLU -> Linear(D,D)
    h = x @ params['enc_W0'] + params['enc_b0']
    h = jax.nn.relu(_bn(h))
    h = h @ params['enc_W1'] + params['enc_b1']

    src = edge_index[0]
    dst = edge_index[1]
    for l in range(L):
        # bond_encoder: MLP(num_layers=1) = Linear(10, D)
        eemb = edge_attr @ params['bond_W%d' % l] + params['bond_b%d' % l]
        # GINConv: message = relu(x_j + edge_attr); aggr='add' at dst
        msg = jax.nn.relu(h[src] + eemb)
        aggr = jnp.zeros_like(h).at[dst].add(msg)
        z = (1.0 + params['eps%d' % l]) * h + aggr
        # GIN mlp: Linear(D,2D) -> BN -> ReLU -> Linear(2D,D)
        z = z @ params['mlpA_W%d' % l] + params['mlpA_b%d' % l]
        z = jax.nn.relu(_bn(z))
        z = z @ params['mlpB_W%d' % l] + params['mlpB_b%d' % l]
        # outer per-layer batch norm
        z = _bn(z)
        # dropout with drop_ratio=0.0 is identity; relu on all but last layer
        if l < L - 1:
            z = jax.nn.relu(z)
        h = z
    # JK == 'last'
    return h


def reference(x, edge_index, edge_attr, batch, params):
    return _forward(x, edge_attr, params, edge_index)

if __name__ == "__main__":
    import jax
    _d = setup_inputs()
    print(jax.jit(kernel)(*tuple(_d.values())))

</pallas_src>

<mosaic_0001>
#map = affine_map<(d0, d1) -> (0, 0)>
#map1 = affine_map<(d0, d1) -> (0)>
#map2 = affine_map<(d0, d1) -> (0, 0, 0)>
module attributes {stable_mosaic.version = 14 : i64} {
  func.func @_sc_body(%arg0: i32, %arg1: i32, %arg2: memref<10000x128xf32, #tpu.memory_space<hbm>>, %arg3: memref<643072xi32, #tpu.memory_space<hbm>>, %arg4: memref<643072xi32, #tpu.memory_space<hbm>>, %arg5: memref<643072x128xf32, #tpu.memory_space<hbm>>, %arg6: memref<2x10112x128xf32, #tpu.memory_space<hbm>>, %arg7: memref<128xi32, #tpu.memory_space<vmem>>, %arg8: memref<128xi32, #tpu.memory_space<vmem>>, %arg9: memref<128x128xf32, #tpu.memory_space<vmem>>, %arg10: memref<128x128xf32, #tpu.memory_space<vmem>>, %arg11: memref<10112x128xf32, #tpu.memory_space<vmem_shared>>, %arg12: memref<!tpu.dma_semaphore, #tpu.memory_space<semaphore_mem>>) attributes {dimension_semantics = [#tpu.dimension_semantics<core_parallel>, #tpu.dimension_semantics<subcore_parallel>], iteration_bounds = array<i64: 2, 16>, scalar_prefetch = 0 : i64, scratch_operands = 6 : i64, tpu.core_type = #tpu.core_type<sc_vector_subcore>, window_params = [{transform_indices = #map}, {transform_indices = #map1}, {transform_indices = #map1}, {transform_indices = #map}, {transform_indices = #map2}]} {
    %mul3A = arith.constant 16 : i32
    %mul3A_0 = arith.muli %arg0, %mul3A : i32
    %add3A = arith.addi %mul3A_0, %arg1 : i32
    %broadcast_in_dim3A = arith.constant 0.000000e+00 : f32
    %broadcast_in_dim3A_1 = vector.broadcast %broadcast_in_dim3A : f32 to vector<16xf32>
    %scan3A = arith.constant 0 : i32
    %scan3A_2 = arith.constant 0 : i32
    %scan3A_3 = arith.constant 128 : i32
    %scan3A_4 = arith.addi %scan3A_2, %scan3A_3 : i32
    %scan3A_5 = arith.constant 1 : i32
    scf.for %scan3A_48 = %scan3A_2 to %scan3A_4 step %scan3A_5  : i32 {
      %swap3A = arith.index_cast %scan3A_48 : i32 to index
      %swap3A_49 = arith.constant 0 : index
      %swap3A_50 = tpu.vector_load %arg9[%swap3A, %swap3A_49] {strides = array<i32>} : memref<128x128xf32, #tpu.memory_space<vmem>>, vector<1x16xf32>,
      %swap3A_51 = vector.shape_cast %swap3A_50 : vector<1x16xf32> to vector<16xf32>
      %swap3A_52 = vector.shape_cast %broadcast_in_dim3A_1 : vector<16xf32> to vector<1x16xf32>
      tpu.vector_store %arg9[%swap3A, %swap3A_49], %swap3A_52 {strides = array<i32>} : memref<128x128xf32, #tpu.memory_space<vmem>>, vector<1x16xf32>,
      %swap3A_53 = arith.index_cast %scan3A_48 : i32 to index
      %swap3A_54 = arith.constant 16 : index
      %swap3A_55 = tpu.vector_load %arg9[%swap3A_53, %swap3A_54] {strides = array<i32>} : memref<128x128xf32, #tpu.memory_space<vmem>>, vector<1x16xf32>,
      %swap3A_56 = vector.shape_cast %swap3A_55 : vector<1x16xf32> to vector<16xf32>
      %swap3A_57 = vector.shape_cast %broadcast_in_dim3A_1 : vector<16xf32> to vector<1x16xf32>
      tpu.vector_store %arg9[%swap3A_53, %swap3A_54], %swap3A_57 {strides = array<i32>} : memref<128x128xf32, #tpu.memory_space<vmem>>, vector<1x16xf32>,
      %swap3A_58 = arith.index_cast %scan3A_48 : i32 to index
      %swap3A_59 = arith.constant 32 : index
      %swap3A_60 = tpu.vector_load %arg9[%swap3A_58, %swap3A_59] {strides = array<i32>} : memref<128x128xf32, #tpu.memory_space<vmem>>, vector<1x16xf32>,
      %swap3A_61 = vector.shape_cast %swap3A_60 : vector<1x16xf32> to vector<16xf32>
      %swap3A_62 = vector.shape_cast %broadcast_in_dim3A_1 : vector<16xf32> to vector<1x16xf32>
      tpu.vector_store %arg9[%swap3A_58, %swap3A_59], %swap3A_62 {strides = array<i32>} : memref<128x128xf32, #tpu.memory_space<vmem>>, vector<1x16xf32>,
      %swap3A_63 = arith.index_cast %scan3A_48 : i32 to index
      %swap3A_64 = arith.constant 48 : index
      %swap3A_65 = tpu.vector_load %arg9[%swap3A_63, %swap3A_64] {strides = array<i32>} : memref<128x128xf32, #tpu.memory_space<vmem>>, vector<1x16xf32>,
      %swap3A_66 = vector.shape_cast %swap3A_65 : vector<1x16xf32> to vector<16xf32>
      %swap3A_67 = vector.shape_cast %broadcast_in_dim3A_1 : vector<16xf32> to vector<1x16xf32>
      tpu.vector_store %arg9[%swap3A_63, %swap3A_64], %swap3A_67 {strides = array<i32>} : memref<128x128xf32, #tpu.memory_space<vmem>>, vector<1x16xf32>,
      %swap3A_68 = arith.index_cast %scan3A_48 : i32 to index
      %swap3A_69 = arith.constant 64 : index
      %swap3A_70 = tpu.vector_load %arg9[%swap3A_68, %swap3A_69] {strides = array<i32>} : memref<128x128xf32, #tpu.memory_space<vmem>>, vector<1x16xf32>,
      %swap3A_71 = vector.shape_cast %swap3A_70 : vector<1x16xf32> to vector<16xf32>
      %swap3A_72 = vector.shape_cast %broadcast_in_dim3A_1 : vector<16xf32> to vector<1x16xf32>
      tpu.vector_store %arg9[%swap3A_68, %swap3A_69], %swap3A_72 {strides = array<i32>} : memref<128x128xf32, #tpu.memory_space<vmem>>, vector<1x16xf32>,
      %swap3A_73 = arith.index_cast %scan3A_48 : i32 to index
      %swap3A_74 = arith.constant 80 : index
      %swap3A_75 = tpu.vector_load %arg9[%swap3A_73, %swap3A_74] {strides = array<i32>} : memref<128x128xf32, #tpu.memory_space<vmem>>, vector<1x16xf32>,
      %swap3A_76 = vector.shape_cast %swap3A_75 : vector<1x16xf32> to vector<16xf32>
      %swap3A_77 = vector.shape_cast %broadcast_in_dim3A_1 : vector<16xf32> to vector<1x16xf32>
      tpu.vector_store %arg9[%swap3A_73, %swap3A_74], %swap3A_77 {strides = array<i32>} : memref<128x128xf32, #tpu.memory_space<vmem>>, vector<1x16xf32>,
      %swap3A_78 = arith.index_cast %scan3A_48 : i32 to index
      %swap3A_79 = arith.constant 96 : index
      %swap3A_80 = tpu.vector_load %arg9[%swap3A_78, %swap3A_79] {strides = array<i32>} : memref<128x128xf32, #tpu.memory_space<vmem>>, vector<1x16xf32>,
      %swap3A_81 = vector.shape_cast %swap3A_80 : vector<1x16xf32> to vector<16xf32>
      %swap3A_82 = vector.shape_cast %broadcast_in_dim3A_1 : vector<16xf32> to vector<1x16xf32>
      tpu.vector_store %arg9[%swap3A_78, %swap3A_79], %swap3A_82 {strides = array<i32>} : memref<128x128xf32, #tpu.memory_space<vmem>>, vector<1x16xf32>,
      %swap3A_83 = arith.index_cast %scan3A_48 : i32 to index
      %swap3A_84 = arith.constant 112 : index
      %swap3A_85 = tpu.vector_load %arg9[%swap3A_83, %swap3A_84] {strides = array<i32>} : memref<128x128xf32, #tpu.memory_space<vmem>>, vector<1x16xf32>,
      %swap3A_86 = vector.shape_cast %swap3A_85 : vector<1x16xf32> to vector<16xf32>
      %swap3A_87 = vector.shape_cast %broadcast_in_dim3A_1 : vector<16xf32> to vector<1x16xf32>
      tpu.vector_store %arg9[%swap3A_83, %swap3A_84], %swap3A_87 {strides = array<i32>} : memref<128x128xf32, #tpu.memory_space<vmem>>, vector<1x16xf32>,
    }
    %scan3A_6 = arith.constant 128 : i32
    %mul3A_7 = arith.constant 632 : i32
    %mul3A_8 = arith.muli %arg1, %mul3A_7 : i32
    %add3A_9 = arith.constant 0 : i32
    %add3A_10 = arith.addi %mul3A_8, %add3A_9 : i32
    "tpu.region"() ({
      %run_scoped3A = tpu.sem_alloc : memref<!tpu.dma_semaphore, #tpu.memory_space<semaphore_mem>>
      %dma_start3A = arith.constant 0 : i32
      %dma_start3A_48 = arith.constant 0 : i32
      %dma_start3A_49 = tpu.memref_slice %arg9[%dma_start3A, %dma_start3A_48] : memref<128x128xf32, #tpu.memory_space<vmem>> -> memref<128x128xf32, #tpu.memory_space<vmem>>
      %dma_start3A_50 = arith.constant 0 : i32
      %dma_start3A_51 = tpu.memref_slice %arg11[%add3A_10, %dma_start3A_50] : memref<10112x128xf32, #tpu.memory_space<vmem_shared>> -> memref<128x128xf32, #tpu.memory_space<vmem_shared>>
      %dma_start3A_52 = arith.constant 0 : i32
      %dma_start3A_53 = tpu.memref_slice %arg11[%add3A_10, %dma_start3A_52] : memref<10112x128xf32, #tpu.memory_space<vmem_shared>> -> memref<128x128xf32, #tpu.memory_space<vmem_shared>>
      %dma_start3A_54 = arith.constant 0 : i32
      %dma_start3A_55 = arith.constant 0 : i32
      %dma_start3A_56 = tpu.memref_slice %arg9[%dma_start3A_54, %dma_start3A_55] : memref<128x128xf32, #tpu.memory_space<vmem>> -> memref<128x128xf32, #tpu.memory_space<vmem>>
      tpu.enqueue_dma source(%dma_start3A_56 : memref<128x128xf32, #tpu.memory_space<vmem>>) target(%dma_start3A_53 : memref<128x128xf32, #tpu.memory_space<vmem_shared>>) target_semaphore(%run_scoped3A : memref<!tpu.dma_semaphore, #tpu.memory_space<semaphore_mem>>)
      %dma_wait3A = arith.constant 0 : i32
      %dma_wait3A_57 = arith.constant 0 : i32
      %dma_wait3A_58 = tpu.memref_slice %arg9[%dma_wait3A, %dma_wait3A_57] : memref<128x128xf32, #tpu.memory_space<vmem>> -> memref<128x128xf32, #tpu.memory_space<vmem>>
      %dma_wait3A_59 = arith.constant 0 : i32
      %dma_wait3A_60 = tpu.memref_slice %arg11[%add3A_10, %dma_wait3A_59] : memref<10112x128xf32, #tpu.memory_space<vmem_shared>> -> memref<128x128xf32, #tpu.memory_space<vmem_shared>>
      %dma_wait3A_61 = arith.constant 0 : i32
      %dma_wait3A_62 = tpu.memref_slice %arg11[%add3A_10, %dma_wait3A_61] : memref<10112x128xf32, #tpu.memory_space<vmem_shared>> -> memref<128x128xf32, #tpu.memory_space<vmem_shared>>
      %dma_wait3A_63 = arith.constant 0 : i32
      %dma_wait3A_64 = arith.constant 0 : i32
      %dma_wait3A_65 = tpu.memref_slice %arg9[%dma_wait3A_63, %dma_wait3A_64] : memref<128x128xf32, #tpu.memory_space<vmem>> -> memref<128x128xf32, #tpu.memory_space<vmem>>
      tpu.wait_dma2 semaphore(%run_scoped3A : memref<!tpu.dma_semaphore, #tpu.memory_space<semaphore_mem>>) src(%dma_wait3A_65 : memref<128x128xf32, #tpu.memory_space<vmem>>) dst(%dma_wait3A_62 : memref<128x128xf32, #tpu.memory_space<vmem_shared>>)
      tpu.yield
    }) : () -> ()
    %add3A_11 = arith.constant 128 : i32
    %add3A_12 = arith.addi %mul3A_8, %add3A_11 : i32
    "tpu.region"() ({
      %run_scoped3A = tpu.sem_alloc : memref<!tpu.dma_semaphore, #tpu.memory_space<semaphore_mem>>
      %dma_start3A = arith.constant 0 : i32
      %dma_start3A_48 = arith.constant 0 : i32
      %dma_start3A_49 = tpu.memref_slice %arg9[%dma_start3A, %dma_start3A_48] : memref<128x128xf32, #tpu.memory_space<vmem>> -> memref<128x128xf32, #tpu.memory_space<vmem>>
      %dma_start3A_50 = arith.constant 0 : i32
      %dma_start3A_51 = tpu.memref_slice %arg11[%add3A_12, %dma_start3A_50] : memref<10112x128xf32, #tpu.memory_space<vmem_shared>> -> memref<128x128xf32, #tpu.memory_space<vmem_shared>>
      %dma_start3A_52 = arith.constant 0 : i32
      %dma_start3A_53 = tpu.memref_slice %arg11[%add3A_12, %dma_start3A_52] : memref<10112x128xf32, #tpu.memory_space<vmem_shared>> -> memref<128x128xf32, #tpu.memory_space<vmem_shared>>
      %dma_start3A_54 = arith.constant 0 : i32
      %dma_start3A_55 = arith.constant 0 : i32
      %dma_start3A_56 = tpu.memref_slice %arg9[%dma_start3A_54, %dma_start3A_55] : memref<128x128xf32, #tpu.memory_space<vmem>> -> memref<128x128xf32, #tpu.memory_space<vmem>>
      tpu.enqueue_dma source(%dma_start3A_56 : memref<128x128xf32, #tpu.memory_space<vmem>>) target(%dma_start3A_53 : memref<128x128xf32, #tpu.memory_space<vmem_shared>>) target_semaphore(%run_scoped3A : memref<!tpu.dma_semaphore, #tpu.memory_space<semaphore_mem>>)
      %dma_wait3A = arith.constant 0 : i32
      %dma_wait3A_57 = arith.constant 0 : i32
      %dma_wait3A_58 = tpu.memref_slice %arg9[%dma_wait3A, %dma_wait3A_57] : memref<128x128xf32, #tpu.memory_space<vmem>> -> memref<128x128xf32, #tpu.memory_space<vmem>>
      %dma_wait3A_59 = arith.constant 0 : i32
      %dma_wait3A_60 = tpu.memref_slice %arg11[%add3A_12, %dma_wait3A_59] : memref<10112x128xf32, #tpu.memory_space<vmem_shared>> -> memref<128x128xf32, #tpu.memory_space<vmem_shared>>
      %dma_wait3A_61 = arith.constant 0 : i32
      %dma_wait3A_62 = tpu.memref_slice %arg11[%add3A_12, %dma_wait3A_61] : memref<10112x128xf32, #tpu.memory_space<vmem_shared>> -> memref<128x128xf32, #tpu.memory_space<vmem_shared>>
      %dma_wait3A_63 = arith.constant 0 : i32
      %dma_wait3A_64 = arith.constant 0 : i32
      %dma_wait3A_65 = tpu.memref_slice %arg9[%dma_wait3A_63, %dma_wait3A_64] : memref<128x128xf32, #tpu.memory_space<vmem>> -> memref<128x128xf32, #tpu.memory_space<vmem>>
      tpu.wait_dma2 semaphore(%run_scoped3A : memref<!tpu.dma_semaphore, #tpu.memory_space<semaphore_mem>>) src(%dma_wait3A_65 : memref<128x128xf32, #tpu.memory_space<vmem>>) dst(%dma_wait3A_62 : memref<128x128xf32, #tpu.memory_space<vmem_shared>>)
      tpu.yield
    }) : () -> ()
    %add3A_13 = arith.constant 256 : i32
    %add3A_14 = arith.addi %mul3A_8, %add3A_13 : i32
    "tpu.region"() ({
      %run_scoped3A = tpu.sem_alloc : memref<!tpu.dma_semaphore, #tpu.memory_space<semaphore_mem>>
      %dma_start3A = arith.constant 0 : i32
      %dma_start3A_48 = arith.constant 0 : i32
      %dma_start3A_49 = tpu.memref_slice %arg9[%dma_start3A, %dma_start3A_48] : memref<128x128xf32, #tpu.memory_space<vmem>> -> memref<128x128xf32, #tpu.memory_space<vmem>>
      %dma_start3A_50 = arith.constant 0 : i32
      %dma_start3A_51 = tpu.memref_slice %arg11[%add3A_14, %dma_start3A_50] : memref<10112x128xf32, #tpu.memory_space<vmem_shared>> -> memref<128x128xf32, #tpu.memory_space<vmem_shared>>
      %dma_start3A_52 = arith.constant 0 : i32
      %dma_start3A_53 = tpu.memref_slice %arg11[%add3A_14, %dma_start3A_52] : memref<10112x128xf32, #tpu.memory_space<vmem_shared>> -> memref<128x128xf32, #tpu.memory_space<vmem_shared>>
      %dma_start3A_54 = arith.constant 0 : i32
      %dma_start3A_55 = arith.constant 0 : i32
      %dma_start3A_56 = tpu.memref_slice %arg9[%dma_start3A_54, %dma_start3A_55] : memref<128x128xf32, #tpu.memory_space<vmem>> -> memref<128x128xf32, #tpu.memory_space<vmem>>
      tpu.enqueue_dma source(%dma_start3A_56 : memref<128x128xf32, #tpu.memory_space<vmem>>) target(%dma_start3A_53 : memref<128x128xf32, #tpu.memory_space<vmem_shared>>) target_semaphore(%run_scoped3A : memref<!tpu.dma_semaphore, #tpu.memory_space<semaphore_mem>>)
      %dma_wait3A = arith.constant 0 : i32
      %dma_wait3A_57 = arith.constant 0 : i32
      %dma_wait3A_58 = tpu.memref_slice %arg9[%dma_wait3A, %dma_wait3A_57] : memref<128x128xf32, #tpu.memory_space<vmem>> -> memref<128x128xf32, #tpu.memory_space<vmem>>
      %dma_wait3A_59 = arith.constant 0 : i32
      %dma_wait3A_60 = tpu.memref_slice %arg11[%add3A_14, %dma_wait3A_59] : memref<10112x128xf32, #tpu.memory_space<vmem_shared>> -> memref<128x128xf32, #tpu.memory_space<vmem_shared>>
      %dma_wait3A_61 = arith.constant 0 : i32
      %dma_wait3A_62 = tpu.memref_slice %arg11[%add3A_14, %dma_wait3A_61] : memref<10112x128xf32, #tpu.memory_space<vmem_shared>> -> memref<128x128xf32, #tpu.memory_space<vmem_shared>>
      %dma_wait3A_63 = arith.constant 0 : i32
      %dma_wait3A_64 = arith.constant 0 : i32
      %dma_wait3A_65 = tpu.memref_slice %arg9[%dma_wait3A_63, %dma_wait3A_64] : memref<128x128xf32, #tpu.memory_space<vmem>> -> memref<128x128xf32, #tpu.memory_space<vmem>>
      tpu.wait_dma2 semaphore(%run_scoped3A : memref<!tpu.dma_semaphore, #tpu.memory_space<semaphore_mem>>) src(%dma_wait3A_65 : memref<128x128xf32, #tpu.memory_space<vmem>>) dst(%dma_wait3A_62 : memref<128x128xf32, #tpu.memory_space<vmem_shared>>)
      tpu.yield
    }) : () -> ()
    %add3A_15 = arith.constant 384 : i32
    %add3A_16 = arith.addi %mul3A_8, %add3A_15 : i32
    "tpu.region"() ({
      %run_scoped3A = tpu.sem_alloc : memref<!tpu.dma_semaphore, #tpu.memory_space<semaphore_mem>>
      %dma_start3A = arith.constant 0 : i32
      %dma_start3A_48 = arith.constant 0 : i32
      %dma_start3A_49 = tpu.memref_slice %arg9[%dma_start3A, %dma_start3A_48] : memref<128x128xf32, #tpu.memory_space<vmem>> -> memref<128x128xf32, #tpu.memory_space<vmem>>
      %dma_start3A_50 = arith.constant 0 : i32
      %dma_start3A_51 = tpu.memref_slice %arg11[%add3A_16, %dma_start3A_50] : memref<10112x128xf32, #tpu.memory_space<vmem_shared>> -> memref<128x128xf32, #tpu.memory_space<vmem_shared>>
      %dma_start3A_52 = arith.constant 0 : i32
      %dma_start3A_53 = tpu.memref_slice %arg11[%add3A_16, %dma_start3A_52] : memref<10112x128xf32, #tpu.memory_space<vmem_shared>> -> memref<128x128xf32, #tpu.memory_space<vmem_shared>>
      %dma_start3A_54 = arith.constant 0 : i32
      %dma_start3A_55 = arith.constant 0 : i32
      %dma_start3A_56 = tpu.memref_slice %arg9[%dma_start3A_54, %dma_start3A_55] : memref<128x128xf32, #tpu.memory_space<vmem>> -> memref<128x128xf32, #tpu.memory_space<vmem>>
      tpu.enqueue_dma source(%dma_start3A_56 : memref<128x128xf32, #tpu.memory_space<vmem>>) target(%dma_start3A_53 : memref<128x128xf32, #tpu.memory_space<vmem_shared>>) target_semaphore(%run_scoped3A : memref<!tpu.dma_semaphore, #tpu.memory_space<semaphore_mem>>)
      %dma_wait3A = arith.constant 0 : i32
      %dma_wait3A_57 = arith.constant 0 : i32
      %dma_wait3A_58 = tpu.memref_slice %arg9[%dma_wait3A, %dma_wait3A_57] : memref<128x128xf32, #tpu.memory_space<vmem>> -> memref<128x128xf32, #tpu.memory_space<vmem>>
      %dma_wait3A_59 = arith.constant 0 : i32
      %dma_wait3A_60 = tpu.memref_slice %arg11[%add3A_16, %dma_wait3A_59] : memref<10112x128xf32, #tpu.memory_space<vmem_shared>> -> memref<128x128xf32, #tpu.memory_space<vmem_shared>>
      %dma_wait3A_61 = arith.constant 0 : i32
      %dma_wait3A_62 = tpu.memref_slice %arg11[%add3A_16, %dma_wait3A_61] : memref<10112x128xf32, #tpu.memory_space<vmem_shared>> -> memref<128x128xf32, #tpu.memory_space<vmem_shared>>
      %dma_wait3A_63 = arith.constant 0 : i32
      %dma_wait3A_64 = arith.constant 0 : i32
      %dma_wait3A_65 = tpu.memref_slice %arg9[%dma_wait3A_63, %dma_wait3A_64] : memref<128x128xf32, #tpu.memory_space<vmem>> -> memref<128x128xf32, #tpu.memory_space<vmem>>
      tpu.wait_dma2 semaphore(%run_scoped3A : memref<!tpu.dma_semaphore, #tpu.memory_space<semaphore_mem>>) src(%dma_wait3A_65 : memref<128x128xf32, #tpu.memory_space<vmem>>) dst(%dma_wait3A_62 : memref<128x128xf32, #tpu.memory_space<vmem_shared>>)
      tpu.yield
    }) : () -> ()
    %add3A_17 = arith.constant 512 : i32
    %add3A_18 = arith.addi %mul3A_8, %add3A_17 : i32
    "tpu.region"() ({
      %run_scoped3A = tpu.sem_alloc : memref<!tpu.dma_semaphore, #tpu.memory_space<semaphore_mem>>
      %dma_start3A = arith.constant 0 : i32
      %dma_start3A_48 = arith.constant 0 : i32
      %dma_start3A_49 = tpu.memref_slice %arg9[%dma_start3A, %dma_start3A_48] : memref<128x128xf32, #tpu.memory_space<vmem>> -> memref<120x128xf32, #tpu.memory_space<vmem>>
      %dma_start3A_50 = arith.constant 0 : i32
      %dma_start3A_51 = tpu.memref_slice %arg11[%add3A_18, %dma_start3A_50] : memref<10112x128xf32, #tpu.memory_space<vmem_shared>> -> memref<120x128xf32, #tpu.memory_space<vmem_shared>>
      %dma_start3A_52 = arith.constant 0 : i32
      %dma_start3A_53 = tpu.memref_slice %arg11[%add3A_18, %dma_start3A_52] : memref<10112x128xf32, #tpu.memory_space<vmem_shared>> -> memref<120x128xf32, #tpu.memory_space<vmem_shared>>
      %dma_start3A_54 = arith.constant 0 : i32
      %dma_start3A_55 = arith.constant 0 : i32
      %dma_start3A_56 = tpu.memref_slice %arg9[%dma_start3A_54, %dma_start3A_55] : memref<128x128xf32, #tpu.memory_space<vmem>> -> memref<120x128xf32, #tpu.memory_space<vmem>>
      tpu.enqueue_dma source(%dma_start3A_56 : memref<120x128xf32, #tpu.memory_space<vmem>>) target(%dma_start3A_53 : memref<120x128xf32, #tpu.memory_space<vmem_shared>>) target_semaphore(%run_scoped3A : memref<!tpu.dma_semaphore, #tpu.memory_space<semaphore_mem>>)
      %dma_wait3A = arith.constant 0 : i32
      %dma_wait3A_57 = arith.constant 0 : i32
      %dma_wait3A_58 = tpu.memref_slice %arg9[%dma_wait3A, %dma_wait3A_57] : memref<128x128xf32, #tpu.memory_space<vmem>> -> memref<120x128xf32, #tpu.memory_space<vmem>>
      %dma_wait3A_59 = arith.constant 0 : i32
      %dma_wait3A_60 = tpu.memref_slice %arg11[%add3A_18, %dma_wait3A_59] : memref<10112x128xf32, #tpu.memory_space<vmem_shared>> -> memref<120x128xf32, #tpu.memory_space<vmem_shared>>
      %dma_wait3A_61 = arith.constant 0 : i32
      %dma_wait3A_62 = tpu.memref_slice %arg11[%add3A_18, %dma_wait3A_61] : memref<10112x128xf32, #tpu.memory_space<vmem_shared>> -> memref<120x128xf32, #tpu.memory_space<vmem_shared>>
      %dma_wait3A_63 = arith.constant 0 : i32
      %dma_wait3A_64 = arith.constant 0 : i32
      %dma_wait3A_65 = tpu.memref_slice %arg9[%dma_wait3A_63, %dma_wait3A_64] : memref<128x128xf32, #tpu.memory_space<vmem>> -> memref<120x128xf32, #tpu.memory_space<vmem>>
      tpu.wait_dma2 semaphore(%run_scoped3A : memref<!tpu.dma_semaphore, #tpu.memory_space<semaphore_mem>>) src(%dma_wait3A_65 : memref<120x128xf32, #tpu.memory_space<vmem>>) dst(%dma_wait3A_62 : memref<120x128xf32, #tpu.memory_space<vmem_shared>>)
      tpu.yield
    }) : () -> ()
    %barrier3A = arith.constant 0 : index
    tpu.barrier barrier_id(%barrier3A)
    %mul3A_19 = arith.constant 20096 : i32
    %mul3A_20 = arith.muli %add3A, %mul3A_19 : i32
    %scan3A_21 = arith.constant 0 : i32
    %scan3A_22 = arith.constant 0 : i32
    %scan3A_23 = arith.constant 157 : i32
    %scan3A_24 = arith.addi %scan3A_22, %scan3A_23 : i32
    %scan3A_25 = arith.constant 1 : i32
    scf.for %scan3A_48 = %scan3A_22 to %scan3A_24 step %scan3A_25  : i32 {
      %mul3A_49 = arith.constant 128 : i32
      %mul3A_50 = arith.muli %scan3A_48, %mul3A_49 : i32
      %add3A_51 = arith.addi %mul3A_20, %mul3A_50 : i32
      "tpu.region"() ({
        %run_scoped3A = tpu.sem_alloc : memref<!tpu.dma_semaphore, #tpu.memory_space<semaphore_mem>>
        %dma_start3A_62 = tpu.memref_slice %arg3[%add3A_51] : memref<643072xi32, #tpu.memory_space<hbm>> -> memref<128xi32, #tpu.memory_space<hbm>>
        %dma_start3A_63 = tpu.memref_slice %arg3[%add3A_51] : memref<643072xi32, #tpu.memory_space<hbm>> -> memref<128xi32, #tpu.memory_space<hbm>>
        tpu.enqueue_dma source(%dma_start3A_63 : memref<128xi32, #tpu.memory_space<hbm>>) target(%arg7 : memref<128xi32, #tpu.memory_space<vmem>>) target_semaphore(%run_scoped3A : memref<!tpu.dma_semaphore, #tpu.memory_space<semaphore_mem>>)
        %dma_wait3A_64 = tpu.memref_slice %arg3[%add3A_51] : memref<643072xi32, #tpu.memory_space<hbm>> -> memref<128xi32, #tpu.memory_space<hbm>>
        %dma_wait3A_65 = tpu.memref_slice %arg3[%add3A_51] : memref<643072xi32, #tpu.memory_space<hbm>> -> memref<128xi32, #tpu.memory_space<hbm>>
        tpu.wait_dma2 semaphore(%run_scoped3A : memref<!tpu.dma_semaphore, #tpu.memory_space<semaphore_mem>>) src(%dma_wait3A_65 : memref<128xi32, #tpu.memory_space<hbm>>) dst(%arg7 : memref<128xi32, #tpu.memory_space<vmem>>)
        tpu.yield
      }) : () -> ()
      "tpu.region"() ({
        %run_scoped3A = tpu.sem_alloc : memref<!tpu.dma_semaphore, #tpu.memory_space<semaphore_mem>>
        %dma_start3A_62 = tpu.memref_slice %arg4[%add3A_51] : memref<643072xi32, #tpu.memory_space<hbm>> -> memref<128xi32, #tpu.memory_space<hbm>>
        %dma_start3A_63 = tpu.memref_slice %arg4[%add3A_51] : memref<643072xi32, #tpu.memory_space<hbm>> -> memref<128xi32, #tpu.memory_space<hbm>>
        tpu.enqueue_dma source(%dma_start3A_63 : memref<128xi32, #tpu.memory_space<hbm>>) target(%arg8 : memref<128xi32, #tpu.memory_space<vmem>>) target_semaphore(%run_scoped3A : memref<!tpu.dma_semaphore, #tpu.memory_space<semaphore_mem>>)
        %dma_wait3A_64 = tpu.memref_slice %arg4[%add3A_51] : memref<643072xi32, #tpu.memory_space<hbm>> -> memref<128xi32, #tpu.memory_space<hbm>>
        %dma_wait3A_65 = tpu.memref_slice %arg4[%add3A_51] : memref<643072xi32, #tpu.memory_space<hbm>> -> memref<128xi32, #tpu.memory_space<hbm>>
        tpu.wait_dma2 semaphore(%run_scoped3A : memref<!tpu.dma_semaphore, #tpu.memory_space<semaphore_mem>>) src(%dma_wait3A_65 : memref<128xi32, #tpu.memory_space<hbm>>) dst(%arg8 : memref<128xi32, #tpu.memory_space<vmem>>)
        tpu.yield
      }) : () -> ()
      "tpu.region"() ({
        %run_scoped3A = tpu.sem_alloc : memref<!tpu.dma_semaphore, #tpu.memory_space<semaphore_mem>>
        %dma_start3A_62 = arith.constant 0 : i32
        %dma_start3A_63 = tpu.memref_slice %arg5[%add3A_51, %dma_start3A_62] : memref<643072x128xf32, #tpu.memory_space<hbm>> -> memref<128x128xf32, #tpu.memory_space<hbm>>
        %dma_start3A_64 = arith.constant 0 : i32
        %dma_start3A_65 = tpu.memref_slice %arg5[%add3A_51, %dma_start3A_64] : memref<643072x128xf32, #tpu.memory_space<hbm>> -> memref<128x128xf32, #tpu.memory_space<hbm>>
        tpu.enqueue_dma source(%dma_start3A_65 : memref<128x128xf32, #tpu.memory_space<hbm>>) target(%arg9 : memref<128x128xf32, #tpu.memory_space<vmem>>) target_semaphore(%run_scoped3A : memref<!tpu.dma_semaphore, #tpu.memory_space<semaphore_mem>>)
        %dma_wait3A_66 = arith.constant 0 : i32
        %dma_wait3A_67 = tpu.memref_slice %arg5[%add3A_51, %dma_wait3A_66] : memref<643072x128xf32, #tpu.memory_space<hbm>> -> memref<128x128xf32, #tpu.memory_space<hbm>>
        %dma_wait3A_68 = arith.constant 0 : i32
        %dma_wait3A_69 = tpu.memref_slice %arg5[%add3A_51, %dma_wait3A_68] : memref<643072x128xf32, #tpu.memory_space<hbm>> -> memref<128x128xf32, #tpu.memory_space<hbm>>
        tpu.wait_dma2 semaphore(%run_scoped3A : memref<!tpu.dma_semaphore, #tpu.memory_space<semaphore_mem>>) src(%dma_wait3A_69 : memref<128x128xf32, #tpu.memory_space<hbm>>) dst(%arg9 : memref<128x128xf32, #tpu.memory_space<vmem>>)
        tpu.yield
      }) : () -> ()
      %dma_start3A = arith.constant 0 : i32
      %dma_start3A_52 = arith.constant 0 : i32
      %dma_start3A_53 = tpu.memref_slice %arg2[%dma_start3A, %dma_start3A_52] : memref<10000x128xf32, #tpu.memory_space<hbm>> -> memref<10000x128xf32, #tpu.memory_space<hbm>>
      tpu.enqueue_indirect_dma source(%dma_start3A_53 : memref<10000x128xf32, #tpu.memory_space<hbm>>) target(%arg10 : memref<128x128xf32, #tpu.memory_space<vmem>>) offsets(%arg7 : memref<128xi32, #tpu.memory_space<vmem>>) semaphore(%arg12 : memref<!tpu.dma_semaphore, #tpu.memory_space<semaphore_mem>>)
      %dma_wait3A = arith.constant 0 : i32
      %dma_wait3A_54 = arith.constant 0 : i32
      %dma_wait3A_55 = tpu.memref_slice %arg2[%dma_wait3A, %dma_wait3A_54] : memref<10000x128xf32, #tpu.memory_space<hbm>> -> memref<10000x128xf32, #tpu.memory_space<hbm>>
      tpu.wait_indirect_dma semaphore(%arg12 : memref<!tpu.dma_semaphore, #tpu.memory_space<semaphore_mem>>) src(%dma_wait3A_55 : memref<10000x128xf32, #tpu.memory_space<hbm>>) dst(%arg10 : memref<128x128xf32, #tpu.memory_space<vmem>>)
      %scan3A_56 = arith.constant 0 : i32
      %scan3A_57 = arith.constant 0 : i32
      %scan3A_58 = arith.constant 128 : i32
      %scan3A_59 = arith.addi %scan3A_57, %scan3A_58 : i32
      %scan3A_60 = arith.constant 1 : i32
      scf.for %scan3A_62 = %scan3A_57 to %scan3A_59 step %scan3A_60  : i32 {
        %get3A = arith.index_cast %scan3A_62 : i32 to index
        %get3A_63 = arith.constant 0 : index
        %get3A_64 = tpu.vector_load %arg9[%get3A, %get3A_63] {strides = array<i32>} : memref<128x128xf32, #tpu.memory_space<vmem>>, vector<1x16xf32>,
        %get3A_65 = vector.shape_cast %get3A_64 : vector<1x16xf32> to vector<16xf32>
        %get3A_66 = arith.index_cast %scan3A_62 : i32 to index
        %get3A_67 = arith.constant 0 : index
        %get3A_68 = tpu.vector_load %arg10[%get3A_66, %get3A_67] {strides = array<i32>} : memref<128x128xf32, #tpu.memory_space<vmem>>, vector<1x16xf32>,
        %get3A_69 = vector.shape_cast %get3A_68 : vector<1x16xf32> to vector<16xf32>
        %add3A_70 = arith.addf %get3A_65, %get3A_69 : vector<16xf32>
        %max3A = arith.constant 0.000000e+00 : f32
        %max3A_71 = vector.broadcast %max3A : f32 to vector<16xf32>
        %max3A_72 = arith.maximumf %add3A_70, %max3A_71 : vector<16xf32>
        %swap3A = arith.index_cast %scan3A_62 : i32 to index
        %swap3A_73 = arith.constant 0 : index
        %swap3A_74 = tpu.vector_load %arg9[%swap3A, %swap3A_73] {strides = array<i32>} : memref<128x128xf32, #tpu.memory_space<vmem>>, vector<1x16xf32>,
        %swap3A_75 = vector.shape_cast %swap3A_74 : vector<1x16xf32> to vector<16xf32>
        %swap3A_76 = vector.shape_cast %max3A_72 : vector<16xf32> to vector<1x16xf32>
        tpu.vector_store %arg9[%swap3A, %swap3A_73], %swap3A_76 {strides = array<i32>} : memref<128x128xf32, #tpu.memory_space<vmem>>, vector<1x16xf32>,
        %get3A_77 = arith.index_cast %scan3A_62 : i32 to index
        %get3A_78 = arith.constant 16 : index
        %get3A_79 = tpu.vector_load %arg9[%get3A_77, %get3A_78] {strides = array<i32>} : memref<128x128xf32, #tpu.memory_space<vmem>>, vector<1x16xf32>,
        %get3A_80 = vector.shape_cast %get3A_79 : vector<1x16xf32> to vector<16xf32>
        %get3A_81 = arith.index_cast %scan3A_62 : i32 to index
        %get3A_82 = arith.constant 16 : index
        %get3A_83 = tpu.vector_load %arg10[%get3A_81, %get3A_82] {strides = array<i32>} : memref<128x128xf32, #tpu.memory_space<vmem>>, vector<1x16xf32>,
        %get3A_84 = vector.shape_cast %get3A_83 : vector<1x16xf32> to vector<16xf32>
        %add3A_85 = arith.addf %get3A_80, %get3A_84 : vector<16xf32>
        %max3A_86 = arith.constant 0.000000e+00 : f32
        %max3A_87 = vector.broadcast %max3A_86 : f32 to vector<16xf32>
        %max3A_88 = arith.maximumf %add3A_85, %max3A_87 : vector<16xf32>
        %swap3A_89 = arith.index_cast %scan3A_62 : i32 to index
        %swap3A_90 = arith.constant 16 : index
        %swap3A_91 = tpu.vector_load %arg9[%swap3A_89, %swap3A_90] {strides = array<i32>} : memref<128x128xf32, #tpu.memory_space<vmem>>, vector<1x16xf32>,
        %swap3A_92 = vector.shape_cast %swap3A_91 : vector<1x16xf32> to vector<16xf32>
        %swap3A_93 = vector.shape_cast %max3A_88 : vector<16xf32> to vector<1x16xf32>
        tpu.vector_store %arg9[%swap3A_89, %swap3A_90], %swap3A_93 {strides = array<i32>} : memref<128x128xf32, #tpu.memory_space<vmem>>, vector<1x16xf32>,
        %get3A_94 = arith.index_cast %scan3A_62 : i32 to index
        %get3A_95 = arith.constant 32 : index
        %get3A_96 = tpu.vector_load %arg9[%get3A_94, %get3A_95] {strides = array<i32>} : memref<128x128xf32, #tpu.memory_space<vmem>>, vector<1x16xf32>,
        %get3A_97 = vector.shape_cast %get3A_96 : vector<1x16xf32> to vector<16xf32>
        %get3A_98 = arith.index_cast %scan3A_62 : i32 to index
        %get3A_99 = arith.constant 32 : index
        %get3A_100 = tpu.vector_load %arg10[%get3A_98, %get3A_99] {strides = array<i32>} : memref<128x128xf32, #tpu.memory_space<vmem>>, vector<1x16xf32>,
        %get3A_101 = vector.shape_cast %get3A_100 : vector<1x16xf32> to vector<16xf32>
        %add3A_102 = arith.addf %get3A_97, %get3A_101 : vector<16xf32>
        %max3A_103 = arith.constant 0.000000e+00 : f32
        %max3A_104 = vector.broadcast %max3A_103 : f32 to vector<16xf32>
        %max3A_105 = arith.maximumf %add3A_102, %max3A_104 : vector<16xf32>
        %swap3A_106 = arith.index_cast %scan3A_62 : i32 to index
        %swap3A_107 = arith.constant 32 : index
        %swap3A_108 = tpu.vector_load %arg9[%swap3A_106, %swap3A_107] {strides = array<i32>} : memref<128x128xf32, #tpu.memory_space<vmem>>, vector<1x16xf32>,
        %swap3A_109 = vector.shape_cast %swap3A_108 : vector<1x16xf32> to vector<16xf32>
        %swap3A_110 = vector.shape_cast %max3A_105 : vector<16xf32> to vector<1x16xf32>
        tpu.vector_store %arg9[%swap3A_106, %swap3A_107], %swap3A_110 {strides = array<i32>} : memref<128x128xf32, #tpu.memory_space<vmem>>, vector<1x16xf32>,
        %get3A_111 = arith.index_cast %scan3A_62 : i32 to index
        %get3A_112 = arith.constant 48 : index
        %get3A_113 = tpu.vector_load %arg9[%get3A_111, %get3A_112] {strides = array<i32>} : memref<128x128xf32, #tpu.memory_space<vmem>>, vector<1x16xf32>,
        %get3A_114 = vector.shape_cast %get3A_113 : vector<1x16xf32> to vector<16xf32>
        %get3A_115 = arith.index_cast %scan3A_62 : i32 to index
        %get3A_116 = arith.constant 48 : index
        %get3A_117 = tpu.vector_load %arg10[%get3A_115, %get3A_116] {strides = array<i32>} : memref<128x128xf32, #tpu.memory_space<vmem>>, vector<1x16xf32>,
        %get3A_118 = vector.shape_cast %get3A_117 : vector<1x16xf32> to vector<16xf32>
        %add3A_119 = arith.addf %get3A_114, %get3A_118 : vector<16xf32>
        %max3A_120 = arith.constant 0.000000e+00 : f32
        %max3A_121 = vector.broadcast %max3A_120 : f32 to vector<16xf32>
        %max3A_122 = arith.maximumf %add3A_119, %max3A_121 : vector<16xf32>
        %swap3A_123 = arith.index_cast %scan3A_62 : i32 to index
        %swap3A_124 = arith.constant 48 : index
        %swap3A_125 = tpu.vector_load %arg9[%swap3A_123, %swap3A_124] {strides = array<i32>} : memref<128x128xf32, #tpu.memory_space<vmem>>, vector<1x16xf32>,
        %swap3A_126 = vector.shape_cast %swap3A_125 : vector<1x16xf32> to vector<16xf32>
        %swap3A_127 = vector.shape_cast %max3A_122 : vector<16xf32> to vector<1x16xf32>
        tpu.vector_store %arg9[%swap3A_123, %swap3A_124], %swap3A_127 {strides = array<i32>} : memref<128x128xf32, #tpu.memory_space<vmem>>, vector<1x16xf32>,
        %get3A_128 = arith.index_cast %scan3A_62 : i32 to index
        %get3A_129 = arith.constant 64 : index
        %get3A_130 = tpu.vector_load %arg9[%get3A_128, %get3A_129] {strides = array<i32>} : memref<128x128xf32, #tpu.memory_space<vmem>>, vector<1x16xf32>,
        %get3A_131 = vector.shape_cast %get3A_130 : vector<1x16xf32> to vector<16xf32>
        %get3A_132 = arith.index_cast %scan3A_62 : i32 to index
        %get3A_133 = arith.constant 64 : index
        %get3A_134 = tpu.vector_load %arg10[%get3A_132, %get3A_133] {strides = array<i32>} : memref<128x128xf32, #tpu.memory_space<vmem>>, vector<1x16xf32>,
        %get3A_135 = vector.shape_cast %get3A_134 : vector<1x16xf32> to vector<16xf32>
        %add3A_136 = arith.addf %get3A_131, %get3A_135 : vector<16xf32>
        %max3A_137 = arith.constant 0.000000e+00 : f32
        %max3A_138 = vector.broadcast %max3A_137 : f32 to vector<16xf32>
        %max3A_139 = arith.maximumf %add3A_136, %max3A_138 : vector<16xf32>
        %swap3A_140 = arith.index_cast %scan3A_62 : i32 to index
        %swap3A_141 = arith.constant 64 : index
        %swap3A_142 = tpu.vector_load %arg9[%swap3A_140, %swap3A_141] {strides = array<i32>} : memref<128x128xf32, #tpu.memory_space<vmem>>, vector<1x16xf32>,
        %swap3A_143 = vector.shape_cast %swap3A_142 : vector<1x16xf32> to vector<16xf32>
        %swap3A_144 = vector.shape_cast %max3A_139 : vector<16xf32> to vector<1x16xf32>
        tpu.vector_store %arg9[%swap3A_140, %swap3A_141], %swap3A_144 {strides = array<i32>} : memref<128x128xf32, #tpu.memory_space<vmem>>, vector<1x16xf32>,
        %get3A_145 = arith.index_cast %scan3A_62 : i32 to index
        %get3A_146 = arith.constant 80 : index
        %get3A_147 = tpu.vector_load %arg9[%get3A_145, %get3A_146] {strides = array<i32>} : memref<128x128xf32, #tpu.memory_space<vmem>>, vector<1x16xf32>,
        %get3A_148 = vector.shape_cast %get3A_147 : vector<1x16xf32> to vector<16xf32>
        %get3A_149 = arith.index_cast %scan3A_62 : i32 to index
        %get3A_150 = arith.constant 80 : index
        %get3A_151 = tpu.vector_load %arg10[%get3A_149, %get3A_150] {strides = array<i32>} : memref<128x128xf32, #tpu.memory_space<vmem>>, vector<1x16xf32>,
        %get3A_152 = vector.shape_cast %get3A_151 : vector<1x16xf32> to vector<16xf32>
        %add3A_153 = arith.addf %get3A_148, %get3A_152 : vector<16xf32>
        %max3A_154 = arith.constant 0.000000e+00 : f32
        %max3A_155 = vector.broadcast %max3A_154 : f32 to vector<16xf32>
        %max3A_156 = arith.maximumf %add3A_153, %max3A_155 : vector<16xf32>
        %swap3A_157 = arith.index_cast %scan3A_62 : i32 to index
        %swap3A_158 = arith.constant 80 : index
        %swap3A_159 = tpu.vector_load %arg9[%swap3A_157, %swap3A_158] {strides = array<i32>} : memref<128x128xf32, #tpu.memory_space<vmem>>, vector<1x16xf32>,
        %swap3A_160 = vector.shape_cast %swap3A_159 : vector<1x16xf32> to vector<16xf32>
        %swap3A_161 = vector.shape_cast %max3A_156 : vector<16xf32> to vector<1x16xf32>
        tpu.vector_store %arg9[%swap3A_157, %swap3A_158], %swap3A_161 {strides = array<i32>} : memref<128x128xf32, #tpu.memory_space<vmem>>, vector<1x16xf32>,
        %get3A_162 = arith.index_cast %scan3A_62 : i32 to index
        %get3A_163 = arith.constant 96 : index
        %get3A_164 = tpu.vector_load %arg9[%get3A_162, %get3A_163] {strides = array<i32>} : memref<128x128xf32, #tpu.memory_space<vmem>>, vector<1x16xf32>,
        %get3A_165 = vector.shape_cast %get3A_164 : vector<1x16xf32> to vector<16xf32>
        %get3A_166 = arith.index_cast %scan3A_62 : i32 to index
        %get3A_167 = arith.constant 96 : index
        %get3A_168 = tpu.vector_load %arg10[%get3A_166, %get3A_167] {strides = array<i32>} : memref<128x128xf32, #tpu.memory_space<vmem>>, vector<1x16xf32>,
        %get3A_169 = vector.shape_cast %get3A_168 : vector<1x16xf32> to vector<16xf32>
        %add3A_170 = arith.addf %get3A_165, %get3A_169 : vector<16xf32>
        %max3A_171 = arith.constant 0.000000e+00 : f32
        %max3A_172 = vector.broadcast %max3A_171 : f32 to vector<16xf32>
        %max3A_173 = arith.maximumf %add3A_170, %max3A_172 : vector<16xf32>
        %swap3A_174 = arith.index_cast %scan3A_62 : i32 to index
        %swap3A_175 = arith.constant 96 : index
        %swap3A_176 = tpu.vector_load %arg9[%swap3A_174, %swap3A_175] {strides = array<i32>} : memref<128x128xf32, #tpu.memory_space<vmem>>, vector<1x16xf32>,
        %swap3A_177 = vector.shape_cast %swap3A_176 : vector<1x16xf32> to vector<16xf32>
        %swap3A_178 = vector.shape_cast %max3A_173 : vector<16xf32> to vector<1x16xf32>
        tpu.vector_store %arg9[%swap3A_174, %swap3A_175], %swap3A_178 {strides = array<i32>} : memref<128x128xf32, #tpu.memory_space<vmem>>, vector<1x16xf32>,
        %get3A_179 = arith.index_cast %scan3A_62 : i32 to index
        %get3A_180 = arith.constant 112 : index
        %get3A_181 = tpu.vector_load %arg9[%get3A_179, %get3A_180] {strides = array<i32>} : memref<128x128xf32, #tpu.memory_space<vmem>>, vector<1x16xf32>,
        %get3A_182 = vector.shape_cast %get3A_181 : vector<1x16xf32> to vector<16xf32>
        %get3A_183 = arith.index_cast %scan3A_62 : i32 to index
        %get3A_184 = arith.constant 112 : index
        %get3A_185 = tpu.vector_load %arg10[%get3A_183, %get3A_184] {strides = array<i32>} : memref<128x128xf32, #tpu.memory_space<vmem>>, vector<1x16xf32>,
        %get3A_186 = vector.shape_cast %get3A_185 : vector<1x16xf32> to vector<16xf32>
        %add3A_187 = arith.addf %get3A_182, %get3A_186 : vector<16xf32>
        %max3A_188 = arith.constant 0.000000e+00 : f32
        %max3A_189 = vector.broadcast %max3A_188 : f32 to vector<16xf32>
        %max3A_190 = arith.maximumf %add3A_187, %max3A_189 : vector<16xf32>
        %swap3A_191 = arith.index_cast %scan3A_62 : i32 to index
        %swap3A_192 = arith.constant 112 : index
        %swap3A_193 = tpu.vector_load %arg9[%swap3A_191, %swap3A_192] {strides = array<i32>} : memref<128x128xf32, #tpu.memory_space<vmem>>, vector<1x16xf32>,
        %swap3A_194 = vector.shape_cast %swap3A_193 : vector<1x16xf32> to vector<16xf32>
        %swap3A_195 = vector.shape_cast %max3A_190 : vector<16xf32> to vector<1x16xf32>
        tpu.vector_store %arg9[%swap3A_191, %swap3A_192], %swap3A_195 {strides = array<i32>} : memref<128x128xf32, #tpu.memory_space<vmem>>, vector<1x16xf32>,
      }
      %scan3A_61 = arith.constant 128 : i32
      "tpu.region"() ({
        %run_scoped3A = tpu.sem_alloc : memref<!tpu.dma_semaphore, #tpu.memory_space<semaphore_mem>>
        %dma_start3A_62 = arith.constant 0 : i32
        %dma_start3A_63 = arith.constant 0 : i32
        %dma_start3A_64 = tpu.memref_slice %arg11[%dma_start3A_62, %dma_start3A_63] : memref<10112x128xf32, #tpu.memory_space<vmem_shared>> -> memref<10112x128xf32, #tpu.memory_space<vmem_shared>>
        tpu.enqueue_indirect_dma source(%arg9 : memref<128x128xf32, #tpu.memory_space<vmem>>) target(%dma_start3A_64 : memref<10112x128xf32, #tpu.memory_space<vmem_shared>>) offsets(%arg8 : memref<128xi32, #tpu.memory_space<vmem>>) semaphore(%run_scoped3A : memref<!tpu.dma_semaphore, #tpu.memory_space<semaphore_mem>>) {add = true}
        %dma_wait3A_65 = arith.constant 0 : i32
        %dma_wait3A_66 = arith.constant 0 : i32
        %dma_wait3A_67 = tpu.memref_slice %arg11[%dma_wait3A_65, %dma_wait3A_66] : memref<10112x128xf32, #tpu.memory_space<vmem_shared>> -> memref<10112x128xf32, #tpu.memory_space<vmem_shared>>
        tpu.wait_indirect_dma semaphore(%run_scoped3A : memref<!tpu.dma_semaphore, #tpu.memory_space<semaphore_mem>>) src(%arg9 : memref<128x128xf32, #tpu.memory_space<vmem>>) dst(%dma_wait3A_67 : memref<10112x128xf32, #tpu.memory_space<vmem_shared>>)
        tpu.yield
      }) : () -> ()
    }
    %scan3A_26 = arith.constant 157 : i32
    %barrier3A_27 = arith.constant 0 : index
    tpu.barrier barrier_id(%barrier3A_27)
    %add3A_28 = arith.constant 0 : i32
    %add3A_29 = arith.addi %mul3A_8, %add3A_28 : i32
    %add3A_30 = arith.constant 0 : i32
    %add3A_31 = arith.addi %mul3A_8, %add3A_30 : i32
    "tpu.region"() ({
      %run_scoped3A = tpu.sem_alloc : memref<!tpu.dma_semaphore, #tpu.memory_space<semaphore_mem>>
      %dma_start3A = arith.constant 0 : i32
      %dma_start3A_48 = arith.constant 0 : i32
      %dma_start3A_49 = tpu.memref_slice %arg6[%arg0, %dma_start3A, %dma_start3A_48] : memref<2x10112x128xf32, #tpu.memory_space<hbm>> -> memref<1x10112x128xf32, #tpu.memory_space<hbm>>
      %dma_start3A_50 = tpu.memref_squeeze %dma_start3A_49 : memref<1x10112x128xf32, #tpu.memory_space<hbm>> -> memref<10112x128xf32, #tpu.memory_space<hbm>>
      %dma_start3A_51 = arith.constant 0 : i32
      %dma_start3A_52 = tpu.memref_slice %dma_start3A_50[%add3A_31, %dma_start3A_51] : memref<10112x128xf32, #tpu.memory_space<hbm>> -> memref<128x128xf32, #tpu.memory_space<hbm>>
      %dma_start3A_53 = arith.constant 0 : i32
      %dma_start3A_54 = tpu.memref_slice %arg11[%add3A_29, %dma_start3A_53] : memref<10112x128xf32, #tpu.memory_space<vmem_shared>> -> memref<128x128xf32, #tpu.memory_space<vmem_shared>>
      tpu.enqueue_dma source(%dma_start3A_54 : memref<128x128xf32, #tpu.memory_space<vmem_shared>>) target(%dma_start3A_52 : memref<128x128xf32, #tpu.memory_space<hbm>>) target_semaphore(%run_scoped3A : memref<!tpu.dma_semaphore, #tpu.memory_space<semaphore_mem>>)
      %dma_wait3A = arith.constant 0 : i32
      %dma_wait3A_55 = arith.constant 0 : i32
      %dma_wait3A_56 = tpu.memref_slice %arg6[%arg0, %dma_wait3A, %dma_wait3A_55] : memref<2x10112x128xf32, #tpu.memory_space<hbm>> -> memref<1x10112x128xf32, #tpu.memory_space<hbm>>
      %dma_wait3A_57 = tpu.memref_squeeze %dma_wait3A_56 : memref<1x10112x128xf32, #tpu.memory_space<hbm>> -> memref<10112x128xf32, #tpu.memory_space<hbm>>
      %dma_wait3A_58 = arith.constant 0 : i32
      %dma_wait3A_59 = tpu.memref_slice %dma_wait3A_57[%add3A_31, %dma_wait3A_58] : memref<10112x128xf32, #tpu.memory_space<hbm>> -> memref<128x128xf32, #tpu.memory_space<hbm>>
      %dma_wait3A_60 = arith.constant 0 : i32
      %dma_wait3A_61 = tpu.memref_slice %arg11[%add3A_29, %dma_wait3A_60] : memref<10112x128xf32, #tpu.memory_space<vmem_shared>> -> memref<128x128xf32, #tpu.memory_space<vmem_shared>>
      tpu.wait_dma2 semaphore(%run_scoped3A : memref<!tpu.dma_semaphore, #tpu.memory_space<semaphore_mem>>) src(%dma_wait3A_61 : memref<128x128xf32, #tpu.memory_space<vmem_shared>>) dst(%dma_wait3A_59 : memref<128x128xf32, #tpu.memory_space<hbm>>)
      tpu.yield
    }) : () -> ()
    %add3A_32 = arith.constant 128 : i32
    %add3A_33 = arith.addi %mul3A_8, %add3A_32 : i32
    %add3A_34 = arith.constant 128 : i32
    %add3A_35 = arith.addi %mul3A_8, %add3A_34 : i32
    "tpu.region"() ({
      %run_scoped3A = tpu.sem_alloc : memref<!tpu.dma_semaphore, #tpu.memory_space<semaphore_mem>>
      %dma_start3A = arith.constant 0 : i32
      %dma_start3A_48 = arith.constant 0 : i32
      %dma_start3A_49 = tpu.memref_slice %arg6[%arg0, %dma_start3A, %dma_start3A_48] : memref<2x10112x128xf32, #tpu.memory_space<hbm>> -> memref<1x10112x128xf32, #tpu.memory_space<hbm>>
      %dma_start3A_50 = tpu.memref_squeeze %dma_start3A_49 : memref<1x10112x128xf32, #tpu.memory_space<hbm>> -> memref<10112x128xf32, #tpu.memory_space<hbm>>
      %dma_start3A_51 = arith.constant 0 : i32
      %dma_start3A_52 = tpu.memref_slice %dma_start3A_50[%add3A_35, %dma_start3A_51] : memref<10112x128xf32, #tpu.memory_space<hbm>> -> memref<128x128xf32, #tpu.memory_space<hbm>>
      %dma_start3A_53 = arith.constant 0 : i32
      %dma_start3A_54 = tpu.memref_slice %arg11[%add3A_33, %dma_start3A_53] : memref<10112x128xf32, #tpu.memory_space<vmem_shared>> -> memref<128x128xf32, #tpu.memory_space<vmem_shared>>
      tpu.enqueue_dma source(%dma_start3A_54 : memref<128x128xf32, #tpu.memory_space<vmem_shared>>) target(%dma_start3A_52 : memref<128x128xf32, #tpu.memory_space<hbm>>) target_semaphore(%run_scoped3A : memref<!tpu.dma_semaphore, #tpu.memory_space<semaphore_mem>>)
      %dma_wait3A = arith.constant 0 : i32
      %dma_wait3A_55 = arith.constant 0 : i32
      %dma_wait3A_56 = tpu.memref_slice %arg6[%arg0, %dma_wait3A, %dma_wait3A_55] : memref<2x10112x128xf32, #tpu.memory_space<hbm>> -> memref<1x10112x128xf32, #tpu.memory_space<hbm>>
      %dma_wait3A_57 = tpu.memref_squeeze %dma_wait3A_56 : memref<1x10112x128xf32, #tpu.memory_space<hbm>> -> memref<10112x128xf32, #tpu.memory_space<hbm>>
      %dma_wait3A_58 = arith.constant 0 : i32
      %dma_wait3A_59 = tpu.memref_slice %dma_wait3A_57[%add3A_35, %dma_wait3A_58] : memref<10112x128xf32, #tpu.memory_space<hbm>> -> memref<128x128xf32, #tpu.memory_space<hbm>>
      %dma_wait3A_60 = arith.constant 0 : i32
      %dma_wait3A_61 = tpu.memref_slice %arg11[%add3A_33, %dma_wait3A_60] : memref<10112x128xf32, #tpu.memory_space<vmem_shared>> -> memref<128x128xf32, #tpu.memory_space<vmem_shared>>
      tpu.wait_dma2 semaphore(%run_scoped3A : memref<!tpu.dma_semaphore, #tpu.memory_space<semaphore_mem>>) src(%dma_wait3A_61 : memref<128x128xf32, #tpu.memory_space<vmem_shared>>) dst(%dma_wait3A_59 : memref<128x128xf32, #tpu.memory_space<hbm>>)
      tpu.yield
    }) : () -> ()
    %add3A_36 = arith.constant 256 : i32
    %add3A_37 = arith.addi %mul3A_8, %add3A_36 : i32
    %add3A_38 = arith.constant 256 : i32
    %add3A_39 = arith.addi %mul3A_8, %add3A_38 : i32
    "tpu.region"() ({
      %run_scoped3A = tpu.sem_alloc : memref<!tpu.dma_semaphore, #tpu.memory_space<semaphore_mem>>
      %dma_start3A = arith.constant 0 : i32
      %dma_start3A_48 = arith.constant 0 : i32
      %dma_start3A_49 = tpu.memref_slice %arg6[%arg0, %dma_start3A, %dma_start3A_48] : memref<2x10112x128xf32, #tpu.memory_space<hbm>> -> memref<1x10112x128xf32, #tpu.memory_space<hbm>>
      %dma_start3A_50 = tpu.memref_squeeze %dma_start3A_49 : memref<1x10112x128xf32, #tpu.memory_space<hbm>> -> memref<10112x128xf32, #tpu.memory_space<hbm>>
      %dma_start3A_51 = arith.constant 0 : i32
      %dma_start3A_52 = tpu.memref_slice %dma_start3A_50[%add3A_39, %dma_start3A_51] : memref<10112x128xf32, #tpu.memory_space<hbm>> -> memref<128x128xf32, #tpu.memory_space<hbm>>
      %dma_start3A_53 = arith.constant 0 : i32
      %dma_start3A_54 = tpu.memref_slice %arg11[%add3A_37, %dma_start3A_53] : memref<10112x128xf32, #tpu.memory_space<vmem_shared>> -> memref<128x128xf32, #tpu.memory_space<vmem_shared>>
      tpu.enqueue_dma source(%dma_start3A_54 : memref<128x128xf32, #tpu.memory_space<vmem_shared>>) target(%dma_start3A_52 : memref<128x128xf32, #tpu.memory_space<hbm>>) target_semaphore(%run_scoped3A : memref<!tpu.dma_semaphore, #tpu.memory_space<semaphore_mem>>)
      %dma_wait3A = arith.constant 0 : i32
      %dma_wait3A_55 = arith.constant 0 : i32
      %dma_wait3A_56 = tpu.memref_slice %arg6[%arg0, %dma_wait3A, %dma_wait3A_55] : memref<2x10112x128xf32, #tpu.memory_space<hbm>> -> memref<1x10112x128xf32, #tpu.memory_space<hbm>>
      %dma_wait3A_57 = tpu.memref_squeeze %dma_wait3A_56 : memref<1x10112x128xf32, #tpu.memory_space<hbm>> -> memref<10112x128xf32, #tpu.memory_space<hbm>>
      %dma_wait3A_58 = arith.constant 0 : i32
      %dma_wait3A_59 = tpu.memref_slice %dma_wait3A_57[%add3A_39, %dma_wait3A_58] : memref<10112x128xf32, #tpu.memory_space<hbm>> -> memref<128x128xf32, #tpu.memory_space<hbm>>
      %dma_wait3A_60 = arith.constant 0 : i32
      %dma_wait3A_61 = tpu.memref_slice %arg11[%add3A_37, %dma_wait3A_60] : memref<10112x128xf32, #tpu.memory_space<vmem_shared>> -> memref<128x128xf32, #tpu.memory_space<vmem_shared>>
      tpu.wait_dma2 semaphore(%run_scoped3A : memref<!tpu.dma_semaphore, #tpu.memory_space<semaphore_mem>>) src(%dma_wait3A_61 : memref<128x128xf32, #tpu.memory_space<vmem_shared>>) dst(%dma_wait3A_59 : memref<128x128xf32, #tpu.memory_space<hbm>>)
      tpu.yield
    }) : () -> ()
    %add3A_40 = arith.constant 384 : i32
    %add3A_41 = arith.addi %mul3A_8, %add3A_40 : i32
    %add3A_42 = arith.constant 384 : i32
    %add3A_43 = arith.addi %mul3A_8, %add3A_42 : i32
    "tpu.region"() ({
      %run_scoped3A = tpu.sem_alloc : memref<!tpu.dma_semaphore, #tpu.memory_space<semaphore_mem>>
      %dma_start3A = arith.constant 0 : i32
      %dma_start3A_48 = arith.constant 0 : i32
      %dma_start3A_49 = tpu.memref_slice %arg6[%arg0, %dma_start3A, %dma_start3A_48] : memref<2x10112x128xf32, #tpu.memory_space<hbm>> -> memref<1x10112x128xf32, #tpu.memory_space<hbm>>
      %dma_start3A_50 = tpu.memref_squeeze %dma_start3A_49 : memref<1x10112x128xf32, #tpu.memory_space<hbm>> -> memref<10112x128xf32, #tpu.memory_space<hbm>>
      %dma_start3A_51 = arith.constant 0 : i32
      %dma_start3A_52 = tpu.memref_slice %dma_start3A_50[%add3A_43, %dma_start3A_51] : memref<10112x128xf32, #tpu.memory_space<hbm>> -> memref<128x128xf32, #tpu.memory_space<hbm>>
      %dma_start3A_53 = arith.constant 0 : i32
      %dma_start3A_54 = tpu.memref_slice %arg11[%add3A_41, %dma_start3A_53] : memref<10112x128xf32, #tpu.memory_space<vmem_shared>> -> memref<128x128xf32, #tpu.memory_space<vmem_shared>>
      tpu.enqueue_dma source(%dma_start3A_54 : memref<128x128xf32, #tpu.memory_space<vmem_shared>>) target(%dma_start3A_52 : memref<128x128xf32, #tpu.memory_space<hbm>>) target_semaphore(%run_scoped3A : memref<!tpu.dma_semaphore, #tpu.memory_space<semaphore_mem>>)
      %dma_wait3A = arith.constant 0 : i32
      %dma_wait3A_55 = arith.constant 0 : i32
      %dma_wait3A_56 = tpu.memref_slice %arg6[%arg0, %dma_wait3A, %dma_wait3A_55] : memref<2x10112x128xf32, #tpu.memory_space<hbm>> -> memref<1x10112x128xf32, #tpu.memory_space<hbm>>
      %dma_wait3A_57 = tpu.memref_squeeze %dma_wait3A_56 : memref<1x10112x128xf32, #tpu.memory_space<hbm>> -> memref<10112x128xf32, #tpu.memory_space<hbm>>
      %dma_wait3A_58 = arith.constant 0 : i32
      %dma_wait3A_59 = tpu.memref_slice %dma_wait3A_57[%add3A_43, %dma_wait3A_58] : memref<10112x128xf32, #tpu.memory_space<hbm>> -> memref<128x128xf32, #tpu.memory_space<hbm>>
      %dma_wait3A_60 = arith.constant 0 : i32
      %dma_wait3A_61 = tpu.memref_slice %arg11[%add3A_41, %dma_wait3A_60] : memref<10112x128xf32, #tpu.memory_space<vmem_shared>> -> memref<128x128xf32, #tpu.memory_space<vmem_shared>>
      tpu.wait_dma2 semaphore(%run_scoped3A : memref<!tpu.dma_semaphore, #tpu.memory_space<semaphore_mem>>) src(%dma_wait3A_61 : memref<128x128xf32, #tpu.memory_space<vmem_shared>>) dst(%dma_wait3A_59 : memref<128x128xf32, #tpu.memory_space<hbm>>)
      tpu.yield
    }) : () -> ()
    %add3A_44 = arith.constant 512 : i32
    %add3A_45 = arith.addi %mul3A_8, %add3A_44 : i32
    %add3A_46 = arith.constant 512 : i32
    %add3A_47 = arith.addi %mul3A_8, %add3A_46 : i32
    "tpu.region"() ({
      %run_scoped3A = tpu.sem_alloc : memref<!tpu.dma_semaphore, #tpu.memory_space<semaphore_mem>>
      %dma_start3A = arith.constant 0 : i32
      %dma_start3A_48 = arith.constant 0 : i32
      %dma_start3A_49 = tpu.memref_slice %arg6[%arg0, %dma_start3A, %dma_start3A_48] : memref<2x10112x128xf32, #tpu.memory_space<hbm>> -> memref<1x10112x128xf32, #tpu.memory_space<hbm>>
      %dma_start3A_50 = tpu.memref_squeeze %dma_start3A_49 : memref<1x10112x128xf32, #tpu.memory_space<hbm>> -> memref<10112x128xf32, #tpu.memory_space<hbm>>
      %dma_start3A_51 = arith.constant 0 : i32
      %dma_start3A_52 = tpu.memref_slice %dma_start3A_50[%add3A_47, %dma_start3A_51] : memref<10112x128xf32, #tpu.memory_space<hbm>> -> memref<120x128xf32, #tpu.memory_space<hbm>>
      %dma_start3A_53 = arith.constant 0 : i32
      %dma_start3A_54 = tpu.memref_slice %arg11[%add3A_45, %dma_start3A_53] : memref<10112x128xf32, #tpu.memory_space<vmem_shared>> -> memref<120x128xf32, #tpu.memory_space<vmem_shared>>
      tpu.enqueue_dma source(%dma_start3A_54 : memref<120x128xf32, #tpu.memory_space<vmem_shared>>) target(%dma_start3A_52 : memref<120x128xf32, #tpu.memory_space<hbm>>) target_semaphore(%run_scoped3A : memref<!tpu.dma_semaphore, #tpu.memory_space<semaphore_mem>>)
      %dma_wait3A = arith.constant 0 : i32
      %dma_wait3A_55 = arith.constant 0 : i32
      %dma_wait3A_56 = tpu.memref_slice %arg6[%arg0, %dma_wait3A, %dma_wait3A_55] : memref<2x10112x128xf32, #tpu.memory_space<hbm>> -> memref<1x10112x128xf32, #tpu.memory_space<hbm>>
      %dma_wait3A_57 = tpu.memref_squeeze %dma_wait3A_56 : memref<1x10112x128xf32, #tpu.memory_space<hbm>> -> memref<10112x128xf32, #tpu.memory_space<hbm>>
      %dma_wait3A_58 = arith.constant 0 : i32
      %dma_wait3A_59 = tpu.memref_slice %dma_wait3A_57[%add3A_47, %dma_wait3A_58] : memref<10112x128xf32, #tpu.memory_space<hbm>> -> memref<120x128xf32, #tpu.memory_space<hbm>>
      %dma_wait3A_60 = arith.constant 0 : i32
      %dma_wait3A_61 = tpu.memref_slice %arg11[%add3A_45, %dma_wait3A_60] : memref<10112x128xf32, #tpu.memory_space<vmem_shared>> -> memref<120x128xf32, #tpu.memory_space<vmem_shared>>
      tpu.wait_dma2 semaphore(%run_scoped3A : memref<!tpu.dma_semaphore, #tpu.memory_space<semaphore_mem>>) src(%dma_wait3A_61 : memref<120x128xf32, #tpu.memory_space<vmem_shared>>) dst(%dma_wait3A_59 : memref<120x128xf32, #tpu.memory_space<hbm>>)
      tpu.yield
    }) : () -> ()
    return
  }
}

#map = affine_map<(d0, d1) -> (0, 0)>
#map1 = affine_map<(d0, d1) -> (0)>
#map2 = affine_map<(d0, d1) -> (0, 0, 0)>
module attributes {stable_mosaic.version = 14 : i64} {
  func.func @_sc_body(%arg0: i32, %arg1: i32, %arg2: memref<10000x128xf32, #tpu.memory_space<hbm>>, %arg3: memref<643072xi32, #tpu.memory_space<hbm>>, %arg4: memref<643072xi32, #tpu.memory_space<hbm>>, %arg5: memref<643072x128xf32, #tpu.memory_space<hbm>>, %arg6: memref<2x10112x128xf32, #tpu.memory_space<hbm>>, %arg7: memref<128xi32, #tpu.memory_space<vmem>>, %arg8: memref<128xi32, #tpu.memory_space<vmem>>, %arg9: memref<128x128xf32, #tpu.memory_space<vmem>>, %arg10: memref<128x128xf32, #tpu.memory_space<vmem>>, %arg11: memref<10112x128xf32, #tpu.memory_space<vmem_shared>>, %arg12: memref<!tpu.dma_semaphore, #tpu.memory_space<semaphore_mem>>) attributes {dimension_semantics = [#tpu.dimension_semantics<core_parallel>, #tpu.dimension_semantics<subcore_parallel>], iteration_bounds = array<i64: 2, 16>, scalar_prefetch = 0 : i64, scratch_operands = 6 : i64, tpu.core_type = #tpu.core_type<sc_vector_subcore>, window_params = [{transform_indices = #map}, {transform_indices = #map1}, {transform_indices = #map1}, {transform_indices = #map}, {transform_indices = #map2}]} {
    %mul3A = arith.constant 16 : i32
    %mul3A_0 = arith.muli %arg0, %mul3A : i32
    %add3A = arith.addi %mul3A_0, %arg1 : i32
    %broadcast_in_dim3A = arith.constant 0.000000e+00 : f32
    %broadcast_in_dim3A_1 = vector.broadcast %broadcast_in_dim3A : f32 to vector<16xf32>
    %scan3A = arith.constant 0 : i32
    %scan3A_2 = arith.constant 0 : i32
    %scan3A_3 = arith.constant 128 : i32
    %scan3A_4 = arith.addi %scan3A_2, %scan3A_3 : i32
    %scan3A_5 = arith.constant 1 : i32
    scf.for %scan3A_48 = %scan3A_2 to %scan3A_4 step %scan3A_5  : i32 {
      %swap3A = arith.index_cast %scan3A_48 : i32 to index
      %swap3A_49 = arith.constant 0 : index
      %swap3A_50 = tpu.vector_load %arg9[%swap3A, %swap3A_49] {strides = array<i32>} : memref<128x128xf32, #tpu.memory_space<vmem>>, vector<1x16xf32>,
      %swap3A_51 = vector.shape_cast %swap3A_50 : vector<1x16xf32> to vector<16xf32>
      %swap3A_52 = vector.shape_cast %broadcast_in_dim3A_1 : vector<16xf32> to vector<1x16xf32>
      tpu.vector_store %arg9[%swap3A, %swap3A_49], %swap3A_52 {strides = array<i32>} : memref<128x128xf32, #tpu.memory_space<vmem>>, vector<1x16xf32>,
      %swap3A_53 = arith.index_cast %scan3A_48 : i32 to index
      %swap3A_54 = arith.constant 16 : index
      %swap3A_55 = tpu.vector_load %arg9[%swap3A_53, %swap3A_54] {strides = array<i32>} : memref<128x128xf32, #tpu.memory_space<vmem>>, vector<1x16xf32>,
      %swap3A_56 = vector.shape_cast %swap3A_55 : vector<1x16xf32> to vector<16xf32>
      %swap3A_57 = vector.shape_cast %broadcast_in_dim3A_1 : vector<16xf32> to vector<1x16xf32>
      tpu.vector_store %arg9[%swap3A_53, %swap3A_54], %swap3A_57 {strides = array<i32>} : memref<128x128xf32, #tpu.memory_space<vmem>>, vector<1x16xf32>,
      %swap3A_58 = arith.index_cast %scan3A_48 : i32 to index
      %swap3A_59 = arith.constant 32 : index
      %swap3A_60 = tpu.vector_load %arg9[%swap3A_58, %swap3A_59] {strides = array<i32>} : memref<128x128xf32, #tpu.memory_space<vmem>>, vector<1x16xf32>,
      %swap3A_61 = vector.shape_cast %swap3A_60 : vector<1x16xf32> to vector<16xf32>
      %swap3A_62 = vector.shape_cast %broadcast_in_dim3A_1 : vector<16xf32> to vector<1x16xf32>
      tpu.vector_store %arg9[%swap3A_58, %swap3A_59], %swap3A_62 {strides = array<i32>} : memref<128x128xf32, #tpu.memory_space<vmem>>, vector<1x16xf32>,
      %swap3A_63 = arith.index_cast %scan3A_48 : i32 to index
      %swap3A_64 = arith.constant 48 : index
      %swap3A_65 = tpu.vector_load %arg9[%swap3A_63, %swap3A_64] {strides = array<i32>} : memref<128x128xf32, #tpu.memory_space<vmem>>, vector<1x16xf32>,
      %swap3A_66 = vector.shape_cast %swap3A_65 : vector<1x16xf32> to vector<16xf32>
      %swap3A_67 = vector.shape_cast %broadcast_in_dim3A_1 : vector<16xf32> to vector<1x16xf32>
      tpu.vector_store %arg9[%swap3A_63, %swap3A_64], %swap3A_67 {strides = array<i32>} : memref<128x128xf32, #tpu.memory_space<vmem>>, vector<1x16xf32>,
      %swap3A_68 = arith.index_cast %scan3A_48 : i32 to index
      %swap3A_69 = arith.constant 64 : index
      %swap3A_70 = tpu.vector_load %arg9[%swap3A_68, %swap3A_69] {strides = array<i32>} : memref<128x128xf32, #tpu.memory_space<vmem>>, vector<1x16xf32>,
      %swap3A_71 = vector.shape_cast %swap3A_70 : vector<1x16xf32> to vector<16xf32>
      %swap3A_72 = vector.shape_cast %broadcast_in_dim3A_1 : vector<16xf32> to vector<1x16xf32>
      tpu.vector_store %arg9[%swap3A_68, %swap3A_69], %swap3A_72 {strides = array<i32>} : memref<128x128xf32, #tpu.memory_space<vmem>>, vector<1x16xf32>,
      %swap3A_73 = arith.index_cast %scan3A_48 : i32 to index
      %swap3A_74 = arith.constant 80 : index
      %swap3A_75 = tpu.vector_load %arg9[%swap3A_73, %swap3A_74] {strides = array<i32>} : memref<128x128xf32, #tpu.memory_space<vmem>>, vector<1x16xf32>,
      %swap3A_76 = vector.shape_cast %swap3A_75 : vector<1x16xf32> to vector<16xf32>
      %swap3A_77 = vector.shape_cast %broadcast_in_dim3A_1 : vector<16xf32> to vector<1x16xf32>
      tpu.vector_store %arg9[%swap3A_73, %swap3A_74], %swap3A_77 {strides = array<i32>} : memref<128x128xf32, #tpu.memory_space<vmem>>, vector<1x16xf32>,
      %swap3A_78 = arith.index_cast %scan3A_48 : i32 to index
      %swap3A_79 = arith.constant 96 : index
      %swap3A_80 = tpu.vector_load %arg9[%swap3A_78, %swap3A_79] {strides = array<i32>} : memref<128x128xf32, #tpu.memory_space<vmem>>, vector<1x16xf32>,
      %swap3A_81 = vector.shape_cast %swap3A_80 : vector<1x16xf32> to vector<16xf32>
      %swap3A_82 = vector.shape_cast %broadcast_in_dim3A_1 : vector<16xf32> to vector<1x16xf32>
      tpu.vector_store %arg9[%swap3A_78, %swap3A_79], %swap3A_82 {strides = array<i32>} : memref<128x128xf32, #tpu.memory_space<vmem>>, vector<1x16xf32>,
      %swap3A_83 = arith.index_cast %scan3A_48 : i32 to index
      %swap3A_84 = arith.constant 112 : index
      %swap3A_85 = tpu.vector_load %arg9[%swap3A_83, %swap3A_84] {strides = array<i32>} : memref<128x128xf32, #tpu.memory_space<vmem>>, vector<1x16xf32>,
      %swap3A_86 = vector.shape_cast %swap3A_85 : vector<1x16xf32> to vector<16xf32>
      %swap3A_87 = vector.shape_cast %broadcast_in_dim3A_1 : vector<16xf32> to vector<1x16xf32>
      tpu.vector_store %arg9[%swap3A_83, %swap3A_84], %swap3A_87 {strides = array<i32>} : memref<128x128xf32, #tpu.memory_space<vmem>>, vector<1x16xf32>,
    }
    %scan3A_6 = arith.constant 128 : i32
    %mul3A_7 = arith.constant 632 : i32
    %mul3A_8 = arith.muli %arg1, %mul3A_7 : i32
    %add3A_9 = arith.constant 0 : i32
    %add3A_10 = arith.addi %mul3A_8, %add3A_9 : i32
    "tpu.region"() ({
      %run_scoped3A = tpu.sem_alloc : memref<!tpu.dma_semaphore, #tpu.memory_space<semaphore_mem>>
      %dma_start3A = arith.constant 0 : i32
      %dma_start3A_48 = arith.constant 0 : i32
      %dma_start3A_49 = tpu.memref_slice %arg9[%dma_start3A, %dma_start3A_48] : memref<128x128xf32, #tpu.memory_space<vmem>> -> memref<128x128xf32, #tpu.memory_space<vmem>>
      %dma_start3A_50 = arith.constant 0 : i32
      %dma_start3A_51 = tpu.memref_slice %arg11[%add3A_10, %dma_start3A_50] : memref<10112x128xf32, #tpu.memory_space<vmem_shared>> -> memref<128x128xf32, #tpu.memory_space<vmem_shared>>
      %dma_start3A_52 = arith.constant 0 : i32
      %dma_start3A_53 = tpu.memref_slice %arg11[%add3A_10, %dma_start3A_52] : memref<10112x128xf32, #tpu.memory_space<vmem_shared>> -> memref<128x128xf32, #tpu.memory_space<vmem_shared>>
      %dma_start3A_54 = arith.constant 0 : i32
      %dma_start3A_55 = arith.constant 0 : i32
      %dma_start3A_56 = tpu.memref_slice %arg9[%dma_start3A_54, %dma_start3A_55] : memref<128x128xf32, #tpu.memory_space<vmem>> -> memref<128x128xf32, #tpu.memory_space<vmem>>
      tpu.enqueue_dma source(%dma_start3A_56 : memref<128x128xf32, #tpu.memory_space<vmem>>) target(%dma_start3A_53 : memref<128x128xf32, #tpu.memory_space<vmem_shared>>) target_semaphore(%run_scoped3A : memref<!tpu.dma_semaphore, #tpu.memory_space<semaphore_mem>>)
      %dma_wait3A = arith.constant 0 : i32
      %dma_wait3A_57 = arith.constant 0 : i32
      %dma_wait3A_58 = tpu.memref_slice %arg9[%dma_wait3A, %dma_wait3A_57] : memref<128x128xf32, #tpu.memory_space<vmem>> -> memref<128x128xf32, #tpu.memory_space<vmem>>
      %dma_wait3A_59 = arith.constant 0 : i32
      %dma_wait3A_60 = tpu.memref_slice %arg11[%add3A_10, %dma_wait3A_59] : memref<10112x128xf32, #tpu.memory_space<vmem_shared>> -> memref<128x128xf32, #tpu.memory_space<vmem_shared>>
      %dma_wait3A_61 = arith.constant 0 : i32
      %dma_wait3A_62 = tpu.memref_slice %arg11[%add3A_10, %dma_wait3A_61] : memref<10112x128xf32, #tpu.memory_space<vmem_shared>> -> memref<128x128xf32, #tpu.memory_space<vmem_shared>>
      %dma_wait3A_63 = arith.constant 0 : i32
      %dma_wait3A_64 = arith.constant 0 : i32
      %dma_wait3A_65 = tpu.memref_slice %arg9[%dma_wait3A_63, %dma_wait3A_64] : memref<128x128xf32, #tpu.memory_space<vmem>> -> memref<128x128xf32, #tpu.memory_space<vmem>>
      tpu.wait_dma2 semaphore(%run_scoped3A : memref<!tpu.dma_semaphore, #tpu.memory_space<semaphore_mem>>) src(%dma_wait3A_65 : memref<128x128xf32, #tpu.memory_space<vmem>>) dst(%dma_wait3A_62 : memref<128x128xf32, #tpu.memory_space<vmem_shared>>)
      tpu.yield
    }) : () -> ()
    %add3A_11 = arith.constant 128 : i32
    %add3A_12 = arith.addi %mul3A_8, %add3A_11 : i32
    "tpu.region"() ({
      %run_scoped3A = tpu.sem_alloc : memref<!tpu.dma_semaphore, #tpu.memory_space<semaphore_mem>>
      %dma_start3A = arith.constant 0 : i32
      %dma_start3A_48 = arith.constant 0 : i32
      %dma_start3A_49 = tpu.memref_slice %arg9[%dma_start3A, %dma_start3A_48] : memref<128x128xf32, #tpu.memory_space<vmem>> -> memref<128x128xf32, #tpu.memory_space<vmem>>
      %dma_start3A_50 = arith.constant 0 : i32
      %dma_start3A_51 = tpu.memref_slice %arg11[%add3A_12, %dma_start3A_50] : memref<10112x128xf32, #tpu.memory_space<vmem_shared>> -> memref<128x128xf32, #tpu.memory_space<vmem_shared>>
      %dma_start3A_52 = arith.constant 0 : i32
      %dma_start3A_53 = tpu.memref_slice %arg11[%add3A_12, %dma_start3A_52] : memref<10112x128xf32, #tpu.memory_space<vmem_shared>> -> memref<128x128xf32, #tpu.memory_space<vmem_shared>>
      %dma_start3A_54 = arith.constant 0 : i32
      %dma_start3A_55 = arith.constant 0 : i32
      %dma_start3A_56 = tpu.memref_slice %arg9[%dma_start3A_54, %dma_start3A_55] : memref<128x128xf32, #tpu.memory_space<vmem>> -> memref<128x128xf32, #tpu.memory_space<vmem>>
      tpu.enqueue_dma source(%dma_start3A_56 : memref<128x128xf32, #tpu.memory_space<vmem>>) target(%dma_start3A_53 : memref<128x128xf32, #tpu.memory_space<vmem_shared>>) target_semaphore(%run_scoped3A : memref<!tpu.dma_semaphore, #tpu.memory_space<semaphore_mem>>)
      %dma_wait3A = arith.constant 0 : i32
      %dma_wait3A_57 = arith.constant 0 : i32
      %dma_wait3A_58 = tpu.memref_slice %arg9[%dma_wait3A, %dma_wait3A_57] : memref<128x128xf32, #tpu.memory_space<vmem>> -> memref<128x128xf32, #tpu.memory_space<vmem>>
      %dma_wait3A_59 = arith.constant 0 : i32
      %dma_wait3A_60 = tpu.memref_slice %arg11[%add3A_12, %dma_wait3A_59] : memref<10112x128xf32, #tpu.memory_space<vmem_shared>> -> memref<128x128xf32, #tpu.memory_space<vmem_shared>>
      %dma_wait3A_61 = arith.constant 0 : i32
      %dma_wait3A_62 = tpu.memref_slice %arg11[%add3A_12, %dma_wait3A_61] : memref<10112x128xf32, #tpu.memory_space<vmem_shared>> -> memref<128x128xf32, #tpu.memory_space<vmem_shared>>
      %dma_wait3A_63 = arith.constant 0 : i32
      %dma_wait3A_64 = arith.constant 0 : i32
      %dma_wait3A_65 = tpu.memref_slice %arg9[%dma_wait3A_63, %dma_wait3A_64] : memref<128x128xf32, #tpu.memory_space<vmem>> -> memref<128x128xf32, #tpu.memory_space<vmem>>
      tpu.wait_dma2 semaphore(%run_scoped3A : memref<!tpu.dma_semaphore, #tpu.memory_space<semaphore_mem>>) src(%dma_wait3A_65 : memref<128x128xf32, #tpu.memory_space<vmem>>) dst(%dma_wait3A_62 : memref<128x128xf32, #tpu.memory_space<vmem_shared>>)
      tpu.yield
    }) : () -> ()
    %add3A_13 = arith.constant 256 : i32
    %add3A_14 = arith.addi %mul3A_8, %add3A_13 : i32
    "tpu.region"() ({
      %run_scoped3A = tpu.sem_alloc : memref<!tpu.dma_semaphore, #tpu.memory_space<semaphore_mem>>
      %dma_start3A = arith.constant 0 : i32
      %dma_start3A_48 = arith.constant 0 : i32
      %dma_start3A_49 = tpu.memref_slice %arg9[%dma_start3A, %dma_start3A_48] : memref<128x128xf32, #tpu.memory_space<vmem>> -> memref<128x128xf32, #tpu.memory_space<vmem>>
      %dma_start3A_50 = arith.constant 0 : i32
      %dma_start3A_51 = tpu.memref_slice %arg11[%add3A_14, %dma_start3A_50] : memref<10112x128xf32, #tpu.memory_space<vmem_shared>> -> memref<128x128xf32, #tpu.memory_space<vmem_shared>>
      %dma_start3A_52 = arith.constant 0 : i32
      %dma_start3A_53 = tpu.memref_slice %arg11[%add3A_14, %dma_start3A_52] : memref<10112x128xf32, #tpu.memory_space<vmem_shared>> -> memref<128x128xf32, #tpu.memory_space<vmem_shared>>
      %dma_start3A_54 = arith.constant 0 : i32
      %dma_start3A_55 = arith.constant 0 : i32
      %dma_start3A_56 = tpu.memref_slice %arg9[%dma_start3A_54, %dma_start3A_55] : memref<128x128xf32, #tpu.memory_space<vmem>> -> memref<128x128xf32, #tpu.memory_space<vmem>>
      tpu.enqueue_dma source(%dma_start3A_56 : memref<128x128xf32, #tpu.memory_space<vmem>>) target(%dma_start3A_53 : memref<128x128xf32, #tpu.memory_space<vmem_shared>>) target_semaphore(%run_scoped3A : memref<!tpu.dma_semaphore, #tpu.memory_space<semaphore_mem>>)
      %dma_wait3A = arith.constant 0 : i32
      %dma_wait3A_57 = arith.constant 0 : i32
      %dma_wait3A_58 = tpu.memref_slice %arg9[%dma_wait3A, %dma_wait3A_57] : memref<128x128xf32, #tpu.memory_space<vmem>> -> memref<128x128xf32, #tpu.memory_space<vmem>>
      %dma_wait3A_59 = arith.constant 0 : i32
      %dma_wait3A_60 = tpu.memref_slice %arg11[%add3A_14, %dma_wait3A_59] : memref<10112x128xf32, #tpu.memory_space<vmem_shared>> -> memref<128x128xf32, #tpu.memory_space<vmem_shared>>
      %dma_wait3A_61 = arith.constant 0 : i32
      %dma_wait3A_62 = tpu.memref_slice %arg11[%add3A_14, %dma_wait3A_61] : memref<10112x128xf32, #tpu.memory_space<vmem_shared>> -> memref<128x128xf32, #tpu.memory_space<vmem_shared>>
      %dma_wait3A_63 = arith.constant 0 : i32
      %dma_wait3A_64 = arith.constant 0 : i32
      %dma_wait3A_65 = tpu.memref_slice %arg9[%dma_wait3A_63, %dma_wait3A_64] : memref<128x128xf32, #tpu.memory_space<vmem>> -> memref<128x128xf32, #tpu.memory_space<vmem>>
      tpu.wait_dma2 semaphore(%run_scoped3A : memref<!tpu.dma_semaphore, #tpu.memory_space<semaphore_mem>>) src(%dma_wait3A_65 : memref<128x128xf32, #tpu.memory_space<vmem>>) dst(%dma_wait3A_62 : memref<128x128xf32, #tpu.memory_space<vmem_shared>>)
      tpu.yield
    }) : () -> ()
    %add3A_15 = arith.constant 384 : i32
    %add3A_16 = arith.addi %mul3A_8, %add3A_15 : i32
    "tpu.region"() ({
      %run_scoped3A = tpu.sem_alloc : memref<!tpu.dma_semaphore, #tpu.memory_space<semaphore_mem>>
      %dma_start3A = arith.constant 0 : i32
      %dma_start3A_48 = arith.constant 0 : i32
      %dma_start3A_49 = tpu.memref_slice %arg9[%dma_start3A, %dma_start3A_48] : memref<128x128xf32, #tpu.memory_space<vmem>> -> memref<128x128xf32, #tpu.memory_space<vmem>>
      %dma_start3A_50 = arith.constant 0 : i32
      %dma_start3A_51 = tpu.memref_slice %arg11[%add3A_16, %dma_start3A_50] : memref<10112x128xf32, #tpu.memory_space<vmem_shared>> -> memref<128x128xf32, #tpu.memory_space<vmem_shared>>
      %dma_start3A_52 = arith.constant 0 : i32
      %dma_start3A_53 = tpu.memref_slice %arg11[%add3A_16, %dma_start3A_52] : memref<10112x128xf32, #tpu.memory_space<vmem_shared>> -> memref<128x128xf32, #tpu.memory_space<vmem_shared>>
      %dma_start3A_54 = arith.constant 0 : i32
      %dma_start3A_55 = arith.constant 0 : i32
      %dma_start3A_56 = tpu.memref_slice %arg9[%dma_start3A_54, %dma_start3A_55] : memref<128x128xf32, #tpu.memory_space<vmem>> -> memref<128x128xf32, #tpu.memory_space<vmem>>
      tpu.enqueue_dma source(%dma_start3A_56 : memref<128x128xf32, #tpu.memory_space<vmem>>) target(%dma_start3A_53 : memref<128x128xf32, #tpu.memory_space<vmem_shared>>) target_semaphore(%run_scoped3A : memref<!tpu.dma_semaphore, #tpu.memory_space<semaphore_mem>>)
      %dma_wait3A = arith.constant 0 : i32
      %dma_wait3A_57 = arith.constant 0 : i32
      %dma_wait3A_58 = tpu.memref_slice %arg9[%dma_wait3A, %dma_wait3A_57] : memref<128x128xf32, #tpu.memory_space<vmem>> -> memref<128x128xf32, #tpu.memory_space<vmem>>
      %dma_wait3A_59 = arith.constant 0 : i32
      %dma_wait3A_60 = tpu.memref_slice %arg11[%add3A_16, %dma_wait3A_59] : memref<10112x128xf32, #tpu.memory_space<vmem_shared>> -> memref<128x128xf32, #tpu.memory_space<vmem_shared>>
      %dma_wait3A_61 = arith.constant 0 : i32
      %dma_wait3A_62 = tpu.memref_slice %arg11[%add3A_16, %dma_wait3A_61] : memref<10112x128xf32, #tpu.memory_space<vmem_shared>> -> memref<128x128xf32, #tpu.memory_space<vmem_shared>>
      %dma_wait3A_63 = arith.constant 0 : i32
      %dma_wait3A_64 = arith.constant 0 : i32
      %dma_wait3A_65 = tpu.memref_slice %arg9[%dma_wait3A_63, %dma_wait3A_64] : memref<128x128xf32, #tpu.memory_space<vmem>> -> memref<128x128xf32, #tpu.memory_space<vmem>>
      tpu.wait_dma2 semaphore(%run_scoped3A : memref<!tpu.dma_semaphore, #tpu.memory_space<semaphore_mem>>) src(%dma_wait3A_65 : memref<128x128xf32, #tpu.memory_space<vmem>>) dst(%dma_wait3A_62 : memref<128x128xf32, #tpu.memory_space<vmem_shared>>)
      tpu.yield
    }) : () -> ()
    %add3A_17 = arith.constant 512 : i32
    %add3A_18 = arith.addi %mul3A_8, %add3A_17 : i32
    "tpu.region"() ({
      %run_scoped3A = tpu.sem_alloc : memref<!tpu.dma_semaphore, #tpu.memory_space<semaphore_mem>>
      %dma_start3A = arith.constant 0 : i32
      %dma_start3A_48 = arith.constant 0 : i32
      %dma_start3A_49 = tpu.memref_slice %arg9[%dma_start3A, %dma_start3A_48] : memref<128x128xf32, #tpu.memory_space<vmem>> -> memref<120x128xf32, #tpu.memory_space<vmem>>
      %dma_start3A_50 = arith.constant 0 : i32
      %dma_start3A_51 = tpu.memref_slice %arg11[%add3A_18, %dma_start3A_50] : memref<10112x128xf32, #tpu.memory_space<vmem_shared>> -> memref<120x128xf32, #tpu.memory_space<vmem_shared>>
      %dma_start3A_52 = arith.constant 0 : i32
      %dma_start3A_53 = tpu.memref_slice %arg11[%add3A_18, %dma_start3A_52] : memref<10112x128xf32, #tpu.memory_space<vmem_shared>> -> memref<120x128xf32, #tpu.memory_space<vmem_shared>>
      %dma_start3A_54 = arith.constant 0 : i32
      %dma_start3A_55 = arith.constant 0 : i32
      %dma_start3A_56 = tpu.memref_slice %arg9[%dma_start3A_54, %dma_start3A_55] : memref<128x128xf32, #tpu.memory_space<vmem>> -> memref<120x128xf32, #tpu.memory_space<vmem>>
      tpu.enqueue_dma source(%dma_start3A_56 : memref<120x128xf32, #tpu.memory_space<vmem>>) target(%dma_start3A_53 : memref<120x128xf32, #tpu.memory_space<vmem_shared>>) target_semaphore(%run_scoped3A : memref<!tpu.dma_semaphore, #tpu.memory_space<semaphore_mem>>)
      %dma_wait3A = arith.constant 0 : i32
      %dma_wait3A_57 = arith.constant 0 : i32
      %dma_wait3A_58 = tpu.memref_slice %arg9[%dma_wait3A, %dma_wait3A_57] : memref<128x128xf32, #tpu.memory_space<vmem>> -> memref<120x128xf32, #tpu.memory_space<vmem>>
      %dma_wait3A_59 = arith.constant 0 : i32
      %dma_wait3A_60 = tpu.memref_slice %arg11[%add3A_18, %dma_wait3A_59] : memref<10112x128xf32, #tpu.memory_space<vmem_shared>> -> memref<120x128xf32, #tpu.memory_space<vmem_shared>>
      %dma_wait3A_61 = arith.constant 0 : i32
      %dma_wait3A_62 = tpu.memref_slice %arg11[%add3A_18, %dma_wait3A_61] : memref<10112x128xf32, #tpu.memory_space<vmem_shared>> -> memref<120x128xf32, #tpu.memory_space<vmem_shared>>
      %dma_wait3A_63 = arith.constant 0 : i32
      %dma_wait3A_64 = arith.constant 0 : i32
      %dma_wait3A_65 = tpu.memref_slice %arg9[%dma_wait3A_63, %dma_wait3A_64] : memref<128x128xf32, #tpu.memory_space<vmem>> -> memref<120x128xf32, #tpu.memory_space<vmem>>
      tpu.wait_dma2 semaphore(%run_scoped3A : memref<!tpu.dma_semaphore, #tpu.memory_space<semaphore_mem>>) src(%dma_wait3A_65 : memref<120x128xf32, #tpu.memory_space<vmem>>) dst(%dma_wait3A_62 : memref<120x128xf32, #tpu.memory_space<vmem_shared>>)
      tpu.yield
    }) : () -> ()
    %barrier3A = arith.constant 0 : index
    tpu.barrier barrier_id(%barrier3A)
    %mul3A_19 = arith.constant 20096 : i32
    %mul3A_20 = arith.muli %add3A, %mul3A_19 : i32
    %scan3A_21 = arith.constant 0 : i32
    %scan3A_22 = arith.constant 0 : i32
    %scan3A_23 = arith.constant 157 : i32
    %scan3A_24 = arith.addi %scan3A_22, %scan3A_23 : i32
    %scan3A_25 = arith.constant 1 : i32
    scf.for %scan3A_48 = %scan3A_22 to %scan3A_24 step %scan3A_25  : i32 {
      %mul3A_49 = arith.constant 128 : i32
      %mul3A_50 = arith.muli %scan3A_48, %mul3A_49 : i32
      %add3A_51 = arith.addi %mul3A_20, %mul3A_50 : i32
      "tpu.region"() ({
        %run_scoped3A = tpu.sem_alloc : memref<!tpu.dma_semaphore, #tpu.memory_space<semaphore_mem>>
        %dma_start3A_62 = tpu.memref_slice %arg3[%add3A_51] : memref<643072xi32, #tpu.memory_space<hbm>> -> memref<128xi32, #tpu.memory_space<hbm>>
        %dma_start3A_63 = tpu.memref_slice %arg3[%add3A_51] : memref<643072xi32, #tpu.memory_space<hbm>> -> memref<128xi32, #tpu.memory_space<hbm>>
        tpu.enqueue_dma source(%dma_start3A_63 : memref<128xi32, #tpu.memory_space<hbm>>) target(%arg7 : memref<128xi32, #tpu.memory_space<vmem>>) target_semaphore(%run_scoped3A : memref<!tpu.dma_semaphore, #tpu.memory_space<semaphore_mem>>)
        %dma_wait3A_64 = tpu.memref_slice %arg3[%add3A_51] : memref<643072xi32, #tpu.memory_space<hbm>> -> memref<128xi32, #tpu.memory_space<hbm>>
        %dma_wait3A_65 = tpu.memref_slice %arg3[%add3A_51] : memref<643072xi32, #tpu.memory_space<hbm>> -> memref<128xi32, #tpu.memory_space<hbm>>
        tpu.wait_dma2 semaphore(%run_scoped3A : memref<!tpu.dma_semaphore, #tpu.memory_space<semaphore_mem>>) src(%dma_wait3A_65 : memref<128xi32, #tpu.memory_space<hbm>>) dst(%arg7 : memref<128xi32, #tpu.memory_space<vmem>>)
        tpu.yield
      }) : () -> ()
      "tpu.region"() ({
        %run_scoped3A = tpu.sem_alloc : memref<!tpu.dma_semaphore, #tpu.memory_space<semaphore_mem>>
        %dma_start3A_62 = tpu.memref_slice %arg4[%add3A_51] : memref<643072xi32, #tpu.memory_space<hbm>> -> memref<128xi32, #tpu.memory_space<hbm>>
        %dma_start3A_63 = tpu.memref_slice %arg4[%add3A_51] : memref<643072xi32, #tpu.memory_space<hbm>> -> memref<128xi32, #tpu.memory_space<hbm>>
        tpu.enqueue_dma source(%dma_start3A_63 : memref<128xi32, #tpu.memory_space<hbm>>) target(%arg8 : memref<128xi32, #tpu.memory_space<vmem>>) target_semaphore(%run_scoped3A : memref<!tpu.dma_semaphore, #tpu.memory_space<semaphore_mem>>)
        %dma_wait3A_64 = tpu.memref_slice %arg4[%add3A_51] : memref<643072xi32, #tpu.memory_space<hbm>> -> memref<128xi32, #tpu.memory_space<hbm>>
        %dma_wait3A_65 = tpu.memref_slice %arg4[%add3A_51] : memref<643072xi32, #tpu.memory_space<hbm>> -> memref<128xi32, #tpu.memory_space<hbm>>
        tpu.wait_dma2 semaphore(%run_scoped3A : memref<!tpu.dma_semaphore, #tpu.memory_space<semaphore_mem>>) src(%dma_wait3A_65 : memref<128xi32, #tpu.memory_space<hbm>>) dst(%arg8 : memref<128xi32, #tpu.memory_space<vmem>>)
        tpu.yield
      }) : () -> ()
      "tpu.region"() ({
        %run_scoped3A = tpu.sem_alloc : memref<!tpu.dma_semaphore, #tpu.memory_space<semaphore_mem>>
        %dma_start3A_62 = arith.constant 0 : i32
        %dma_start3A_63 = tpu.memref_slice %arg5[%add3A_51, %dma_start3A_62] : memref<643072x128xf32, #tpu.memory_space<hbm>> -> memref<128x128xf32, #tpu.memory_space<hbm>>
        %dma_start3A_64 = arith.constant 0 : i32
        %dma_start3A_65 = tpu.memref_slice %arg5[%add3A_51, %dma_start3A_64] : memref<643072x128xf32, #tpu.memory_space<hbm>> -> memref<128x128xf32, #tpu.memory_space<hbm>>
        tpu.enqueue_dma source(%dma_start3A_65 : memref<128x128xf32, #tpu.memory_space<hbm>>) target(%arg9 : memref<128x128xf32, #tpu.memory_space<vmem>>) target_semaphore(%run_scoped3A : memref<!tpu.dma_semaphore, #tpu.memory_space<semaphore_mem>>)
        %dma_wait3A_66 = arith.constant 0 : i32
        %dma_wait3A_67 = tpu.memref_slice %arg5[%add3A_51, %dma_wait3A_66] : memref<643072x128xf32, #tpu.memory_space<hbm>> -> memref<128x128xf32, #tpu.memory_space<hbm>>
        %dma_wait3A_68 = arith.constant 0 : i32
        %dma_wait3A_69 = tpu.memref_slice %arg5[%add3A_51, %dma_wait3A_68] : memref<643072x128xf32, #tpu.memory_space<hbm>> -> memref<128x128xf32, #tpu.memory_space<hbm>>
        tpu.wait_dma2 semaphore(%run_scoped3A : memref<!tpu.dma_semaphore, #tpu.memory_space<semaphore_mem>>) src(%dma_wait3A_69 : memref<128x128xf32, #tpu.memory_space<hbm>>) dst(%arg9 : memref<128x128xf32, #tpu.memory_space<vmem>>)
        tpu.yield
      }) : () -> ()
      %dma_start3A = arith.constant 0 : i32
      %dma_start3A_52 = arith.constant 0 : i32
      %dma_start3A_53 = tpu.memref_slice %arg2[%dma_start3A, %dma_start3A_52] : memref<10000x128xf32, #tpu.memory_space<hbm>> -> memref<10000x128xf32, #tpu.memory_space<hbm>>
      tpu.enqueue_indirect_dma source(%dma_start3A_53 : memref<10000x128xf32, #tpu.memory_space<hbm>>) target(%arg10 : memref<128x128xf32, #tpu.memory_space<vmem>>) offsets(%arg7 : memref<128xi32, #tpu.memory_space<vmem>>) semaphore(%arg12 : memref<!tpu.dma_semaphore, #tpu.memory_space<semaphore_mem>>)
      %dma_wait3A = arith.constant 0 : i32
      %dma_wait3A_54 = arith.constant 0 : i32
      %dma_wait3A_55 = tpu.memref_slice %arg2[%dma_wait3A, %dma_wait3A_54] : memref<10000x128xf32, #tpu.memory_space<hbm>> -> memref<10000x128xf32, #tpu.memory_space<hbm>>
      tpu.wait_indirect_dma semaphore(%arg12 : memref<!tpu.dma_semaphore, #tpu.memory_space<semaphore_mem>>) src(%dma_wait3A_55 : memref<10000x128xf32, #tpu.memory_space<hbm>>) dst(%arg10 : memref<128x128xf32, #tpu.memory_space<vmem>>)
      %scan3A_56 = arith.constant 0 : i32
      %scan3A_57 = arith.constant 0 : i32
      %scan3A_58 = arith.constant 128 : i32
      %scan3A_59 = arith.addi %scan3A_57, %scan3A_58 : i32
      %scan3A_60 = arith.constant 1 : i32
      scf.for %scan3A_62 = %scan3A_57 to %scan3A_59 step %scan3A_60  : i32 {
        %get3A = arith.index_cast %scan3A_62 : i32 to index
        %get3A_63 = arith.constant 0 : index
        %get3A_64 = tpu.vector_load %arg9[%get3A, %get3A_63] {strides = array<i32>} : memref<128x128xf32, #tpu.memory_space<vmem>>, vector<1x16xf32>,
        %get3A_65 = vector.shape_cast %get3A_64 : vector<1x16xf32> to vector<16xf32>
        %get3A_66 = arith.index_cast %scan3A_62 : i32 to index
        %get3A_67 = arith.constant 0 : index
        %get3A_68 = tpu.vector_load %arg10[%get3A_66, %get3A_67] {strides = array<i32>} : memref<128x128xf32, #tpu.memory_space<vmem>>, vector<1x16xf32>,
        %get3A_69 = vector.shape_cast %get3A_68 : vector<1x16xf32> to vector<16xf32>
        %add3A_70 = arith.addf %get3A_65, %get3A_69 : vector<16xf32>
        %max3A = arith.constant 0.000000e+00 : f32
        %max3A_71 = vector.broadcast %max3A : f32 to vector<16xf32>
        %max3A_72 = arith.maximumf %add3A_70, %max3A_71 : vector<16xf32>
        %swap3A = arith.index_cast %scan3A_62 : i32 to index
        %swap3A_73 = arith.constant 0 : index
        %swap3A_74 = tpu.vector_load %arg9[%swap3A, %swap3A_73] {strides = array<i32>} : memref<128x128xf32, #tpu.memory_space<vmem>>, vector<1x16xf32>,
        %swap3A_75 = vector.shape_cast %swap3A_74 : vector<1x16xf32> to vector<16xf32>
        %swap3A_76 = vector.shape_cast %max3A_72 : vector<16xf32> to vector<1x16xf32>
        tpu.vector_store %arg9[%swap3A, %swap3A_73], %swap3A_76 {strides = array<i32>} : memref<128x128xf32, #tpu.memory_space<vmem>>, vector<1x16xf32>,
        %get3A_77 = arith.index_cast %scan3A_62 : i32 to index
        %get3A_78 = arith.constant 16 : index
        %get3A_79 = tpu.vector_load %arg9[%get3A_77, %get3A_78] {strides = array<i32>} : memref<128x128xf32, #tpu.memory_space<vmem>>, vector<1x16xf32>,
        %get3A_80 = vector.shape_cast %get3A_79 : vector<1x16xf32> to vector<16xf32>
        %get3A_81 = arith.index_cast %scan3A_62 : i32 to index
        %get3A_82 = arith.constant 16 : index
        %get3A_83 = tpu.vector_load %arg10[%get3A_81, %get3A_82] {strides = array<i32>} : memref<128x128xf32, #tpu.memory_space<vmem>>, vector<1x16xf32>,
        %get3A_84 = vector.shape_cast %get3A_83 : vector<1x16xf32> to vector<16xf32>
        %add3A_85 = arith.addf %get3A_80, %get3A_84 : vector<16xf32>
        %max3A_86 = arith.constant 0.000000e+00 : f32
        %max3A_87 = vector.broadcast %max3A_86 : f32 to vector<16xf32>
        %max3A_88 = arith.maximumf %add3A_85, %max3A_87 : vector<16xf32>
        %swap3A_89 = arith.index_cast %scan3A_62 : i32 to index
        %swap3A_90 = arith.constant 16 : index
        %swap3A_91 = tpu.vector_load %arg9[%swap3A_89, %swap3A_90] {strides = array<i32>} : memref<128x128xf32, #tpu.memory_space<vmem>>, vector<1x16xf32>,
        %swap3A_92 = vector.shape_cast %swap3A_91 : vector<1x16xf32> to vector<16xf32>
        %swap3A_93 = vector.shape_cast %max3A_88 : vector<16xf32> to vector<1x16xf32>
        tpu.vector_store %arg9[%swap3A_89, %swap3A_90], %swap3A_93 {strides = array<i32>} : memref<128x128xf32, #tpu.memory_space<vmem>>, vector<1x16xf32>,
        %get3A_94 = arith.index_cast %scan3A_62 : i32 to index
        %get3A_95 = arith.constant 32 : index
        %get3A_96 = tpu.vector_load %arg9[%get3A_94, %get3A_95] {strides = array<i32>} : memref<128x128xf32, #tpu.memory_space<vmem>>, vector<1x16xf32>,
        %get3A_97 = vector.shape_cast %get3A_96 : vector<1x16xf32> to vector<16xf32>
        %get3A_98 = arith.index_cast %scan3A_62 : i32 to index
        %get3A_99 = arith.constant 32 : index
        %get3A_100 = tpu.vector_load %arg10[%get3A_98, %get3A_99] {strides = array<i32>} : memref<128x128xf32, #tpu.memory_space<vmem>>, vector<1x16xf32>,
        %get3A_101 = vector.shape_cast %get3A_100 : vector<1x16xf32> to vector<16xf32>
        %add3A_102 = arith.addf %get3A_97, %get3A_101 : vector<16xf32>
        %max3A_103 = arith.constant 0.000000e+00 : f32
        %max3A_104 = vector.broadcast %max3A_103 : f32 to vector<16xf32>
        %max3A_105 = arith.maximumf %add3A_102, %max3A_104 : vector<16xf32>
        %swap3A_106 = arith.index_cast %scan3A_62 : i32 to index
        %swap3A_107 = arith.constant 32 : index
        %swap3A_108 = tpu.vector_load %arg9[%swap3A_106, %swap3A_107] {strides = array<i32>} : memref<128x128xf32, #tpu.memory_space<vmem>>, vector<1x16xf32>,
        %swap3A_109 = vector.shape_cast %swap3A_108 : vector<1x16xf32> to vector<16xf32>
        %swap3A_110 = vector.shape_cast %max3A_105 : vector<16xf32> to vector<1x16xf32>
        tpu.vector_store %arg9[%swap3A_106, %swap3A_107], %swap3A_110 {strides = array<i32>} : memref<128x128xf32, #tpu.memory_space<vmem>>, vector<1x16xf32>,
        %get3A_111 = arith.index_cast %scan3A_62 : i32 to index
        %get3A_112 = arith.constant 48 : index
        %get3A_113 = tpu.vector_load %arg9[%get3A_111, %get3A_112] {strides = array<i32>} : memref<128x128xf32, #tpu.memory_space<vmem>>, vector<1x16xf32>,
        %get3A_114 = vector.shape_cast %get3A_113 : vector<1x16xf32> to vector<16xf32>
        %get3A_115 = arith.index_cast %scan3A_62 : i32 to index
        %get3A_116 = arith.constant 48 : index
        %get3A_117 = tpu.vector_load %arg10[%get3A_115, %get3A_116] {strides = array<i32>} : memref<128x128xf32, #tpu.memory_space<vmem>>, vector<1x16xf32>,
        %get3A_118 = vector.shape_cast %get3A_117 : vector<1x16xf32> to vector<16xf32>
        %add3A_119 = arith.addf %get3A_114, %get3A_118 : vector<16xf32>
        %max3A_120 = arith.constant 0.000000e+00 : f32
        %max3A_121 = vector.broadcast %max3A_120 : f32 to vector<16xf32>
        %max3A_122 = arith.maximumf %add3A_119, %max3A_121 : vector<16xf32>
        %swap3A_123 = arith.index_cast %scan3A_62 : i32 to index
        %swap3A_124 = arith.constant 48 : index
        %swap3A_125 = tpu.vector_load %arg9[%swap3A_123, %swap3A_124] {strides = array<i32>} : memref<128x128xf32, #tpu.memory_space<vmem>>, vector<1x16xf32>,
        %swap3A_126 = vector.shape_cast %swap3A_125 : vector<1x16xf32> to vector<16xf32>
        %swap3A_127 = vector.shape_cast %max3A_122 : vector<16xf32> to vector<1x16xf32>
        tpu.vector_store %arg9[%swap3A_123, %swap3A_124], %swap3A_127 {strides = array<i32>} : memref<128x128xf32, #tpu.memory_space<vmem>>, vector<1x16xf32>,
        %get3A_128 = arith.index_cast %scan3A_62 : i32 to index
        %get3A_129 = arith.constant 64 : index
        %get3A_130 = tpu.vector_load %arg9[%get3A_128, %get3A_129] {strides = array<i32>} : memref<128x128xf32, #tpu.memory_space<vmem>>, vector<1x16xf32>,
        %get3A_131 = vector.shape_cast %get3A_130 : vector<1x16xf32> to vector<16xf32>
        %get3A_132 = arith.index_cast %scan3A_62 : i32 to index
        %get3A_133 = arith.constant 64 : index
        %get3A_134 = tpu.vector_load %arg10[%get3A_132, %get3A_133] {strides = array<i32>} : memref<128x128xf32, #tpu.memory_space<vmem>>, vector<1x16xf32>,
        %get3A_135 = vector.shape_cast %get3A_134 : vector<1x16xf32> to vector<16xf32>
        %add3A_136 = arith.addf %get3A_131, %get3A_135 : vector<16xf32>
        %max3A_137 = arith.constant 0.000000e+00 : f32
        %max3A_138 = vector.broadcast %max3A_137 : f32 to vector<16xf32>
        %max3A_139 = arith.maximumf %add3A_136, %max3A_138 : vector<16xf32>
        %swap3A_140 = arith.index_cast %scan3A_62 : i32 to index
        %swap3A_141 = arith.constant 64 : index
        %swap3A_142 = tpu.vector_load %arg9[%swap3A_140, %swap3A_141] {strides = array<i32>} : memref<128x128xf32, #tpu.memory_space<vmem>>, vector<1x16xf32>,
        %swap3A_143 = vector.shape_cast %swap3A_142 : vector<1x16xf32> to vector<16xf32>
        %swap3A_144 = vector.shape_cast %max3A_139 : vector<16xf32> to vector<1x16xf32>
        tpu.vector_store %arg9[%swap3A_140, %swap3A_141], %swap3A_144 {strides = array<i32>} : memref<128x128xf32, #tpu.memory_space<vmem>>, vector<1x16xf32>,
        %get3A_145 = arith.index_cast %scan3A_62 : i32 to index
        %get3A_146 = arith.constant 80 : index
        %get3A_147 = tpu.vector_load %arg9[%get3A_145, %get3A_146] {strides = array<i32>} : memref<128x128xf32, #tpu.memory_space<vmem>>, vector<1x16xf32>,
        %get3A_148 = vector.shape_cast %get3A_147 : vector<1x16xf32> to vector<16xf32>
        %get3A_149 = arith.index_cast %scan3A_62 : i32 to index
        %get3A_150 = arith.constant 80 : index
        %get3A_151 = tpu.vector_load %arg10[%get3A_149, %get3A_150] {strides = array<i32>} : memref<128x128xf32, #tpu.memory_space<vmem>>, vector<1x16xf32>,
        %get3A_152 = vector.shape_cast %get3A_151 : vector<1x16xf32> to vector<16xf32>
        %add3A_153 = arith.addf %get3A_148, %get3A_152 : vector<16xf32>
        %max3A_154 = arith.constant 0.000000e+00 : f32
        %max3A_155 = vector.broadcast %max3A_154 : f32 to vector<16xf32>
        %max3A_156 = arith.maximumf %add3A_153, %max3A_155 : vector<16xf32>
        %swap3A_157 = arith.index_cast %scan3A_62 : i32 to index
        %swap3A_158 = arith.constant 80 : index
        %swap3A_159 = tpu.vector_load %arg9[%swap3A_157, %swap3A_158] {strides = array<i32>} : memref<128x128xf32, #tpu.memory_space<vmem>>, vector<1x16xf32>,
        %swap3A_160 = vector.shape_cast %swap3A_159 : vector<1x16xf32> to vector<16xf32>
        %swap3A_161 = vector.shape_cast %max3A_156 : vector<16xf32> to vector<1x16xf32>
        tpu.vector_store %arg9[%swap3A_157, %swap3A_158], %swap3A_161 {strides = array<i32>} : memref<128x128xf32, #tpu.memory_space<vmem>>, vector<1x16xf32>,
        %get3A_162 = arith.index_cast %scan3A_62 : i32 to index
        %get3A_163 = arith.constant 96 : index
        %get3A_164 = tpu.vector_load %arg9[%get3A_162, %get3A_163] {strides = array<i32>} : memref<128x128xf32, #tpu.memory_space<vmem>>, vector<1x16xf32>,
        %get3A_165 = vector.shape_cast %get3A_164 : vector<1x16xf32> to vector<16xf32>
        %get3A_166 = arith.index_cast %scan3A_62 : i32 to index
        %get3A_167 = arith.constant 96 : index
        %get3A_168 = tpu.vector_load %arg10[%get3A_166, %get3A_167] {strides = array<i32>} : memref<128x128xf32, #tpu.memory_space<vmem>>, vector<1x16xf32>,
        %get3A_169 = vector.shape_cast %get3A_168 : vector<1x16xf32> to vector<16xf32>
        %add3A_170 = arith.addf %get3A_165, %get3A_169 : vector<16xf32>
        %max3A_171 = arith.constant 0.000000e+00 : f32
        %max3A_172 = vector.broadcast %max3A_171 : f32 to vector<16xf32>
        %max3A_173 = arith.maximumf %add3A_170, %max3A_172 : vector<16xf32>
        %swap3A_174 = arith.index_cast %scan3A_62 : i32 to index
        %swap3A_175 = arith.constant 96 : index
        %swap3A_176 = tpu.vector_load %arg9[%swap3A_174, %swap3A_175] {strides = array<i32>} : memref<128x128xf32, #tpu.memory_space<vmem>>, vector<1x16xf32>,
        %swap3A_177 = vector.shape_cast %swap3A_176 : vector<1x16xf32> to vector<16xf32>
        %swap3A_178 = vector.shape_cast %max3A_173 : vector<16xf32> to vector<1x16xf32>
        tpu.vector_store %arg9[%swap3A_174, %swap3A_175], %swap3A_178 {strides = array<i32>} : memref<128x128xf32, #tpu.memory_space<vmem>>, vector<1x16xf32>,
        %get3A_179 = arith.index_cast %scan3A_62 : i32 to index
        %get3A_180 = arith.constant 112 : index
        %get3A_181 = tpu.vector_load %arg9[%get3A_179, %get3A_180] {strides = array<i32>} : memref<128x128xf32, #tpu.memory_space<vmem>>, vector<1x16xf32>,
        %get3A_182 = vector.shape_cast %get3A_181 : vector<1x16xf32> to vector<16xf32>
        %get3A_183 = arith.index_cast %scan3A_62 : i32 to index
        %get3A_184 = arith.constant 112 : index
        %get3A_185 = tpu.vector_load %arg10[%get3A_183, %get3A_184] {strides = array<i32>} : memref<128x128xf32, #tpu.memory_space<vmem>>, vector<1x16xf32>,
        %get3A_186 = vector.shape_cast %get3A_185 : vector<1x16xf32> to vector<16xf32>
        %add3A_187 = arith.addf %get3A_182, %get3A_186 : vector<16xf32>
        %max3A_188 = arith.constant 0.000000e+00 : f32
        %max3A_189 = vector.broadcast %max3A_188 : f32 to vector<16xf32>
        %max3A_190 = arith.maximumf %add3A_187, %max3A_189 : vector<16xf32>
        %swap3A_191 = arith.index_cast %scan3A_62 : i32 to index
        %swap3A_192 = arith.constant 112 : index
        %swap3A_193 = tpu.vector_load %arg9[%swap3A_191, %swap3A_192] {strides = array<i32>} : memref<128x128xf32, #tpu.memory_space<vmem>>, vector<1x16xf32>,
        %swap3A_194 = vector.shape_cast %swap3A_193 : vector<1x16xf32> to vector<16xf32>
        %swap3A_195 = vector.shape_cast %max3A_190 : vector<16xf32> to vector<1x16xf32>
        tpu.vector_store %arg9[%swap3A_191, %swap3A_192], %swap3A_195 {strides = array<i32>} : memref<128x128xf32, #tpu.memory_space<vmem>>, vector<1x16xf32>,
      }
      %scan3A_61 = arith.constant 128 : i32
      "tpu.region"() ({
        %run_scoped3A = tpu.sem_alloc : memref<!tpu.dma_semaphore, #tpu.memory_space<semaphore_mem>>
        %dma_start3A_62 = arith.constant 0 : i32
        %dma_start3A_63 = arith.constant 0 : i32
        %dma_start3A_64 = tpu.memref_slice %arg11[%dma_start3A_62, %dma_start3A_63] : memref<10112x128xf32, #tpu.memory_space<vmem_shared>> -> memref<10112x128xf32, #tpu.memory_space<vmem_shared>>
        tpu.enqueue_indirect_dma source(%arg9 : memref<128x128xf32, #tpu.memory_space<vmem>>) target(%dma_start3A_64 : memref<10112x128xf32, #tpu.memory_space<vmem_shared>>) offsets(%arg8 : memref<128xi32, #tpu.memory_space<vmem>>) semaphore(%run_scoped3A : memref<!tpu.dma_semaphore, #tpu.memory_space<semaphore_mem>>) {add = true}
        %dma_wait3A_65 = arith.constant 0 : i32
        %dma_wait3A_66 = arith.constant 0 : i32
        %dma_wait3A_67 = tpu.memref_slice %arg11[%dma_wait3A_65, %dma_wait3A_66] : memref<10112x128xf32, #tpu.memory_space<vmem_shared>> -> memref<10112x128xf32, #tpu.memory_space<vmem_shared>>
        tpu.wait_indirect_dma semaphore(%run_scoped3A : memref<!tpu.dma_semaphore, #tpu.memory_space<semaphore_mem>>) src(%arg9 : memref<128x128xf32, #tpu.memory_space<vmem>>) dst(%dma_wait3A_67 : memref<10112x128xf32, #tpu.memory_space<vmem_shared>>)
        tpu.yield
      }) : () -> ()
    }
    %scan3A_26 = arith.constant 157 : i32
    %barrier3A_27 = arith.constant 0 : index
    tpu.barrier barrier_id(%barrier3A_27)
    %add3A_28 = arith.constant 0 : i32
    %add3A_29 = arith.addi %mul3A_8, %add3A_28 : i32
    %add3A_30 = arith.constant 0 : i32
    %add3A_31 = arith.addi %mul3A_8, %add3A_30 : i32
    "tpu.region"() ({
      %run_scoped3A = tpu.sem_alloc : memref<!tpu.dma_semaphore, #tpu.memory_space<semaphore_mem>>
      %dma_start3A = arith.constant 0 : i32
      %dma_start3A_48 = arith.constant 0 : i32
      %dma_start3A_49 = tpu.memref_slice %arg6[%arg0, %dma_start3A, %dma_start3A_48] : memref<2x10112x128xf32, #tpu.memory_space<hbm>> -> memref<1x10112x128xf32, #tpu.memory_space<hbm>>
      %dma_start3A_50 = tpu.memref_squeeze %dma_start3A_49 : memref<1x10112x128xf32, #tpu.memory_space<hbm>> -> memref<10112x128xf32, #tpu.memory_space<hbm>>
      %dma_start3A_51 = arith.constant 0 : i32
      %dma_start3A_52 = tpu.memref_slice %dma_start3A_50[%add3A_31, %dma_start3A_51] : memref<10112x128xf32, #tpu.memory_space<hbm>> -> memref<128x128xf32, #tpu.memory_space<hbm>>
      %dma_start3A_53 = arith.constant 0 : i32
      %dma_start3A_54 = tpu.memref_slice %arg11[%add3A_29, %dma_start3A_53] : memref<10112x128xf32, #tpu.memory_space<vmem_shared>> -> memref<128x128xf32, #tpu.memory_space<vmem_shared>>
      tpu.enqueue_dma source(%dma_start3A_54 : memref<128x128xf32, #tpu.memory_space<vmem_shared>>) target(%dma_start3A_52 : memref<128x128xf32, #tpu.memory_space<hbm>>) target_semaphore(%run_scoped3A : memref<!tpu.dma_semaphore, #tpu.memory_space<semaphore_mem>>)
      %dma_wait3A = arith.constant 0 : i32
      %dma_wait3A_55 = arith.constant 0 : i32
      %dma_wait3A_56 = tpu.memref_slice %arg6[%arg0, %dma_wait3A, %dma_wait3A_55] : memref<2x10112x128xf32, #tpu.memory_space<hbm>> -> memref<1x10112x128xf32, #tpu.memory_space<hbm>>
      %dma_wait3A_57 = tpu.memref_squeeze %dma_wait3A_56 : memref<1x10112x128xf32, #tpu.memory_space<hbm>> -> memref<10112x128xf32, #tpu.memory_space<hbm>>
      %dma_wait3A_58 = arith.constant 0 : i32
      %dma_wait3A_59 = tpu.memref_slice %dma_wait3A_57[%add3A_31, %dma_wait3A_58] : memref<10112x128xf32, #tpu.memory_space<hbm>> -> memref<128x128xf32, #tpu.memory_space<hbm>>
      %dma_wait3A_60 = arith.constant 0 : i32
      %dma_wait3A_61 = tpu.memref_slice %arg11[%add3A_29, %dma_wait3A_60] : memref<10112x128xf32, #tpu.memory_space<vmem_shared>> -> memref<128x128xf32, #tpu.memory_space<vmem_shared>>
      tpu.wait_dma2 semaphore(%run_scoped3A : memref<!tpu.dma_semaphore, #tpu.memory_space<semaphore_mem>>) src(%dma_wait3A_61 : memref<128x128xf32, #tpu.memory_space<vmem_shared>>) dst(%dma_wait3A_59 : memref<128x128xf32, #tpu.memory_space<hbm>>)
      tpu.yield
    }) : () -> ()
    %add3A_32 = arith.constant 128 : i32
    %add3A_33 = arith.addi %mul3A_8, %add3A_32 : i32
    %add3A_34 = arith.constant 128 : i32
    %add3A_35 = arith.addi %mul3A_8, %add3A_34 : i32
    "tpu.region"() ({
      %run_scoped3A = tpu.sem_alloc : memref<!tpu.dma_semaphore, #tpu.memory_space<semaphore_mem>>
      %dma_start3A = arith.constant 0 : i32
      %dma_start3A_48 = arith.constant 0 : i32
      %dma_start3A_49 = tpu.memref_slice %arg6[%arg0, %dma_start3A, %dma_start3A_48] : memref<2x10112x128xf32, #tpu.memory_space<hbm>> -> memref<1x10112x128xf32, #tpu.memory_space<hbm>>
      %dma_start3A_50 = tpu.memref_squeeze %dma_start3A_49 : memref<1x10112x128xf32, #tpu.memory_space<hbm>> -> memref<10112x128xf32, #tpu.memory_space<hbm>>
      %dma_start3A_51 = arith.constant 0 : i32
      %dma_start3A_52 = tpu.memref_slice %dma_start3A_50[%add3A_35, %dma_start3A_51] : memref<10112x128xf32, #tpu.memory_space<hbm>> -> memref<128x128xf32, #tpu.memory_space<hbm>>
      %dma_start3A_53 = arith.constant 0 : i32
      %dma_start3A_54 = tpu.memref_slice %arg11[%add3A_33, %dma_start3A_53] : memref<10112x128xf32, #tpu.memory_space<vmem_shared>> -> memref<128x128xf32, #tpu.memory_space<vmem_shared>>
      tpu.enqueue_dma source(%dma_start3A_54 : memref<128x128xf32, #tpu.memory_space<vmem_shared>>) target(%dma_start3A_52 : memref<128x128xf32, #tpu.memory_space<hbm>>) target_semaphore(%run_scoped3A : memref<!tpu.dma_semaphore, #tpu.memory_space<semaphore_mem>>)
      %dma_wait3A = arith.constant 0 : i32
      %dma_wait3A_55 = arith.constant 0 : i32
      %dma_wait3A_56 = tpu.memref_slice %arg6[%arg0, %dma_wait3A, %dma_wait3A_55] : memref<2x10112x128xf32, #tpu.memory_space<hbm>> -> memref<1x10112x128xf32, #tpu.memory_space<hbm>>
      %dma_wait3A_57 = tpu.memref_squeeze %dma_wait3A_56 : memref<1x10112x128xf32, #tpu.memory_space<hbm>> -> memref<10112x128xf32, #tpu.memory_space<hbm>>
      %dma_wait3A_58 = arith.constant 0 : i32
      %dma_wait3A_59 = tpu.memref_slice %dma_wait3A_57[%add3A_35, %dma_wait3A_58] : memref<10112x128xf32, #tpu.memory_space<hbm>> -> memref<128x128xf32, #tpu.memory_space<hbm>>
      %dma_wait3A_60 = arith.constant 0 : i32
      %dma_wait3A_61 = tpu.memref_slice %arg11[%add3A_33, %dma_wait3A_60] : memref<10112x128xf32, #tpu.memory_space<vmem_shared>> -> memref<128x128xf32, #tpu.memory_space<vmem_shared>>
      tpu.wait_dma2 semaphore(%run_scoped3A : memref<!tpu.dma_semaphore, #tpu.memory_space<semaphore_mem>>) src(%dma_wait3A_61 : memref<128x128xf32, #tpu.memory_space<vmem_shared>>) dst(%dma_wait3A_59 : memref<128x128xf32, #tpu.memory_space<hbm>>)
      tpu.yield
    }) : () -> ()
    %add3A_36 = arith.constant 256 : i32
    %add3A_37 = arith.addi %mul3A_8, %add3A_36 : i32
    %add3A_38 = arith.constant 256 : i32
    %add3A_39 = arith.addi %mul3A_8, %add3A_38 : i32
    "tpu.region"() ({
      %run_scoped3A = tpu.sem_alloc : memref<!tpu.dma_semaphore, #tpu.memory_space<semaphore_mem>>
      %dma_start3A = arith.constant 0 : i32
      %dma_start3A_48 = arith.constant 0 : i32
      %dma_start3A_49 = tpu.memref_slice %arg6[%arg0, %dma_start3A, %dma_start3A_48] : memref<2x10112x128xf32, #tpu.memory_space<hbm>> -> memref<1x10112x128xf32, #tpu.memory_space<hbm>>
      %dma_start3A_50 = tpu.memref_squeeze %dma_start3A_49 : memref<1x10112x128xf32, #tpu.memory_space<hbm>> -> memref<10112x128xf32, #tpu.memory_space<hbm>>
      %dma_start3A_51 = arith.constant 0 : i32
      %dma_start3A_52 = tpu.memref_slice %dma_start3A_50[%add3A_39, %dma_start3A_51] : memref<10112x128xf32, #tpu.memory_space<hbm>> -> memref<128x128xf32, #tpu.memory_space<hbm>>
      %dma_start3A_53 = arith.constant 0 : i32
      %dma_start3A_54 = tpu.memref_slice %arg11[%add3A_37, %dma_start3A_53] : memref<10112x128xf32, #tpu.memory_space<vmem_shared>> -> memref<128x128xf32, #tpu.memory_space<vmem_shared>>
      tpu.enqueue_dma source(%dma_start3A_54 : memref<128x128xf32, #tpu.memory_space<vmem_shared>>) target(%dma_start3A_52 : memref<128x128xf32, #tpu.memory_space<hbm>>) target_semaphore(%run_scoped3A : memref<!tpu.dma_semaphore, #tpu.memory_space<semaphore_mem>>)
      %dma_wait3A = arith.constant 0 : i32
      %dma_wait3A_55 = arith.constant 0 : i32
      %dma_wait3A_56 = tpu.memref_slice %arg6[%arg0, %dma_wait3A, %dma_wait3A_55] : memref<2x10112x128xf32, #tpu.memory_space<hbm>> -> memref<1x10112x128xf32, #tpu.memory_space<hbm>>
      %dma_wait3A_57 = tpu.memref_squeeze %dma_wait3A_56 : memref<1x10112x128xf32, #tpu.memory_space<hbm>> -> memref<10112x128xf32, #tpu.memory_space<hbm>>
      %dma_wait3A_58 = arith.constant 0 : i32
      %dma_wait3A_59 = tpu.memref_slice %dma_wait3A_57[%add3A_39, %dma_wait3A_58] : memref<10112x128xf32, #tpu.memory_space<hbm>> -> memref<128x128xf32, #tpu.memory_space<hbm>>
      %dma_wait3A_60 = arith.constant 0 : i32
      %dma_wait3A_61 = tpu.memref_slice %arg11[%add3A_37, %dma_wait3A_60] : memref<10112x128xf32, #tpu.memory_space<vmem_shared>> -> memref<128x128xf32, #tpu.memory_space<vmem_shared>>
      tpu.wait_dma2 semaphore(%run_scoped3A : memref<!tpu.dma_semaphore, #tpu.memory_space<semaphore_mem>>) src(%dma_wait3A_61 : memref<128x128xf32, #tpu.memory_space<vmem_shared>>) dst(%dma_wait3A_59 : memref<128x128xf32, #tpu.memory_space<hbm>>)
      tpu.yield
    }) : () -> ()
    %add3A_40 = arith.constant 384 : i32
    %add3A_41 = arith.addi %mul3A_8, %add3A_40 : i32
    %add3A_42 = arith.constant 384 : i32
    %add3A_43 = arith.addi %mul3A_8, %add3A_42 : i32
    "tpu.region"() ({
      %run_scoped3A = tpu.sem_alloc : memref<!tpu.dma_semaphore, #tpu.memory_space<semaphore_mem>>
      %dma_start3A = arith.constant 0 : i32
      %dma_start3A_48 = arith.constant 0 : i32
      %dma_start3A_49 = tpu.memref_slice %arg6[%arg0, %dma_start3A, %dma_start3A_48] : memref<2x10112x128xf32, #tpu.memory_space<hbm>> -> memref<1x10112x128xf32, #tpu.memory_space<hbm>>
      %dma_start3A_50 = tpu.memref_squeeze %dma_start3A_49 : memref<1x10112x128xf32, #tpu.memory_space<hbm>> -> memref<10112x128xf32, #tpu.memory_space<hbm>>
      %dma_start3A_51 = arith.constant 0 : i32
      %dma_start3A_52 = tpu.memref_slice %dma_start3A_50[%add3A_43, %dma_start3A_51] : memref<10112x128xf32, #tpu.memory_space<hbm>> -> memref<128x128xf32, #tpu.memory_space<hbm>>
      %dma_start3A_53 = arith.constant 0 : i32
      %dma_start3A_54 = tpu.memref_slice %arg11[%add3A_41, %dma_start3A_53] : memref<10112x128xf32, #tpu.memory_space<vmem_shared>> -> memref<128x128xf32, #tpu.memory_space<vmem_shared>>
      tpu.enqueue_dma source(%dma_start3A_54 : memref<128x128xf32, #tpu.memory_space<vmem_shared>>) target(%dma_start3A_52 : memref<128x128xf32, #tpu.memory_space<hbm>>) target_semaphore(%run_scoped3A : memref<!tpu.dma_semaphore, #tpu.memory_space<semaphore_mem>>)
      %dma_wait3A = arith.constant 0 : i32
      %dma_wait3A_55 = arith.constant 0 : i32
      %dma_wait3A_56 = tpu.memref_slice %arg6[%arg0, %dma_wait3A, %dma_wait3A_55] : memref<2x10112x128xf32, #tpu.memory_space<hbm>> -> memref<1x10112x128xf32, #tpu.memory_space<hbm>>
      %dma_wait3A_57 = tpu.memref_squeeze %dma_wait3A_56 : memref<1x10112x128xf32, #tpu.memory_space<hbm>> -> memref<10112x128xf32, #tpu.memory_space<hbm>>
      %dma_wait3A_58 = arith.constant 0 : i32
      %dma_wait3A_59 = tpu.memref_slice %dma_wait3A_57[%add3A_43, %dma_wait3A_58] : memref<10112x128xf32, #tpu.memory_space<hbm>> -> memref<128x128xf32, #tpu.memory_space<hbm>>
      %dma_wait3A_60 = arith.constant 0 : i32
      %dma_wait3A_61 = tpu.memref_slice %arg11[%add3A_41, %dma_wait3A_60] : memref<10112x128xf32, #tpu.memory_space<vmem_shared>> -> memref<128x128xf32, #tpu.memory_space<vmem_shared>>
      tpu.wait_dma2 semaphore(%run_scoped3A : memref<!tpu.dma_semaphore, #tpu.memory_space<semaphore_mem>>) src(%dma_wait3A_61 : memref<128x128xf32, #tpu.memory_space<vmem_shared>>) dst(%dma_wait3A_59 : memref<128x128xf32, #tpu.memory_space<hbm>>)
      tpu.yield
    }) : () -> ()
    %add3A_44 = arith.constant 512 : i32
    %add3A_45 = arith.addi %mul3A_8, %add3A_44 : i32
    %add3A_46 = arith.constant 512 : i32
    %add3A_47 = arith.addi %mul3A_8, %add3A_46 : i32
    "tpu.region"() ({
      %run_scoped3A = tpu.sem_alloc : memref<!tpu.dma_semaphore, #tpu.memory_space<semaphore_mem>>
      %dma_start3A = arith.constant 0 : i32
      %dma_start3A_48 = arith.constant 0 : i32
      %dma_start3A_49 = tpu.memref_slice %arg6[%arg0, %dma_start3A, %dma_start3A_48] : memref<2x10112x128xf32, #tpu.memory_space<hbm>> -> memref<1x10112x128xf32, #tpu.memory_space<hbm>>
      %dma_start3A_50 = tpu.memref_squeeze %dma_start3A_49 : memref<1x10112x128xf32, #tpu.memory_space<hbm>> -> memref<10112x128xf32, #tpu.memory_space<hbm>>
      %dma_start3A_51 = arith.constant 0 : i32
      %dma_start3A_52 = tpu.memref_slice %dma_start3A_50[%add3A_47, %dma_start3A_51] : memref<10112x128xf32, #tpu.memory_space<hbm>> -> memref<120x128xf32, #tpu.memory_space<hbm>>
      %dma_start3A_53 = arith.constant 0 : i32
      %dma_start3A_54 = tpu.memref_slice %arg11[%add3A_45, %dma_start3A_53] : memref<10112x128xf32, #tpu.memory_space<vmem_shared>> -> memref<120x128xf32, #tpu.memory_space<vmem_shared>>
      tpu.enqueue_dma source(%dma_start3A_54 : memref<120x128xf32, #tpu.memory_space<vmem_shared>>) target(%dma_start3A_52 : memref<120x128xf32, #tpu.memory_space<hbm>>) target_semaphore(%run_scoped3A : memref<!tpu.dma_semaphore, #tpu.memory_space<semaphore_mem>>)
      %dma_wait3A = arith.constant 0 : i32
      %dma_wait3A_55 = arith.constant 0 : i32
      %dma_wait3A_56 = tpu.memref_slice %arg6[%arg0, %dma_wait3A, %dma_wait3A_55] : memref<2x10112x128xf32, #tpu.memory_space<hbm>> -> memref<1x10112x128xf32, #tpu.memory_space<hbm>>
      %dma_wait3A_57 = tpu.memref_squeeze %dma_wait3A_56 : memref<1x10112x128xf32, #tpu.memory_space<hbm>> -> memref<10112x128xf32, #tpu.memory_space<hbm>>
      %dma_wait3A_58 = arith.constant 0 : i32
      %dma_wait3A_59 = tpu.memref_slice %dma_wait3A_57[%add3A_47, %dma_wait3A_58] : memref<10112x128xf32, #tpu.memory_space<hbm>> -> memref<120x128xf32, #tpu.memory_space<hbm>>
      %dma_wait3A_60 = arith.constant 0 : i32
      %dma_wait3A_61 = tpu.memref_slice %arg11[%add3A_45, %dma_wait3A_60] : memref<10112x128xf32, #tpu.memory_space<vmem_shared>> -> memref<120x128xf32, #tpu.memory_space<vmem_shared>>
      tpu.wait_dma2 semaphore(%run_scoped3A : memref<!tpu.dma_semaphore, #tpu.memory_space<semaphore_mem>>) src(%dma_wait3A_61 : memref<120x128xf32, #tpu.memory_space<vmem_shared>>) dst(%dma_wait3A_59 : memref<120x128xf32, #tpu.memory_space<hbm>>)
      tpu.yield
    }) : () -> ()
    return
  }
}

#map = affine_map<(d0, d1) -> (0, 0)>
#map1 = affine_map<(d0, d1) -> (0)>
#map2 = affine_map<(d0, d1) -> (0, 0, 0)>
module attributes {stable_mosaic.version = 14 : i64} {
  func.func @_sc_body(%arg0: i32, %arg1: i32, %arg2: memref<10000x128xf32, #tpu.memory_space<hbm>>, %arg3: memref<643072xi32, #tpu.memory_space<hbm>>, %arg4: memref<643072xi32, #tpu.memory_space<hbm>>, %arg5: memref<643072x128xf32, #tpu.memory_space<hbm>>, %arg6: memref<2x10112x128xf32, #tpu.memory_space<hbm>>, %arg7: memref<128xi32, #tpu.memory_space<vmem>>, %arg8: memref<128xi32, #tpu.memory_space<vmem>>, %arg9: memref<128x128xf32, #tpu.memory_space<vmem>>, %arg10: memref<128x128xf32, #tpu.memory_space<vmem>>, %arg11: memref<10112x128xf32, #tpu.memory_space<vmem_shared>>, %arg12: memref<!tpu.dma_semaphore, #tpu.memory_space<semaphore_mem>>) attributes {dimension_semantics = [#tpu.dimension_semantics<core_parallel>, #tpu.dimension_semantics<subcore_parallel>], iteration_bounds = array<i64: 2, 16>, scalar_prefetch = 0 : i64, scratch_operands = 6 : i64, tpu.core_type = #tpu.core_type<sc_vector_subcore>, window_params = [{transform_indices = #map}, {transform_indices = #map1}, {transform_indices = #map1}, {transform_indices = #map}, {transform_indices = #map2}]} {
    %mul3A = arith.constant 16 : i32
    %mul3A_0 = arith.muli %arg0, %mul3A : i32
    %add3A = arith.addi %mul3A_0, %arg1 : i32
    %broadcast_in_dim3A = arith.constant 0.000000e+00 : f32
    %broadcast_in_dim3A_1 = vector.broadcast %broadcast_in_dim3A : f32 to vector<16xf32>
    %scan3A = arith.constant 0 : i32
    %scan3A_2 = arith.constant 0 : i32
    %scan3A_3 = arith.constant 128 : i32
    %scan3A_4 = arith.addi %scan3A_2, %scan3A_3 : i32
    %scan3A_5 = arith.constant 1 : i32
    scf.for %scan3A_48 = %scan3A_2 to %scan3A_4 step %scan3A_5  : i32 {
      %swap3A = arith.index_cast %scan3A_48 : i32 to index
      %swap3A_49 = arith.constant 0 : index
      %swap3A_50 = tpu.vector_load %arg9[%swap3A, %swap3A_49] {strides = array<i32>} : memref<128x128xf32, #tpu.memory_space<vmem>>, vector<1x16xf32>,
      %swap3A_51 = vector.shape_cast %swap3A_50 : vector<1x16xf32> to vector<16xf32>
      %swap3A_52 = vector.shape_cast %broadcast_in_dim3A_1 : vector<16xf32> to vector<1x16xf32>
      tpu.vector_store %arg9[%swap3A, %swap3A_49], %swap3A_52 {strides = array<i32>} : memref<128x128xf32, #tpu.memory_space<vmem>>, vector<1x16xf32>,
      %swap3A_53 = arith.index_cast %scan3A_48 : i32 to index
      %swap3A_54 = arith.constant 16 : index
      %swap3A_55 = tpu.vector_load %arg9[%swap3A_53, %swap3A_54] {strides = array<i32>} : memref<128x128xf32, #tpu.memory_space<vmem>>, vector<1x16xf32>,
      %swap3A_56 = vector.shape_cast %swap3A_55 : vector<1x16xf32> to vector<16xf32>
      %swap3A_57 = vector.shape_cast %broadcast_in_dim3A_1 : vector<16xf32> to vector<1x16xf32>
      tpu.vector_store %arg9[%swap3A_53, %swap3A_54], %swap3A_57 {strides = array<i32>} : memref<128x128xf32, #tpu.memory_space<vmem>>, vector<1x16xf32>,
      %swap3A_58 = arith.index_cast %scan3A_48 : i32 to index
      %swap3A_59 = arith.constant 32 : index
      %swap3A_60 = tpu.vector_load %arg9[%swap3A_58, %swap3A_59] {strides = array<i32>} : memref<128x128xf32, #tpu.memory_space<vmem>>, vector<1x16xf32>,
      %swap3A_61 = vector.shape_cast %swap3A_60 : vector<1x16xf32> to vector<16xf32>
      %swap3A_62 = vector.shape_cast %broadcast_in_dim3A_1 : vector<16xf32> to vector<1x16xf32>
      tpu.vector_store %arg9[%swap3A_58, %swap3A_59], %swap3A_62 {strides = array<i32>} : memref<128x128xf32, #tpu.memory_space<vmem>>, vector<1x16xf32>,
      %swap3A_63 = arith.index_cast %scan3A_48 : i32 to index
      %swap3A_64 = arith.constant 48 : index
      %swap3A_65 = tpu.vector_load %arg9[%swap3A_63, %swap3A_64] {strides = array<i32>} : memref<128x128xf32, #tpu.memory_space<vmem>>, vector<1x16xf32>,
      %swap3A_66 = vector.shape_cast %swap3A_65 : vector<1x16xf32> to vector<16xf32>
      %swap3A_67 = vector.shape_cast %broadcast_in_dim3A_1 : vector<16xf32> to vector<1x16xf32>
      tpu.vector_store %arg9[%swap3A_63, %swap3A_64], %swap3A_67 {strides = array<i32>} : memref<128x128xf32, #tpu.memory_space<vmem>>, vector<1x16xf32>,
      %swap3A_68 = arith.index_cast %scan3A_48 : i32 to index
      %swap3A_69 = arith.constant 64 : index
      %swap3A_70 = tpu.vector_load %arg9[%swap3A_68, %swap3A_69] {strides = array<i32>} : memref<128x128xf32, #tpu.memory_space<vmem>>, vector<1x16xf32>,
      %swap3A_71 = vector.shape_cast %swap3A_70 : vector<1x16xf32> to vector<16xf32>
      %swap3A_72 = vector.shape_cast %broadcast_in_dim3A_1 : vector<16xf32> to vector<1x16xf32>
      tpu.vector_store %arg9[%swap3A_68, %swap3A_69], %swap3A_72 {strides = array<i32>} : memref<128x128xf32, #tpu.memory_space<vmem>>, vector<1x16xf32>,
      %swap3A_73 = arith.index_cast %scan3A_48 : i32 to index
      %swap3A_74 = arith.constant 80 : index
      %swap3A_75 = tpu.vector_load %arg9[%swap3A_73, %swap3A_74] {strides = array<i32>} : memref<128x128xf32, #tpu.memory_space<vmem>>, vector<1x16xf32>,
      %swap3A_76 = vector.shape_cast %swap3A_75 : vector<1x16xf32> to vector<16xf32>
      %swap3A_77 = vector.shape_cast %broadcast_in_dim3A_1 : vector<16xf32> to vector<1x16xf32>
      tpu.vector_store %arg9[%swap3A_73, %swap3A_74], %swap3A_77 {strides = array<i32>} : memref<128x128xf32, #tpu.memory_space<vmem>>, vector<1x16xf32>,
      %swap3A_78 = arith.index_cast %scan3A_48 : i32 to index
      %swap3A_79 = arith.constant 96 : index
      %swap3A_80 = tpu.vector_load %arg9[%swap3A_78, %swap3A_79] {strides = array<i32>} : memref<128x128xf32, #tpu.memory_space<vmem>>, vector<1x16xf32>,
      %swap3A_81 = vector.shape_cast %swap3A_80 : vector<1x16xf32> to vector<16xf32>
      %swap3A_82 = vector.shape_cast %broadcast_in_dim3A_1 : vector<16xf32> to vector<1x16xf32>
      tpu.vector_store %arg9[%swap3A_78, %swap3A_79], %swap3A_82 {strides = array<i32>} : memref<128x128xf32, #tpu.memory_space<vmem>>, vector<1x16xf32>,
      %swap3A_83 = arith.index_cast %scan3A_48 : i32 to index
      %swap3A_84 = arith.constant 112 : index
      %swap3A_85 = tpu.vector_load %arg9[%swap3A_83, %swap3A_84] {strides = array<i32>} : memref<128x128xf32, #tpu.memory_space<vmem>>, vector<1x16xf32>,
      %swap3A_86 = vector.shape_cast %swap3A_85 : vector<1x16xf32> to vector<16xf32>
      %swap3A_87 = vector.shape_cast %broadcast_in_dim3A_1 : vector<16xf32> to vector<1x16xf32>
      tpu.vector_store %arg9[%swap3A_83, %swap3A_84], %swap3A_87 {strides = array<i32>} : memref<128x128xf32, #tpu.memory_space<vmem>>, vector<1x16xf32>,
    }
    %scan3A_6 = arith.constant 128 : i32
    %mul3A_7 = arith.constant 632 : i32
    %mul3A_8 = arith.muli %arg1, %mul3A_7 : i32
    %add3A_9 = arith.constant 0 : i32
    %add3A_10 = arith.addi %mul3A_8, %add3A_9 : i32
    "tpu.region"() ({
      %run_scoped3A = tpu.sem_alloc : memref<!tpu.dma_semaphore, #tpu.memory_space<semaphore_mem>>
      %dma_start3A = arith.constant 0 : i32
      %dma_start3A_48 = arith.constant 0 : i32
      %dma_start3A_49 = tpu.memref_slice %arg9[%dma_start3A, %dma_start3A_48] : memref<128x128xf32, #tpu.memory_space<vmem>> -> memref<128x128xf32, #tpu.memory_space<vmem>>
      %dma_start3A_50 = arith.constant 0 : i32
      %dma_start3A_51 = tpu.memref_slice %arg11[%add3A_10, %dma_start3A_50] : memref<10112x128xf32, #tpu.memory_space<vmem_shared>> -> memref<128x128xf32, #tpu.memory_space<vmem_shared>>
      %dma_start3A_52 = arith.constant 0 : i32
      %dma_start3A_53 = tpu.memref_slice %arg11[%add3A_10, %dma_start3A_52] : memref<10112x128xf32, #tpu.memory_space<vmem_shared>> -> memref<128x128xf32, #tpu.memory_space<vmem_shared>>
      %dma_start3A_54 = arith.constant 0 : i32
      %dma_start3A_55 = arith.constant 0 : i32
      %dma_start3A_56 = tpu.memref_slice %arg9[%dma_start3A_54, %dma_start3A_55] : memref<128x128xf32, #tpu.memory_space<vmem>> -> memref<128x128xf32, #tpu.memory_space<vmem>>
      tpu.enqueue_dma source(%dma_start3A_56 : memref<128x128xf32, #tpu.memory_space<vmem>>) target(%dma_start3A_53 : memref<128x128xf32, #tpu.memory_space<vmem_shared>>) target_semaphore(%run_scoped3A : memref<!tpu.dma_semaphore, #tpu.memory_space<semaphore_mem>>)
      %dma_wait3A = arith.constant 0 : i32
      %dma_wait3A_57 = arith.constant 0 : i32
      %dma_wait3A_58 = tpu.memref_slice %arg9[%dma_wait3A, %dma_wait3A_57] : memref<128x128xf32, #tpu.memory_space<vmem>> -> memref<128x128xf32, #tpu.memory_space<vmem>>
      %dma_wait3A_59 = arith.constant 0 : i32
      %dma_wait3A_60 = tpu.memref_slice %arg11[%add3A_10, %dma_wait3A_59] : memref<10112x128xf32, #tpu.memory_space<vmem_shared>> -> memref<128x128xf32, #tpu.memory_space<vmem_shared>>
      %dma_wait3A_61 = arith.constant 0 : i32
      %dma_wait3A_62 = tpu.memref_slice %arg11[%add3A_10, %dma_wait3A_61] : memref<10112x128xf32, #tpu.memory_space<vmem_shared>> -> memref<128x128xf32, #tpu.memory_space<vmem_shared>>
      %dma_wait3A_63 = arith.constant 0 : i32
      %dma_wait3A_64 = arith.constant 0 : i32
      %dma_wait3A_65 = tpu.memref_slice %arg9[%dma_wait3A_63, %dma_wait3A_64] : memref<128x128xf32, #tpu.memory_space<vmem>> -> memref<128x128xf32, #tpu.memory_space<vmem>>
      tpu.wait_dma2 semaphore(%run_scoped3A : memref<!tpu.dma_semaphore, #tpu.memory_space<semaphore_mem>>) src(%dma_wait3A_65 : memref<128x128xf32, #tpu.memory_space<vmem>>) dst(%dma_wait3A_62 : memref<128x128xf32, #tpu.memory_space<vmem_shared>>)
      tpu.yield
    }) : () -> ()
    %add3A_11 = arith.constant 128 : i32
    %add3A_12 = arith.addi %mul3A_8, %add3A_11 : i32
    "tpu.region"() ({
      %run_scoped3A = tpu.sem_alloc : memref<!tpu.dma_semaphore, #tpu.memory_space<semaphore_mem>>
      %dma_start3A = arith.constant 0 : i32
      %dma_start3A_48 = arith.constant 0 : i32
      %dma_start3A_49 = tpu.memref_slice %arg9[%dma_start3A, %dma_start3A_48] : memref<128x128xf32, #tpu.memory_space<vmem>> -> memref<128x128xf32, #tpu.memory_space<vmem>>
      %dma_start3A_50 = arith.constant 0 : i32
      %dma_start3A_51 = tpu.memref_slice %arg11[%add3A_12, %dma_start3A_50] : memref<10112x128xf32, #tpu.memory_space<vmem_shared>> -> memref<128x128xf32, #tpu.memory_space<vmem_shared>>
      %dma_start3A_52 = arith.constant 0 : i32
      %dma_start3A_53 = tpu.memref_slice %arg11[%add3A_12, %dma_start3A_52] : memref<10112x128xf32, #tpu.memory_space<vmem_shared>> -> memref<128x128xf32, #tpu.memory_space<vmem_shared>>
      %dma_start3A_54 = arith.constant 0 : i32
      %dma_start3A_55 = arith.constant 0 : i32
      %dma_start3A_56 = tpu.memref_slice %arg9[%dma_start3A_54, %dma_start3A_55] : memref<128x128xf32, #tpu.memory_space<vmem>> -> memref<128x128xf32, #tpu.memory_space<vmem>>
      tpu.enqueue_dma source(%dma_start3A_56 : memref<128x128xf32, #tpu.memory_space<vmem>>) target(%dma_start3A_53 : memref<128x128xf32, #tpu.memory_space<vmem_shared>>) target_semaphore(%run_scoped3A : memref<!tpu.dma_semaphore, #tpu.memory_space<semaphore_mem>>)
      %dma_wait3A = arith.constant 0 : i32
      %dma_wait3A_57 = arith.constant 0 : i32
      %dma_wait3A_58 = tpu.memref_slice %arg9[%dma_wait3A, %dma_wait3A_57] : memref<128x128xf32, #tpu.memory_space<vmem>> -> memref<128x128xf32, #tpu.memory_space<vmem>>
      %dma_wait3A_59 = arith.constant 0 : i32
      %dma_wait3A_60 = tpu.memref_slice %arg11[%add3A_12, %dma_wait3A_59] : memref<10112x128xf32, #tpu.memory_space<vmem_shared>> -> memref<128x128xf32, #tpu.memory_space<vmem_shared>>
      %dma_wait3A_61 = arith.constant 0 : i32
      %dma_wait3A_62 = tpu.memref_slice %arg11[%add3A_12, %dma_wait3A_61] : memref<10112x128xf32, #tpu.memory_space<vmem_shared>> -> memref<128x128xf32, #tpu.memory_space<vmem_shared>>
      %dma_wait3A_63 = arith.constant 0 : i32
      %dma_wait3A_64 = arith.constant 0 : i32
      %dma_wait3A_65 = tpu.memref_slice %arg9[%dma_wait3A_63, %dma_wait3A_64] : memref<128x128xf32, #tpu.memory_space<vmem>> -> memref<128x128xf32, #tpu.memory_space<vmem>>
      tpu.wait_dma2 semaphore(%run_scoped3A : memref<!tpu.dma_semaphore, #tpu.memory_space<semaphore_mem>>) src(%dma_wait3A_65 : memref<128x128xf32, #tpu.memory_space<vmem>>) dst(%dma_wait3A_62 : memref<128x128xf32, #tpu.memory_space<vmem_shared>>)
      tpu.yield
    }) : () -> ()
    %add3A_13 = arith.constant 256 : i32
    %add3A_14 = arith.addi %mul3A_8, %add3A_13 : i32
    "tpu.region"() ({
      %run_scoped3A = tpu.sem_alloc : memref<!tpu.dma_semaphore, #tpu.memory_space<semaphore_mem>>
      %dma_start3A = arith.constant 0 : i32
      %dma_start3A_48 = arith.constant 0 : i32
      %dma_start3A_49 = tpu.memref_slice %arg9[%dma_start3A, %dma_start3A_48] : memref<128x128xf32, #tpu.memory_space<vmem>> -> memref<128x128xf32, #tpu.memory_space<vmem>>
      %dma_start3A_50 = arith.constant 0 : i32
      %dma_start3A_51 = tpu.memref_slice %arg11[%add3A_14, %dma_start3A_50] : memref<10112x128xf32, #tpu.memory_space<vmem_shared>> -> memref<128x128xf32, #tpu.memory_space<vmem_shared>>
      %dma_start3A_52 = arith.constant 0 : i32
      %dma_start3A_53 = tpu.memref_slice %arg11[%add3A_14, %dma_start3A_52] : memref<10112x128xf32, #tpu.memory_space<vmem_shared>> -> memref<128x128xf32, #tpu.memory_space<vmem_shared>>
      %dma_start3A_54 = arith.constant 0 : i32
      %dma_start3A_55 = arith.constant 0 : i32
      %dma_start3A_56 = tpu.memref_slice %arg9[%dma_start3A_54, %dma_start3A_55] : memref<128x128xf32, #tpu.memory_space<vmem>> -> memref<128x128xf32, #tpu.memory_space<vmem>>
      tpu.enqueue_dma source(%dma_start3A_56 : memref<128x128xf32, #tpu.memory_space<vmem>>) target(%dma_start3A_53 : memref<128x128xf32, #tpu.memory_space<vmem_shared>>) target_semaphore(%run_scoped3A : memref<!tpu.dma_semaphore, #tpu.memory_space<semaphore_mem>>)
      %dma_wait3A = arith.constant 0 : i32
      %dma_wait3A_57 = arith.constant 0 : i32
      %dma_wait3A_58 = tpu.memref_slice %arg9[%dma_wait3A, %dma_wait3A_57] : memref<128x128xf32, #tpu.memory_space<vmem>> -> memref<128x128xf32, #tpu.memory_space<vmem>>
      %dma_wait3A_59 = arith.constant 0 : i32
      %dma_wait3A_60 = tpu.memref_slice %arg11[%add3A_14, %dma_wait3A_59] : memref<10112x128xf32, #tpu.memory_space<vmem_shared>> -> memref<128x128xf32, #tpu.memory_space<vmem_shared>>
      %dma_wait3A_61 = arith.constant 0 : i32
      %dma_wait3A_62 = tpu.memref_slice %arg11[%add3A_14, %dma_wait3A_61] : memref<10112x128xf32, #tpu.memory_space<vmem_shared>> -> memref<128x128xf32, #tpu.memory_space<vmem_shared>>
      %dma_wait3A_63 = arith.constant 0 : i32
      %dma_wait3A_64 = arith.constant 0 : i32
      %dma_wait3A_65 = tpu.memref_slice %arg9[%dma_wait3A_63, %dma_wait3A_64] : memref<128x128xf32, #tpu.memory_space<vmem>> -> memref<128x128xf32, #tpu.memory_space<vmem>>
      tpu.wait_dma2 semaphore(%run_scoped3A : memref<!tpu.dma_semaphore, #tpu.memory_space<semaphore_mem>>) src(%dma_wait3A_65 : memref<128x128xf32, #tpu.memory_space<vmem>>) dst(%dma_wait3A_62 : memref<128x128xf32, #tpu.memory_space<vmem_shared>>)
      tpu.yield
    }) : () -> ()
    %add3A_15 = arith.constant 384 : i32
    %add3A_16 = arith.addi %mul3A_8, %add3A_15 : i32
    "tpu.region"() ({
      %run_scoped3A = tpu.sem_alloc : memref<!tpu.dma_semaphore, #tpu.memory_space<semaphore_mem>>
      %dma_start3A = arith.constant 0 : i32
      %dma_start3A_48 = arith.constant 0 : i32
      %dma_start3A_49 = tpu.memref_slice %arg9[%dma_start3A, %dma_start3A_48] : memref<128x128xf32, #tpu.memory_space<vmem>> -> memref<128x128xf32, #tpu.memory_space<vmem>>
      %dma_start3A_50 = arith.constant 0 : i32
      %dma_start3A_51 = tpu.memref_slice %arg11[%add3A_16, %dma_start3A_50] : memref<10112x128xf32, #tpu.memory_space<vmem_shared>> -> memref<128x128xf32, #tpu.memory_space<vmem_shared>>
      %dma_start3A_52 = arith.constant 0 : i32
      %dma_start3A_53 = tpu.memref_slice %arg11[%add3A_16, %dma_start3A_52] : memref<10112x128xf32, #tpu.memory_space<vmem_shared>> -> memref<128x128xf32, #tpu.memory_space<vmem_shared>>
      %dma_start3A_54 = arith.constant 0 : i32
      %dma_start3A_55 = arith.constant 0 : i32
      %dma_start3A_56 = tpu.memref_slice %arg9[%dma_start3A_54, %dma_start3A_55] : memref<128x128xf32, #tpu.memory_space<vmem>> -> memref<128x128xf32, #tpu.memory_space<vmem>>
      tpu.enqueue_dma source(%dma_start3A_56 : memref<128x128xf32, #tpu.memory_space<vmem>>) target(%dma_start3A_53 : memref<128x128xf32, #tpu.memory_space<vmem_shared>>) target_semaphore(%run_scoped3A : memref<!tpu.dma_semaphore, #tpu.memory_space<semaphore_mem>>)
      %dma_wait3A = arith.constant 0 : i32
      %dma_wait3A_57 = arith.constant 0 : i32
      %dma_wait3A_58 = tpu.memref_slice %arg9[%dma_wait3A, %dma_wait3A_57] : memref<128x128xf32, #tpu.memory_space<vmem>> -> memref<128x128xf32, #tpu.memory_space<vmem>>
      %dma_wait3A_59 = arith.constant 0 : i32
      %dma_wait3A_60 = tpu.memref_slice %arg11[%add3A_16, %dma_wait3A_59] : memref<10112x128xf32, #tpu.memory_space<vmem_shared>> -> memref<128x128xf32, #tpu.memory_space<vmem_shared>>
      %dma_wait3A_61 = arith.constant 0 : i32
      %dma_wait3A_62 = tpu.memref_slice %arg11[%add3A_16, %dma_wait3A_61] : memref<10112x128xf32, #tpu.memory_space<vmem_shared>> -> memref<128x128xf32, #tpu.memory_space<vmem_shared>>
      %dma_wait3A_63 = arith.constant 0 : i32
      %dma_wait3A_64 = arith.constant 0 : i32
      %dma_wait3A_65 = tpu.memref_slice %arg9[%dma_wait3A_63, %dma_wait3A_64] : memref<128x128xf32, #tpu.memory_space<vmem>> -> memref<128x128xf32, #tpu.memory_space<vmem>>
      tpu.wait_dma2 semaphore(%run_scoped3A : memref<!tpu.dma_semaphore, #tpu.memory_space<semaphore_mem>>) src(%dma_wait3A_65 : memref<128x128xf32, #tpu.memory_space<vmem>>) dst(%dma_wait3A_62 : memref<128x128xf32, #tpu.memory_space<vmem_shared>>)
      tpu.yield
    }) : () -> ()
    %add3A_17 = arith.constant 512 : i32
    %add3A_18 = arith.addi %mul3A_8, %add3A_17 : i32
    "tpu.region"() ({
      %run_scoped3A = tpu.sem_alloc : memref<!tpu.dma_semaphore, #tpu.memory_space<semaphore_mem>>
      %dma_start3A = arith.constant 0 : i32
      %dma_start3A_48 = arith.constant 0 : i32
      %dma_start3A_49 = tpu.memref_slice %arg9[%dma_start3A, %dma_start3A_48] : memref<128x128xf32, #tpu.memory_space<vmem>> -> memref<120x128xf32, #tpu.memory_space<vmem>>
      %dma_start3A_50 = arith.constant 0 : i32
      %dma_start3A_51 = tpu.memref_slice %arg11[%add3A_18, %dma_start3A_50] : memref<10112x128xf32, #tpu.memory_space<vmem_shared>> -> memref<120x128xf32, #tpu.memory_space<vmem_shared>>
      %dma_start3A_52 = arith.constant 0 : i32
      %dma_start3A_53 = tpu.memref_slice %arg11[%add3A_18, %dma_start3A_52] : memref<10112x128xf32, #tpu.memory_space<vmem_shared>> -> memref<120x128xf32, #tpu.memory_space<vmem_shared>>
      %dma_start3A_54 = arith.constant 0 : i32
      %dma_start3A_55 = arith.constant 0 : i32
      %dma_start3A_56 = tpu.memref_slice %arg9[%dma_start3A_54, %dma_start3A_55] : memref<128x128xf32, #tpu.memory_space<vmem>> -> memref<120x128xf32, #tpu.memory_space<vmem>>
      tpu.enqueue_dma source(%dma_start3A_56 : memref<120x128xf32, #tpu.memory_space<vmem>>) target(%dma_start3A_53 : memref<120x128xf32, #tpu.memory_space<vmem_shared>>) target_semaphore(%run_scoped3A : memref<!tpu.dma_semaphore, #tpu.memory_space<semaphore_mem>>)
      %dma_wait3A = arith.constant 0 : i32
      %dma_wait3A_57 = arith.constant 0 : i32
      %dma_wait3A_58 = tpu.memref_slice %arg9[%dma_wait3A, %dma_wait3A_57] : memref<128x128xf32, #tpu.memory_space<vmem>> -> memref<120x128xf32, #tpu.memory_space<vmem>>
      %dma_wait3A_59 = arith.constant 0 : i32
      %dma_wait3A_60 = tpu.memref_slice %arg11[%add3A_18, %dma_wait3A_59] : memref<10112x128xf32, #tpu.memory_space<vmem_shared>> -> memref<120x128xf32, #tpu.memory_space<vmem_shared>>
      %dma_wait3A_61 = arith.constant 0 : i32
      %dma_wait3A_62 = tpu.memref_slice %arg11[%add3A_18, %dma_wait3A_61] : memref<10112x128xf32, #tpu.memory_space<vmem_shared>> -> memref<120x128xf32, #tpu.memory_space<vmem_shared>>
      %dma_wait3A_63 = arith.constant 0 : i32
      %dma_wait3A_64 = arith.constant 0 : i32
      %dma_wait3A_65 = tpu.memref_slice %arg9[%dma_wait3A_63, %dma_wait3A_64] : memref<128x128xf32, #tpu.memory_space<vmem>> -> memref<120x128xf32, #tpu.memory_space<vmem>>
      tpu.wait_dma2 semaphore(%run_scoped3A : memref<!tpu.dma_semaphore, #tpu.memory_space<semaphore_mem>>) src(%dma_wait3A_65 : memref<120x128xf32, #tpu.memory_space<vmem>>) dst(%dma_wait3A_62 : memref<120x128xf32, #tpu.memory_space<vmem_shared>>)
      tpu.yield
    }) : () -> ()
    %barrier3A = arith.constant 0 : index
    tpu.barrier barrier_id(%barrier3A)
    %mul3A_19 = arith.constant 20096 : i32
    %mul3A_20 = arith.muli %add3A, %mul3A_19 : i32
    %scan3A_21 = arith.constant 0 : i32
    %scan3A_22 = arith.constant 0 : i32
    %scan3A_23 = arith.constant 157 : i32
    %scan3A_24 = arith.addi %scan3A_22, %scan3A_23 : i32
    %scan3A_25 = arith.constant 1 : i32
    scf.for %scan3A_48 = %scan3A_22 to %scan3A_24 step %scan3A_25  : i32 {
      %mul3A_49 = arith.constant 128 : i32
      %mul3A_50 = arith.muli %scan3A_48, %mul3A_49 : i32
      %add3A_51 = arith.addi %mul3A_20, %mul3A_50 : i32
      "tpu.region"() ({
        %run_scoped3A = tpu.sem_alloc : memref<!tpu.dma_semaphore, #tpu.memory_space<semaphore_mem>>
        %dma_start3A_62 = tpu.memref_slice %arg3[%add3A_51] : memref<643072xi32, #tpu.memory_space<hbm>> -> memref<128xi32, #tpu.memory_space<hbm>>
        %dma_start3A_63 = tpu.memref_slice %arg3[%add3A_51] : memref<643072xi32, #tpu.memory_space<hbm>> -> memref<128xi32, #tpu.memory_space<hbm>>
        tpu.enqueue_dma source(%dma_start3A_63 : memref<128xi32, #tpu.memory_space<hbm>>) target(%arg7 : memref<128xi32, #tpu.memory_space<vmem>>) target_semaphore(%run_scoped3A : memref<!tpu.dma_semaphore, #tpu.memory_space<semaphore_mem>>)
        %dma_wait3A_64 = tpu.memref_slice %arg3[%add3A_51] : memref<643072xi32, #tpu.memory_space<hbm>> -> memref<128xi32, #tpu.memory_space<hbm>>
        %dma_wait3A_65 = tpu.memref_slice %arg3[%add3A_51] : memref<643072xi32, #tpu.memory_space<hbm>> -> memref<128xi32, #tpu.memory_space<hbm>>
        tpu.wait_dma2 semaphore(%run_scoped3A : memref<!tpu.dma_semaphore, #tpu.memory_space<semaphore_mem>>) src(%dma_wait3A_65 : memref<128xi32, #tpu.memory_space<hbm>>) dst(%arg7 : memref<128xi32, #tpu.memory_space<vmem>>)
        tpu.yield
      }) : () -> ()
      "tpu.region"() ({
        %run_scoped3A = tpu.sem_alloc : memref<!tpu.dma_semaphore, #tpu.memory_space<semaphore_mem>>
        %dma_start3A_62 = tpu.memref_slice %arg4[%add3A_51] : memref<643072xi32, #tpu.memory_space<hbm>> -> memref<128xi32, #tpu.memory_space<hbm>>
        %dma_start3A_63 = tpu.memref_slice %arg4[%add3A_51] : memref<643072xi32, #tpu.memory_space<hbm>> -> memref<128xi32, #tpu.memory_space<hbm>>
        tpu.enqueue_dma source(%dma_start3A_63 : memref<128xi32, #tpu.memory_space<hbm>>) target(%arg8 : memref<128xi32, #tpu.memory_space<vmem>>) target_semaphore(%run_scoped3A : memref<!tpu.dma_semaphore, #tpu.memory_space<semaphore_mem>>)
        %dma_wait3A_64 = tpu.memref_slice %arg4[%add3A_51] : memref<643072xi32, #tpu.memory_space<hbm>> -> memref<128xi32, #tpu.memory_space<hbm>>
        %dma_wait3A_65 = tpu.memref_slice %arg4[%add3A_51] : memref<643072xi32, #tpu.memory_space<hbm>> -> memref<128xi32, #tpu.memory_space<hbm>>
        tpu.wait_dma2 semaphore(%run_scoped3A : memref<!tpu.dma_semaphore, #tpu.memory_space<semaphore_mem>>) src(%dma_wait3A_65 : memref<128xi32, #tpu.memory_space<hbm>>) dst(%arg8 : memref<128xi32, #tpu.memory_space<vmem>>)
        tpu.yield
      }) : () -> ()
      "tpu.region"() ({
        %run_scoped3A = tpu.sem_alloc : memref<!tpu.dma_semaphore, #tpu.memory_space<semaphore_mem>>
        %dma_start3A_62 = arith.constant 0 : i32
        %dma_start3A_63 = tpu.memref_slice %arg5[%add3A_51, %dma_start3A_62] : memref<643072x128xf32, #tpu.memory_space<hbm>> -> memref<128x128xf32, #tpu.memory_space<hbm>>
        %dma_start3A_64 = arith.constant 0 : i32
        %dma_start3A_65 = tpu.memref_slice %arg5[%add3A_51, %dma_start3A_64] : memref<643072x128xf32, #tpu.memory_space<hbm>> -> memref<128x128xf32, #tpu.memory_space<hbm>>
        tpu.enqueue_dma source(%dma_start3A_65 : memref<128x128xf32, #tpu.memory_space<hbm>>) target(%arg9 : memref<128x128xf32, #tpu.memory_space<vmem>>) target_semaphore(%run_scoped3A : memref<!tpu.dma_semaphore, #tpu.memory_space<semaphore_mem>>)
        %dma_wait3A_66 = arith.constant 0 : i32
        %dma_wait3A_67 = tpu.memref_slice %arg5[%add3A_51, %dma_wait3A_66] : memref<643072x128xf32, #tpu.memory_space<hbm>> -> memref<128x128xf32, #tpu.memory_space<hbm>>
        %dma_wait3A_68 = arith.constant 0 : i32
        %dma_wait3A_69 = tpu.memref_slice %arg5[%add3A_51, %dma_wait3A_68] : memref<643072x128xf32, #tpu.memory_space<hbm>> -> memref<128x128xf32, #tpu.memory_space<hbm>>
        tpu.wait_dma2 semaphore(%run_scoped3A : memref<!tpu.dma_semaphore, #tpu.memory_space<semaphore_mem>>) src(%dma_wait3A_69 : memref<128x128xf32, #tpu.memory_space<hbm>>) dst(%arg9 : memref<128x128xf32, #tpu.memory_space<vmem>>)
        tpu.yield
      }) : () -> ()
      %dma_start3A = arith.constant 0 : i32
      %dma_start3A_52 = arith.constant 0 : i32
      %dma_start3A_53 = tpu.memref_slice %arg2[%dma_start3A, %dma_start3A_52] : memref<10000x128xf32, #tpu.memory_space<hbm>> -> memref<10000x128xf32, #tpu.memory_space<hbm>>
      tpu.enqueue_indirect_dma source(%dma_start3A_53 : memref<10000x128xf32, #tpu.memory_space<hbm>>) target(%arg10 : memref<128x128xf32, #tpu.memory_space<vmem>>) offsets(%arg7 : memref<128xi32, #tpu.memory_space<vmem>>) semaphore(%arg12 : memref<!tpu.dma_semaphore, #tpu.memory_space<semaphore_mem>>)
      %dma_wait3A = arith.constant 0 : i32
      %dma_wait3A_54 = arith.constant 0 : i32
      %dma_wait3A_55 = tpu.memref_slice %arg2[%dma_wait3A, %dma_wait3A_54] : memref<10000x128xf32, #tpu.memory_space<hbm>> -> memref<10000x128xf32, #tpu.memory_space<hbm>>
      tpu.wait_indirect_dma semaphore(%arg12 : memref<!tpu.dma_semaphore, #tpu.memory_space<semaphore_mem>>) src(%dma_wait3A_55 : memref<10000x128xf32, #tpu.memory_space<hbm>>) dst(%arg10 : memref<128x128xf32, #tpu.memory_space<vmem>>)
      %scan3A_56 = arith.constant 0 : i32
      %scan3A_57 = arith.constant 0 : i32
      %scan3A_58 = arith.constant 128 : i32
      %scan3A_59 = arith.addi %scan3A_57, %scan3A_58 : i32
      %scan3A_60 = arith.constant 1 : i32
      scf.for %scan3A_62 = %scan3A_57 to %scan3A_59 step %scan3A_60  : i32 {
        %get3A = arith.index_cast %scan3A_62 : i32 to index
        %get3A_63 = arith.constant 0 : index
        %get3A_64 = tpu.vector_load %arg9[%get3A, %get3A_63] {strides = array<i32>} : memref<128x128xf32, #tpu.memory_space<vmem>>, vector<1x16xf32>,
        %get3A_65 = vector.shape_cast %get3A_64 : vector<1x16xf32> to vector<16xf32>
        %get3A_66 = arith.index_cast %scan3A_62 : i32 to index
        %get3A_67 = arith.constant 0 : index
        %get3A_68 = tpu.vector_load %arg10[%get3A_66, %get3A_67] {strides = array<i32>} : memref<128x128xf32, #tpu.memory_space<vmem>>, vector<1x16xf32>,
        %get3A_69 = vector.shape_cast %get3A_68 : vector<1x16xf32> to vector<16xf32>
        %add3A_70 = arith.addf %get3A_65, %get3A_69 : vector<16xf32>
        %max3A = arith.constant 0.000000e+00 : f32
        %max3A_71 = vector.broadcast %max3A : f32 to vector<16xf32>
        %max3A_72 = arith.maximumf %add3A_70, %max3A_71 : vector<16xf32>
        %swap3A = arith.index_cast %scan3A_62 : i32 to index
        %swap3A_73 = arith.constant 0 : index
        %swap3A_74 = tpu.vector_load %arg9[%swap3A, %swap3A_73] {strides = array<i32>} : memref<128x128xf32, #tpu.memory_space<vmem>>, vector<1x16xf32>,
        %swap3A_75 = vector.shape_cast %swap3A_74 : vector<1x16xf32> to vector<16xf32>
        %swap3A_76 = vector.shape_cast %max3A_72 : vector<16xf32> to vector<1x16xf32>
        tpu.vector_store %arg9[%swap3A, %swap3A_73], %swap3A_76 {strides = array<i32>} : memref<128x128xf32, #tpu.memory_space<vmem>>, vector<1x16xf32>,
        %get3A_77 = arith.index_cast %scan3A_62 : i32 to index
        %get3A_78 = arith.constant 16 : index
        %get3A_79 = tpu.vector_load %arg9[%get3A_77, %get3A_78] {strides = array<i32>} : memref<128x128xf32, #tpu.memory_space<vmem>>, vector<1x16xf32>,
        %get3A_80 = vector.shape_cast %get3A_79 : vector<1x16xf32> to vector<16xf32>
        %get3A_81 = arith.index_cast %scan3A_62 : i32 to index
        %get3A_82 = arith.constant 16 : index
        %get3A_83 = tpu.vector_load %arg10[%get3A_81, %get3A_82] {strides = array<i32>} : memref<128x128xf32, #tpu.memory_space<vmem>>, vector<1x16xf32>,
        %get3A_84 = vector.shape_cast %get3A_83 : vector<1x16xf32> to vector<16xf32>
        %add3A_85 = arith.addf %get3A_80, %get3A_84 : vector<16xf32>
        %max3A_86 = arith.constant 0.000000e+00 : f32
        %max3A_87 = vector.broadcast %max3A_86 : f32 to vector<16xf32>
        %max3A_88 = arith.maximumf %add3A_85, %max3A_87 : vector<16xf32>
        %swap3A_89 = arith.index_cast %scan3A_62 : i32 to index
        %swap3A_90 = arith.constant 16 : index
        %swap3A_91 = tpu.vector_load %arg9[%swap3A_89, %swap3A_90] {strides = array<i32>} : memref<128x128xf32, #tpu.memory_space<vmem>>, vector<1x16xf32>,
        %swap3A_92 = vector.shape_cast %swap3A_91 : vector<1x16xf32> to vector<16xf32>
        %swap3A_93 = vector.shape_cast %max3A_88 : vector<16xf32> to vector<1x16xf32>
        tpu.vector_store %arg9[%swap3A_89, %swap3A_90], %swap3A_93 {strides = array<i32>} : memref<128x128xf32, #tpu.memory_space<vmem>>, vector<1x16xf32>,
        %get3A_94 = arith.index_cast %scan3A_62 : i32 to index
        %get3A_95 = arith.constant 32 : index
        %get3A_96 = tpu.vector_load %arg9[%get3A_94, %get3A_95] {strides = array<i32>} : memref<128x128xf32, #tpu.memory_space<vmem>>, vector<1x16xf32>,
        %get3A_97 = vector.shape_cast %get3A_96 : vector<1x16xf32> to vector<16xf32>
        %get3A_98 = arith.index_cast %scan3A_62 : i32 to index
        %get3A_99 = arith.constant 32 : index
        %get3A_100 = tpu.vector_load %arg10[%get3A_98, %get3A_99] {strides = array<i32>} : memref<128x128xf32, #tpu.memory_space<vmem>>, vector<1x16xf32>,
        %get3A_101 = vector.shape_cast %get3A_100 : vector<1x16xf32> to vector<16xf32>
        %add3A_102 = arith.addf %get3A_97, %get3A_101 : vector<16xf32>
        %max3A_103 = arith.constant 0.000000e+00 : f32
        %max3A_104 = vector.broadcast %max3A_103 : f32 to vector<16xf32>
        %max3A_105 = arith.maximumf %add3A_102, %max3A_104 : vector<16xf32>
        %swap3A_106 = arith.index_cast %scan3A_62 : i32 to index
        %swap3A_107 = arith.constant 32 : index
        %swap3A_108 = tpu.vector_load %arg9[%swap3A_106, %swap3A_107] {strides = array<i32>} : memref<128x128xf32, #tpu.memory_space<vmem>>, vector<1x16xf32>,
        %swap3A_109 = vector.shape_cast %swap3A_108 : vector<1x16xf32> to vector<16xf32>
        %swap3A_110 = vector.shape_cast %max3A_105 : vector<16xf32> to vector<1x16xf32>
        tpu.vector_store %arg9[%swap3A_106, %swap3A_107], %swap3A_110 {strides = array<i32>} : memref<128x128xf32, #tpu.memory_space<vmem>>, vector<1x16xf32>,
        %get3A_111 = arith.index_cast %scan3A_62 : i32 to index
        %get3A_112 = arith.constant 48 : index
        %get3A_113 = tpu.vector_load %arg9[%get3A_111, %get3A_112] {strides = array<i32>} : memref<128x128xf32, #tpu.memory_space<vmem>>, vector<1x16xf32>,
        %get3A_114 = vector.shape_cast %get3A_113 : vector<1x16xf32> to vector<16xf32>
        %get3A_115 = arith.index_cast %scan3A_62 : i32 to index
        %get3A_116 = arith.constant 48 : index
        %get3A_117 = tpu.vector_load %arg10[%get3A_115, %get3A_116] {strides = array<i32>} : memref<128x128xf32, #tpu.memory_space<vmem>>, vector<1x16xf32>,
        %get3A_118 = vector.shape_cast %get3A_117 : vector<1x16xf32> to vector<16xf32>
        %add3A_119 = arith.addf %get3A_114, %get3A_118 : vector<16xf32>
        %max3A_120 = arith.constant 0.000000e+00 : f32
        %max3A_121 = vector.broadcast %max3A_120 : f32 to vector<16xf32>
        %max3A_122 = arith.maximumf %add3A_119, %max3A_121 : vector<16xf32>
        %swap3A_123 = arith.index_cast %scan3A_62 : i32 to index
        %swap3A_124 = arith.constant 48 : index
        %swap3A_125 = tpu.vector_load %arg9[%swap3A_123, %swap3A_124] {strides = array<i32>} : memref<128x128xf32, #tpu.memory_space<vmem>>, vector<1x16xf32>,
        %swap3A_126 = vector.shape_cast %swap3A_125 : vector<1x16xf32> to vector<16xf32>
        %swap3A_127 = vector.shape_cast %max3A_122 : vector<16xf32> to vector<1x16xf32>
        tpu.vector_store %arg9[%swap3A_123, %swap3A_124], %swap3A_127 {strides = array<i32>} : memref<128x128xf32, #tpu.memory_space<vmem>>, vector<1x16xf32>,
        %get3A_128 = arith.index_cast %scan3A_62 : i32 to index
        %get3A_129 = arith.constant 64 : index
        %get3A_130 = tpu.vector_load %arg9[%get3A_128, %get3A_129] {strides = array<i32>} : memref<128x128xf32, #tpu.memory_space<vmem>>, vector<1x16xf32>,
        %get3A_131 = vector.shape_cast %get3A_130 : vector<1x16xf32> to vector<16xf32>
        %get3A_132 = arith.index_cast %scan3A_62 : i32 to index
        %get3A_133 = arith.constant 64 : index
        %get3A_134 = tpu.vector_load %arg10[%get3A_132, %get3A_133] {strides = array<i32>} : memref<128x128xf32, #tpu.memory_space<vmem>>, vector<1x16xf32>,
        %get3A_135 = vector.shape_cast %get3A_134 : vector<1x16xf32> to vector<16xf32>
        %add3A_136 = arith.addf %get3A_131, %get3A_135 : vector<16xf32>
        %max3A_137 = arith.constant 0.000000e+00 : f32
        %max3A_138 = vector.broadcast %max3A_137 : f32 to vector<16xf32>
        %max3A_139 = arith.maximumf %add3A_136, %max3A_138 : vector<16xf32>
        %swap3A_140 = arith.index_cast %scan3A_62 : i32 to index
        %swap3A_141 = arith.constant 64 : index
        %swap3A_142 = tpu.vector_load %arg9[%swap3A_140, %swap3A_141] {strides = array<i32>} : memref<128x128xf32, #tpu.memory_space<vmem>>, vector<1x16xf32>,
        %swap3A_143 = vector.shape_cast %swap3A_142 : vector<1x16xf32> to vector<16xf32>
        %swap3A_144 = vector.shape_cast %max3A_139 : vector<16xf32> to vector<1x16xf32>
        tpu.vector_store %arg9[%swap3A_140, %swap3A_141], %swap3A_144 {strides = array<i32>} : memref<128x128xf32, #tpu.memory_space<vmem>>, vector<1x16xf32>,
        %get3A_145 = arith.index_cast %scan3A_62 : i32 to index
        %get3A_146 = arith.constant 80 : index
        %get3A_147 = tpu.vector_load %arg9[%get3A_145, %get3A_146] {strides = array<i32>} : memref<128x128xf32, #tpu.memory_space<vmem>>, vector<1x16xf32>,
        %get3A_148 = vector.shape_cast %get3A_147 : vector<1x16xf32> to vector<16xf32>
        %get3A_149 = arith.index_cast %scan3A_62 : i32 to index
        %get3A_150 = arith.constant 80 : index
        %get3A_151 = tpu.vector_load %arg10[%get3A_149, %get3A_150] {strides = array<i32>} : memref<128x128xf32, #tpu.memory_space<vmem>>, vector<1x16xf32>,
        %get3A_152 = vector.shape_cast %get3A_151 : vector<1x16xf32> to vector<16xf32>
        %add3A_153 = arith.addf %get3A_148, %get3A_152 : vector<16xf32>
        %max3A_154 = arith.constant 0.000000e+00 : f32
        %max3A_155 = vector.broadcast %max3A_154 : f32 to vector<16xf32>
        %max3A_156 = arith.maximumf %add3A_153, %max3A_155 : vector<16xf32>
        %swap3A_157 = arith.index_cast %scan3A_62 : i32 to index
        %swap3A_158 = arith.constant 80 : index
        %swap3A_159 = tpu.vector_load %arg9[%swap3A_157, %swap3A_158] {strides = array<i32>} : memref<128x128xf32, #tpu.memory_space<vmem>>, vector<1x16xf32>,
        %swap3A_160 = vector.shape_cast %swap3A_159 : vector<1x16xf32> to vector<16xf32>
        %swap3A_161 = vector.shape_cast %max3A_156 : vector<16xf32> to vector<1x16xf32>
        tpu.vector_store %arg9[%swap3A_157, %swap3A_158], %swap3A_161 {strides = array<i32>} : memref<128x128xf32, #tpu.memory_space<vmem>>, vector<1x16xf32>,
        %get3A_162 = arith.index_cast %scan3A_62 : i32 to index
        %get3A_163 = arith.constant 96 : index
        %get3A_164 = tpu.vector_load %arg9[%get3A_162, %get3A_163] {strides = array<i32>} : memref<128x128xf32, #tpu.memory_space<vmem>>, vector<1x16xf32>,
        %get3A_165 = vector.shape_cast %get3A_164 : vector<1x16xf32> to vector<16xf32>
        %get3A_166 = arith.index_cast %scan3A_62 : i32 to index
        %get3A_167 = arith.constant 96 : index
        %get3A_168 = tpu.vector_load %arg10[%get3A_166, %get3A_167] {strides = array<i32>} : memref<128x128xf32, #tpu.memory_space<vmem>>, vector<1x16xf32>,
        %get3A_169 = vector.shape_cast %get3A_168 : vector<1x16xf32> to vector<16xf32>
        %add3A_170 = arith.addf %get3A_165, %get3A_169 : vector<16xf32>
        %max3A_171 = arith.constant 0.000000e+00 : f32
        %max3A_172 = vector.broadcast %max3A_171 : f32 to vector<16xf32>
        %max3A_173 = arith.maximumf %add3A_170, %max3A_172 : vector<16xf32>
        %swap3A_174 = arith.index_cast %scan3A_62 : i32 to index
        %swap3A_175 = arith.constant 96 : index
        %swap3A_176 = tpu.vector_load %arg9[%swap3A_174, %swap3A_175] {strides = array<i32>} : memref<128x128xf32, #tpu.memory_space<vmem>>, vector<1x16xf32>,
        %swap3A_177 = vector.shape_cast %swap3A_176 : vector<1x16xf32> to vector<16xf32>
        %swap3A_178 = vector.shape_cast %max3A_173 : vector<16xf32> to vector<1x16xf32>
        tpu.vector_store %arg9[%swap3A_174, %swap3A_175], %swap3A_178 {strides = array<i32>} : memref<128x128xf32, #tpu.memory_space<vmem>>, vector<1x16xf32>,
        %get3A_179 = arith.index_cast %scan3A_62 : i32 to index
        %get3A_180 = arith.constant 112 : index
        %get3A_181 = tpu.vector_load %arg9[%get3A_179, %get3A_180] {strides = array<i32>} : memref<128x128xf32, #tpu.memory_space<vmem>>, vector<1x16xf32>,
        %get3A_182 = vector.shape_cast %get3A_181 : vector<1x16xf32> to vector<16xf32>
        %get3A_183 = arith.index_cast %scan3A_62 : i32 to index
        %get3A_184 = arith.constant 112 : index
        %get3A_185 = tpu.vector_load %arg10[%get3A_183, %get3A_184] {strides = array<i32>} : memref<128x128xf32, #tpu.memory_space<vmem>>, vector<1x16xf32>,
        %get3A_186 = vector.shape_cast %get3A_185 : vector<1x16xf32> to vector<16xf32>
        %add3A_187 = arith.addf %get3A_182, %get3A_186 : vector<16xf32>
        %max3A_188 = arith.constant 0.000000e+00 : f32
        %max3A_189 = vector.broadcast %max3A_188 : f32 to vector<16xf32>
        %max3A_190 = arith.maximumf %add3A_187, %max3A_189 : vector<16xf32>
        %swap3A_191 = arith.index_cast %scan3A_62 : i32 to index
        %swap3A_192 = arith.constant 112 : index
        %swap3A_193 = tpu.vector_load %arg9[%swap3A_191, %swap3A_192] {strides = array<i32>} : memref<128x128xf32, #tpu.memory_space<vmem>>, vector<1x16xf32>,
        %swap3A_194 = vector.shape_cast %swap3A_193 : vector<1x16xf32> to vector<16xf32>
        %swap3A_195 = vector.shape_cast %max3A_190 : vector<16xf32> to vector<1x16xf32>
        tpu.vector_store %arg9[%swap3A_191, %swap3A_192], %swap3A_195 {strides = array<i32>} : memref<128x128xf32, #tpu.memory_space<vmem>>, vector<1x16xf32>,
      }
      %scan3A_61 = arith.constant 128 : i32
      "tpu.region"() ({
        %run_scoped3A = tpu.sem_alloc : memref<!tpu.dma_semaphore, #tpu.memory_space<semaphore_mem>>
        %dma_start3A_62 = arith.constant 0 : i32
        %dma_start3A_63 = arith.constant 0 : i32
        %dma_start3A_64 = tpu.memref_slice %arg11[%dma_start3A_62, %dma_start3A_63] : memref<10112x128xf32, #tpu.memory_space<vmem_shared>> -> memref<10112x128xf32, #tpu.memory_space<vmem_shared>>
        tpu.enqueue_indirect_dma source(%arg9 : memref<128x128xf32, #tpu.memory_space<vmem>>) target(%dma_start3A_64 : memref<10112x128xf32, #tpu.memory_space<vmem_shared>>) offsets(%arg8 : memref<128xi32, #tpu.memory_space<vmem>>) semaphore(%run_scoped3A : memref<!tpu.dma_semaphore, #tpu.memory_space<semaphore_mem>>) {add = true}
        %dma_wait3A_65 = arith.constant 0 : i32
        %dma_wait3A_66 = arith.constant 0 : i32
        %dma_wait3A_67 = tpu.memref_slice %arg11[%dma_wait3A_65, %dma_wait3A_66] : memref<10112x128xf32, #tpu.memory_space<vmem_shared>> -> memref<10112x128xf32, #tpu.memory_space<vmem_shared>>
        tpu.wait_indirect_dma semaphore(%run_scoped3A : memref<!tpu.dma_semaphore, #tpu.memory_space<semaphore_mem>>) src(%arg9 : memref<128x128xf32, #tpu.memory_space<vmem>>) dst(%dma_wait3A_67 : memref<10112x128xf32, #tpu.memory_space<vmem_shared>>)
        tpu.yield
      }) : () -> ()
    }
    %scan3A_26 = arith.constant 157 : i32
    %barrier3A_27 = arith.constant 0 : index
    tpu.barrier barrier_id(%barrier3A_27)
    %add3A_28 = arith.constant 0 : i32
    %add3A_29 = arith.addi %mul3A_8, %add3A_28 : i32
    %add3A_30 = arith.constant 0 : i32
    %add3A_31 = arith.addi %mul3A_8, %add3A_30 : i32
    "tpu.region"() ({
      %run_scoped3A = tpu.sem_alloc : memref<!tpu.dma_semaphore, #tpu.memory_space<semaphore_mem>>
      %dma_start3A = arith.constant 0 : i32
      %dma_start3A_48 = arith.constant 0 : i32
      %dma_start3A_49 = tpu.memref_slice %arg6[%arg0, %dma_start3A, %dma_start3A_48] : memref<2x10112x128xf32, #tpu.memory_space<hbm>> -> memref<1x10112x128xf32, #tpu.memory_space<hbm>>
      %dma_start3A_50 = tpu.memref_squeeze %dma_start3A_49 : memref<1x10112x128xf32, #tpu.memory_space<hbm>> -> memref<10112x128xf32, #tpu.memory_space<hbm>>
      %dma_start3A_51 = arith.constant 0 : i32
      %dma_start3A_52 = tpu.memref_slice %dma_start3A_50[%add3A_31, %dma_start3A_51] : memref<10112x128xf32, #tpu.memory_space<hbm>> -> memref<128x128xf32, #tpu.memory_space<hbm>>
      %dma_start3A_53 = arith.constant 0 : i32
      %dma_start3A_54 = tpu.memref_slice %arg11[%add3A_29, %dma_start3A_53] : memref<10112x128xf32, #tpu.memory_space<vmem_shared>> -> memref<128x128xf32, #tpu.memory_space<vmem_shared>>
      tpu.enqueue_dma source(%dma_start3A_54 : memref<128x128xf32, #tpu.memory_space<vmem_shared>>) target(%dma_start3A_52 : memref<128x128xf32, #tpu.memory_space<hbm>>) target_semaphore(%run_scoped3A : memref<!tpu.dma_semaphore, #tpu.memory_space<semaphore_mem>>)
      %dma_wait3A = arith.constant 0 : i32
      %dma_wait3A_55 = arith.constant 0 : i32
      %dma_wait3A_56 = tpu.memref_slice %arg6[%arg0, %dma_wait3A, %dma_wait3A_55] : memref<2x10112x128xf32, #tpu.memory_space<hbm>> -> memref<1x10112x128xf32, #tpu.memory_space<hbm>>
      %dma_wait3A_57 = tpu.memref_squeeze %dma_wait3A_56 : memref<1x10112x128xf32, #tpu.memory_space<hbm>> -> memref<10112x128xf32, #tpu.memory_space<hbm>>
      %dma_wait3A_58 = arith.constant 0 : i32
      %dma_wait3A_59 = tpu.memref_slice %dma_wait3A_57[%add3A_31, %dma_wait3A_58] : memref<10112x128xf32, #tpu.memory_space<hbm>> -> memref<128x128xf32, #tpu.memory_space<hbm>>
      %dma_wait3A_60 = arith.constant 0 : i32
      %dma_wait3A_61 = tpu.memref_slice %arg11[%add3A_29, %dma_wait3A_60] : memref<10112x128xf32, #tpu.memory_space<vmem_shared>> -> memref<128x128xf32, #tpu.memory_space<vmem_shared>>
      tpu.wait_dma2 semaphore(%run_scoped3A : memref<!tpu.dma_semaphore, #tpu.memory_space<semaphore_mem>>) src(%dma_wait3A_61 : memref<128x128xf32, #tpu.memory_space<vmem_shared>>) dst(%dma_wait3A_59 : memref<128x128xf32, #tpu.memory_space<hbm>>)
      tpu.yield
    }) : () -> ()
    %add3A_32 = arith.constant 128 : i32
    %add3A_33 = arith.addi %mul3A_8, %add3A_32 : i32
    %add3A_34 = arith.constant 128 : i32
    %add3A_35 = arith.addi %mul3A_8, %add3A_34 : i32
    "tpu.region"() ({
      %run_scoped3A = tpu.sem_alloc : memref<!tpu.dma_semaphore, #tpu.memory_space<semaphore_mem>>
      %dma_start3A = arith.constant 0 : i32
      %dma_start3A_48 = arith.constant 0 : i32
      %dma_start3A_49 = tpu.memref_slice %arg6[%arg0, %dma_start3A, %dma_start3A_48] : memref<2x10112x128xf32, #tpu.memory_space<hbm>> -> memref<1x10112x128xf32, #tpu.memory_space<hbm>>
      %dma_start3A_50 = tpu.memref_squeeze %dma_start3A_49 : memref<1x10112x128xf32, #tpu.memory_space<hbm>> -> memref<10112x128xf32, #tpu.memory_space<hbm>>
      %dma_start3A_51 = arith.constant 0 : i32
      %dma_start3A_52 = tpu.memref_slice %dma_start3A_50[%add3A_35, %dma_start3A_51] : memref<10112x128xf32, #tpu.memory_space<hbm>> -> memref<128x128xf32, #tpu.memory_space<hbm>>
      %dma_start3A_53 = arith.constant 0 : i32
      %dma_start3A_54 = tpu.memref_slice %arg11[%add3A_33, %dma_start3A_53] : memref<10112x128xf32, #tpu.memory_space<vmem_shared>> -> memref<128x128xf32, #tpu.memory_space<vmem_shared>>
      tpu.enqueue_dma source(%dma_start3A_54 : memref<128x128xf32, #tpu.memory_space<vmem_shared>>) target(%dma_start3A_52 : memref<128x128xf32, #tpu.memory_space<hbm>>) target_semaphore(%run_scoped3A : memref<!tpu.dma_semaphore, #tpu.memory_space<semaphore_mem>>)
      %dma_wait3A = arith.constant 0 : i32
      %dma_wait3A_55 = arith.constant 0 : i32
      %dma_wait3A_56 = tpu.memref_slice %arg6[%arg0, %dma_wait3A, %dma_wait3A_55] : memref<2x10112x128xf32, #tpu.memory_space<hbm>> -> memref<1x10112x128xf32, #tpu.memory_space<hbm>>
      %dma_wait3A_57 = tpu.memref_squeeze %dma_wait3A_56 : memref<1x10112x128xf32, #tpu.memory_space<hbm>> -> memref<10112x128xf32, #tpu.memory_space<hbm>>
      %dma_wait3A_58 = arith.constant 0 : i32
      %dma_wait3A_59 = tpu.memref_slice %dma_wait3A_57[%add3A_35, %dma_wait3A_58] : memref<10112x128xf32, #tpu.memory_space<hbm>> -> memref<128x128xf32, #tpu.memory_space<hbm>>
      %dma_wait3A_60 = arith.constant 0 : i32
      %dma_wait3A_61 = tpu.memref_slice %arg11[%add3A_33, %dma_wait3A_60] : memref<10112x128xf32, #tpu.memory_space<vmem_shared>> -> memref<128x128xf32, #tpu.memory_space<vmem_shared>>
      tpu.wait_dma2 semaphore(%run_scoped3A : memref<!tpu.dma_semaphore, #tpu.memory_space<semaphore_mem>>) src(%dma_wait3A_61 : memref<128x128xf32, #tpu.memory_space<vmem_shared>>) dst(%dma_wait3A_59 : memref<128x128xf32, #tpu.memory_space<hbm>>)
      tpu.yield
    }) : () -> ()
    %add3A_36 = arith.constant 256 : i32
    %add3A_37 = arith.addi %mul3A_8, %add3A_36 : i32
    %add3A_38 = arith.constant 256 : i32
    %add3A_39 = arith.addi %mul3A_8, %add3A_38 : i32
    "tpu.region"() ({
      %run_scoped3A = tpu.sem_alloc : memref<!tpu.dma_semaphore, #tpu.memory_space<semaphore_mem>>
      %dma_start3A = arith.constant 0 : i32
      %dma_start3A_48 = arith.constant 0 : i32
      %dma_start3A_49 = tpu.memref_slice %arg6[%arg0, %dma_start3A, %dma_start3A_48] : memref<2x10112x128xf32, #tpu.memory_space<hbm>> -> memref<1x10112x128xf32, #tpu.memory_space<hbm>>
      %dma_start3A_50 = tpu.memref_squeeze %dma_start3A_49 : memref<1x10112x128xf32, #tpu.memory_space<hbm>> -> memref<10112x128xf32, #tpu.memory_space<hbm>>
      %dma_start3A_51 = arith.constant 0 : i32
      %dma_start3A_52 = tpu.memref_slice %dma_start3A_50[%add3A_39, %dma_start3A_51] : memref<10112x128xf32, #tpu.memory_space<hbm>> -> memref<128x128xf32, #tpu.memory_space<hbm>>
      %dma_start3A_53 = arith.constant 0 : i32
      %dma_start3A_54 = tpu.memref_slice %arg11[%add3A_37, %dma_start3A_53] : memref<10112x128xf32, #tpu.memory_space<vmem_shared>> -> memref<128x128xf32, #tpu.memory_space<vmem_shared>>
      tpu.enqueue_dma source(%dma_start3A_54 : memref<128x128xf32, #tpu.memory_space<vmem_shared>>) target(%dma_start3A_52 : memref<128x128xf32, #tpu.memory_space<hbm>>) target_semaphore(%run_scoped3A : memref<!tpu.dma_semaphore, #tpu.memory_space<semaphore_mem>>)
      %dma_wait3A = arith.constant 0 : i32
      %dma_wait3A_55 = arith.constant 0 : i32
      %dma_wait3A_56 = tpu.memref_slice %arg6[%arg0, %dma_wait3A, %dma_wait3A_55] : memref<2x10112x128xf32, #tpu.memory_space<hbm>> -> memref<1x10112x128xf32, #tpu.memory_space<hbm>>
      %dma_wait3A_57 = tpu.memref_squeeze %dma_wait3A_56 : memref<1x10112x128xf32, #tpu.memory_space<hbm>> -> memref<10112x128xf32, #tpu.memory_space<hbm>>
      %dma_wait3A_58 = arith.constant 0 : i32
      %dma_wait3A_59 = tpu.memref_slice %dma_wait3A_57[%add3A_39, %dma_wait3A_58] : memref<10112x128xf32, #tpu.memory_space<hbm>> -> memref<128x128xf32, #tpu.memory_space<hbm>>
      %dma_wait3A_60 = arith.constant 0 : i32
      %dma_wait3A_61 = tpu.memref_slice %arg11[%add3A_37, %dma_wait3A_60] : memref<10112x128xf32, #tpu.memory_space<vmem_shared>> -> memref<128x128xf32, #tpu.memory_space<vmem_shared>>
      tpu.wait_dma2 semaphore(%run_scoped3A : memref<!tpu.dma_semaphore, #tpu.memory_space<semaphore_mem>>) src(%dma_wait3A_61 : memref<128x128xf32, #tpu.memory_space<vmem_shared>>) dst(%dma_wait3A_59 : memref<128x128xf32, #tpu.memory_space<hbm>>)
      tpu.yield
    }) : () -> ()
    %add3A_40 = arith.constant 384 : i32
    %add3A_41 = arith.addi %mul3A_8, %add3A_40 : i32
    %add3A_42 = arith.constant 384 : i32
    %add3A_43 = arith.addi %mul3A_8, %add3A_42 : i32
    "tpu.region"() ({
      %run_scoped3A = tpu.sem_alloc : memref<!tpu.dma_semaphore, #tpu.memory_space<semaphore_mem>>
      %dma_start3A = arith.constant 0 : i32
      %dma_start3A_48 = arith.constant 0 : i32
      %dma_start3A_49 = tpu.memref_slice %arg6[%arg0, %dma_start3A, %dma_start3A_48] : memref<2x10112x128xf32, #tpu.memory_space<hbm>> -> memref<1x10112x128xf32, #tpu.memory_space<hbm>>
      %dma_start3A_50 = tpu.memref_squeeze %dma_start3A_49 : memref<1x10112x128xf32, #tpu.memory_space<hbm>> -> memref<10112x128xf32, #tpu.memory_space<hbm>>
      %dma_start3A_51 = arith.constant 0 : i32
      %dma_start3A_52 = tpu.memref_slice %dma_start3A_50[%add3A_43, %dma_start3A_51] : memref<10112x128xf32, #tpu.memory_space<hbm>> -> memref<128x128xf32, #tpu.memory_space<hbm>>
      %dma_start3A_53 = arith.constant 0 : i32
      %dma_start3A_54 = tpu.memref_slice %arg11[%add3A_41, %dma_start3A_53] : memref<10112x128xf32, #tpu.memory_space<vmem_shared>> -> memref<128x128xf32, #tpu.memory_space<vmem_shared>>
      tpu.enqueue_dma source(%dma_start3A_54 : memref<128x128xf32, #tpu.memory_space<vmem_shared>>) target(%dma_start3A_52 : memref<128x128xf32, #tpu.memory_space<hbm>>) target_semaphore(%run_scoped3A : memref<!tpu.dma_semaphore, #tpu.memory_space<semaphore_mem>>)
      %dma_wait3A = arith.constant 0 : i32
      %dma_wait3A_55 = arith.constant 0 : i32
      %dma_wait3A_56 = tpu.memref_slice %arg6[%arg0, %dma_wait3A, %dma_wait3A_55] : memref<2x10112x128xf32, #tpu.memory_space<hbm>> -> memref<1x10112x128xf32, #tpu.memory_space<hbm>>
      %dma_wait3A_57 = tpu.memref_squeeze %dma_wait3A_56 : memref<1x10112x128xf32, #tpu.memory_space<hbm>> -> memref<10112x128xf32, #tpu.memory_space<hbm>>
      %dma_wait3A_58 = arith.constant 0 : i32
      %dma_wait3A_59 = tpu.memref_slice %dma_wait3A_57[%add3A_43, %dma_wait3A_58] : memref<10112x128xf32, #tpu.memory_space<hbm>> -> memref<128x128xf32, #tpu.memory_space<hbm>>
      %dma_wait3A_60 = arith.constant 0 : i32
      %dma_wait3A_61 = tpu.memref_slice %arg11[%add3A_41, %dma_wait3A_60] : memref<10112x128xf32, #tpu.memory_space<vmem_shared>> -> memref<128x128xf32, #tpu.memory_space<vmem_shared>>
      tpu.wait_dma2 semaphore(%run_scoped3A : memref<!tpu.dma_semaphore, #tpu.memory_space<semaphore_mem>>) src(%dma_wait3A_61 : memref<128x128xf32, #tpu.memory_space<vmem_shared>>) dst(%dma_wait3A_59 : memref<128x128xf32, #tpu.memory_space<hbm>>)
      tpu.yield
    }) : () -> ()
    %add3A_44 = arith.constant 512 : i32
    %add3A_45 = arith.addi %mul3A_8, %add3A_44 : i32
    %add3A_46 = arith.constant 512 : i32
    %add3A_47 = arith.addi %mul3A_8, %add3A_46 : i32
    "tpu.region"() ({
      %run_scoped3A = tpu.sem_alloc : memref<!tpu.dma_semaphore, #tpu.memory_space<semaphore_mem>>
      %dma_start3A = arith.constant 0 : i32
      %dma_start3A_48 = arith.constant 0 : i32
      %dma_start3A_49 = tpu.memref_slice %arg6[%arg0, %dma_start3A, %dma_start3A_48] : memref<2x10112x128xf32, #tpu.memory_space<hbm>> -> memref<1x10112x128xf32, #tpu.memory_space<hbm>>
      %dma_start3A_50 = tpu.memref_squeeze %dma_start3A_49 : memref<1x10112x128xf32, #tpu.memory_space<hbm>> -> memref<10112x128xf32, #tpu.memory_space<hbm>>
      %dma_start3A_51 = arith.constant 0 : i32
      %dma_start3A_52 = tpu.memref_slice %dma_start3A_50[%add3A_47, %dma_start3A_51] : memref<10112x128xf32, #tpu.memory_space<hbm>> -> memref<120x128xf32, #tpu.memory_space<hbm>>
      %dma_start3A_53 = arith.constant 0 : i32
      %dma_start3A_54 = tpu.memref_slice %arg11[%add3A_45, %dma_start3A_53] : memref<10112x128xf32, #tpu.memory_space<vmem_shared>> -> memref<120x128xf32, #tpu.memory_space<vmem_shared>>
      tpu.enqueue_dma source(%dma_start3A_54 : memref<120x128xf32, #tpu.memory_space<vmem_shared>>) target(%dma_start3A_52 : memref<120x128xf32, #tpu.memory_space<hbm>>) target_semaphore(%run_scoped3A : memref<!tpu.dma_semaphore, #tpu.memory_space<semaphore_mem>>)
      %dma_wait3A = arith.constant 0 : i32
      %dma_wait3A_55 = arith.constant 0 : i32
      %dma_wait3A_56 = tpu.memref_slice %arg6[%arg0, %dma_wait3A, %dma_wait3A_55] : memref<2x10112x128xf32, #tpu.memory_space<hbm>> -> memref<1x10112x128xf32, #tpu.memory_space<hbm>>
      %dma_wait3A_57 = tpu.memref_squeeze %dma_wait3A_56 : memref<1x10112x128xf32, #tpu.memory_space<hbm>> -> memref<10112x128xf32, #tpu.memory_space<hbm>>
      %dma_wait3A_58 = arith.constant 0 : i32
      %dma_wait3A_59 = tpu.memref_slice %dma_wait3A_57[%add3A_47, %dma_wait3A_58] : memref<10112x128xf32, #tpu.memory_space<hbm>> -> memref<120x128xf32, #tpu.memory_space<hbm>>
      %dma_wait3A_60 = arith.constant 0 : i32
      %dma_wait3A_61 = tpu.memref_slice %arg11[%add3A_45, %dma_wait3A_60] : memref<10112x128xf32, #tpu.memory_space<vmem_shared>> -> memref<120x128xf32, #tpu.memory_space<vmem_shared>>
      tpu.wait_dma2 semaphore(%run_scoped3A : memref<!tpu.dma_semaphore, #tpu.memory_space<semaphore_mem>>) src(%dma_wait3A_61 : memref<120x128xf32, #tpu.memory_space<vmem_shared>>) dst(%dma_wait3A_59 : memref<120x128xf32, #tpu.memory_space<hbm>>)
      tpu.yield
    }) : () -> ()
    return
  }
}

module attributes {stable_mosaic.version = 14 : i64} {
  func.func @_eemb_body(%arg0: i32, %arg1: i32, %arg2: memref<4096x16xf32, #tpu.memory_space<vmem>>, %arg3: memref<1x16x128xf32, #tpu.memory_space<vmem>>, %arg4: memref<1x1x128xf32, #tpu.memory_space<vmem>>, %arg5: memref<1x4096x128xf32, #tpu.memory_space<vmem>>) attributes {dimension_semantics = [#tpu.dimension_semantics<arbitrary>, #tpu.dimension_semantics<arbitrary>], iteration_bounds = array<i64: 3, 157>, scalar_prefetch = 0 : i64, scratch_operands = 0 : i64, tpu.core_type = #tpu.core_type<tc>, window_params = [{transform_indices = @transform_0, window_bounds = array<i64: 4096, 16>}, {transform_indices = @transform_1, window_bounds = array<i64: 1, 16, 128>}, {transform_indices = @transform_2, window_bounds = array<i64: 1, 1, 128>}, {transform_indices = @transform_3, window_bounds = array<i64: 1, 4096, 128>}]} {
    %get3A = arith.constant 0 : index
    %get3A_0 = arith.constant 0 : index
    %get3A_1 = vector.load %arg2[%get3A, %get3A_0] : memref<4096x16xf32, #tpu.memory_space<vmem>>, vector<4096x16xf32>
    %get3A_2 = arith.constant 0 : index
    %get3A_3 = arith.constant 0 : index
    %get3A_4 = arith.constant 0 : index
    %get3A_5 = vector.load %arg3[%get3A_2, %get3A_3, %get3A_4] : memref<1x16x128xf32, #tpu.memory_space<vmem>>, vector<1x16x128xf32>
    %get3A_6 = vector.shape_cast %get3A_5 : vector<1x16x128xf32> to vector<16x128xf32>
    %convert_element_type3A = arith.truncf %get3A_1 : vector<4096x16xf32> to vector<4096x16xbf16>
    %convert_element_type3A_7 = arith.truncf %get3A_6 : vector<16x128xf32> to vector<16x128xbf16>
    %dot_general3A = arith.constant dense<0.000000e+00> : vector<4096x128xf32>
    %dot_general3A_8 = tpu.matmul %convert_element_type3A, %convert_element_type3A_7, %dot_general3A {dimension_numbers = #tpu.dot_dimension_numbers<[1], [0], [0], [1], [0, 0, 1, 1], [], []>, transpose_lhs_hint = false} : vector<4096x16xbf16>, vector<16x128xbf16>, vector<4096x128xf32> -> vector<4096x128xf32>
    %get3A_9 = arith.constant 0 : index
    %get3A_10 = arith.constant 0 : index
    %get3A_11 = arith.constant 0 : index
    %get3A_12 = vector.load %arg4[%get3A_9, %get3A_10, %get3A_11] : memref<1x1x128xf32, #tpu.memory_space<vmem>>, vector<1x1x128xf32>
    %get3A_13 = vector.shape_cast %get3A_12 : vector<1x1x128xf32> to vector<1x128xf32>
    %add3A = vector.broadcast %get3A_13 : vector<1x128xf32> to vector<4096x128xf32>
    %add3A_14 = arith.addf %dot_general3A_8, %add3A : vector<4096x128xf32>
    %swap3A = arith.constant 0 : index
    %swap3A_15 = arith.constant 0 : index
    %swap3A_16 = arith.constant 0 : index
    %swap3A_17 = vector.load %arg5[%swap3A, %swap3A_15, %swap3A_16] : memref<1x4096x128xf32, #tpu.memory_space<vmem>>, vector<1x4096x128xf32>
    %swap3A_18 = vector.shape_cast %swap3A_17 : vector<1x4096x128xf32> to vector<4096x128xf32>
    %swap3A_19 = vector.shape_cast %add3A_14 : vector<4096x128xf32> to vector<1x4096x128xf32>
    tpu.vector_store %arg5[%swap3A, %swap3A_15, %swap3A_16], %swap3A_19 {strides = array<i32>} : memref<1x4096x128xf32, #tpu.memory_space<vmem>>, vector<1x4096x128xf32>,
    return
  }
  func.func @transform_0(%arg0: i32, %arg1: i32) -> (i32, i32) {
    %c0_i32 = arith.constant 0 : i32
    %c0_i32_0 = arith.constant 0 : i32
    return %arg1, %c0_i32 : i32, i32
  }
  func.func @transform_1(%arg0: i32, %arg1: i32) -> (i32, i32, i32) {
    %c0_i32 = arith.constant 0 : i32
    %c0_i32_0 = arith.constant 0 : i32
    %c0_i32_1 = arith.constant 0 : i32
    return %arg0, %c0_i32, %c0_i32_0 : i32, i32, i32
  }
  func.func @transform_2(%arg0: i32, %arg1: i32) -> (i32, i32, i32) {
    %c0_i32 = arith.constant 0 : i32
    %c0_i32_0 = arith.constant 0 : i32
    %c0_i32_1 = arith.constant 0 : i32
    return %arg0, %c0_i32, %c0_i32_0 : i32, i32, i32
  }
  func.func @transform_3(%arg0: i32, %arg1: i32) -> (i32, i32, i32) {
    %c0_i32 = arith.constant 0 : i32
    %c0_i32_0 = arith.constant 0 : i32
    return %arg0, %arg1, %c0_i32 : i32, i32, i32
  }
}

module attributes {stable_mosaic.version = 14 : i64} {
  func.func @_enc_body(%arg0: memref<10000x128xf32, #tpu.memory_space<vmem>>, %arg1: memref<128x128xf32, #tpu.memory_space<vmem>>, %arg2: memref<1x128xf32, #tpu.memory_space<vmem>>, %arg3: memref<128x128xf32, #tpu.memory_space<vmem>>, %arg4: memref<1x128xf32, #tpu.memory_space<vmem>>, %arg5: memref<10000x128xf32, #tpu.memory_space<vmem>>, %arg6: memref<10000x128xf32, #tpu.memory_space<vmem>>) attributes {dimension_semantics = [], scalar_prefetch = 0 : i64, scratch_operands = 1 : i64, tpu.core_type = #tpu.core_type<tc>} {
    %get3A = arith.constant 0 : index
    %get3A_0 = arith.constant 0 : index
    %get3A_1 = vector.load %arg0[%get3A, %get3A_0] : memref<10000x128xf32, #tpu.memory_space<vmem>>, vector<10000x128xf32>
    %get3A_2 = arith.constant 0 : index
    %get3A_3 = arith.constant 0 : index
    %get3A_4 = vector.load %arg1[%get3A_2, %get3A_3] : memref<128x128xf32, #tpu.memory_space<vmem>>, vector<128x128xf32>
    %convert_element_type3A = arith.truncf %get3A_1 : vector<10000x128xf32> to vector<10000x128xbf16>
    %convert_element_type3A_5 = arith.truncf %get3A_4 : vector<128x128xf32> to vector<128x128xbf16>
    %dot_general3A = arith.constant dense<0.000000e+00> : vector<10000x128xf32>
    %dot_general3A_6 = tpu.matmul %convert_element_type3A, %convert_element_type3A_5, %dot_general3A {dimension_numbers = #tpu.dot_dimension_numbers<[1], [0], [0], [1], [0, 0, 1, 1], [], []>, transpose_lhs_hint = false} : vector<10000x128xbf16>, vector<128x128xbf16>, vector<10000x128xf32> -> vector<10000x128xf32>
    %get3A_7 = arith.constant 0 : index
    %get3A_8 = arith.constant 0 : index
    %get3A_9 = vector.load %arg2[%get3A_7, %get3A_8] : memref<1x128xf32, #tpu.memory_space<vmem>>, vector<1x128xf32>
    %add3A = vector.broadcast %get3A_9 : vector<1x128xf32> to vector<10000x128xf32>
    %add3A_10 = arith.addf %dot_general3A_6, %add3A : vector<10000x128xf32>
    %swap3A = arith.constant 0 : index
    %swap3A_11 = arith.constant 0 : index
    %swap3A_12 = vector.load %arg6[%swap3A, %swap3A_11] : memref<10000x128xf32, #tpu.memory_space<vmem>>, vector<10000x128xf32>
    tpu.vector_store %arg6[%swap3A, %swap3A_11], %add3A_10 {strides = array<i32>} : memref<10000x128xf32, #tpu.memory_space<vmem>>, vector<10000x128xf32>,
    %get3A_13 = arith.constant 0 : index
    %get3A_14 = arith.constant 0 : index
    %get3A_15 = vector.load %arg6[%get3A_13, %get3A_14] : memref<10000x128xf32, #tpu.memory_space<vmem>>, vector<8x128xf32>
    %scan3A = arith.constant 1 : i32
    %scan3A_16 = arith.constant 1249 : i32
    %scan3A_17 = arith.addi %scan3A, %scan3A_16 : i32
    %scan3A_18 = arith.constant 1 : i32
    %scan3A_19 = scf.for %scan3A_102 = %scan3A to %scan3A_17 step %scan3A_18 iter_args(%scan3A_103 = %get3A_15) -> (vector<8x128xf32>)  : i32 {
      %mul3A_104 = arith.constant 8 : i32
      %mul3A_105 = arith.muli %mul3A_104, %scan3A_102 : i32
      %multiple_of3A = tpu.assume_multiple %mul3A_105, 8 : i32
      %get3A_106 = arith.index_cast %multiple_of3A : i32 to index
      %get3A_107 = arith.constant 0 : index
      %get3A_108 = vector.load %arg6[%get3A_106, %get3A_107] : memref<10000x128xf32, #tpu.memory_space<vmem>>, vector<8x128xf32>
      %add3A_109 = arith.addf %scan3A_103, %get3A_108 : vector<8x128xf32>
      scf.yield %add3A_109 : vector<8x128xf32>
    }
    %scan3A_20 = arith.constant 1249 : i32
    %slice3A = vector.extract_strided_slice %scan3A_19 {offsets = [0, 0], sizes = [4, 128], strides = [1, 1]} : vector<8x128xf32> to vector<4x128xf32>
    %slice3A_21 = vector.extract_strided_slice %scan3A_19 {offsets = [4, 0], sizes = [4, 128], strides = [1, 1]} : vector<8x128xf32> to vector<4x128xf32>
    %add3A_22 = arith.addf %slice3A, %slice3A_21 : vector<4x128xf32>
    %slice3A_23 = vector.extract_strided_slice %add3A_22 {offsets = [0, 0], sizes = [2, 128], strides = [1, 1]} : vector<4x128xf32> to vector<2x128xf32>
    %slice3A_24 = vector.extract_strided_slice %add3A_22 {offsets = [2, 0], sizes = [2, 128], strides = [1, 1]} : vector<4x128xf32> to vector<2x128xf32>
    %add3A_25 = arith.addf %slice3A_23, %slice3A_24 : vector<2x128xf32>
    %slice3A_26 = vector.extract_strided_slice %add3A_25 {offsets = [0, 0], sizes = [1, 128], strides = [1, 1]} : vector<2x128xf32> to vector<1x128xf32>
    %slice3A_27 = vector.extract_strided_slice %add3A_25 {offsets = [1, 0], sizes = [1, 128], strides = [1, 1]} : vector<2x128xf32> to vector<1x128xf32>
    %add3A_28 = arith.addf %slice3A_26, %slice3A_27 : vector<1x128xf32>
    %mul3A = arith.constant 9.99999974E-5 : f32
    %mul3A_29 = vector.broadcast %mul3A : f32 to vector<1x128xf32>
    %mul3A_30 = arith.mulf %add3A_28, %mul3A_29 : vector<1x128xf32>
    %get3A_31 = arith.constant 0 : index
    %get3A_32 = arith.constant 0 : index
    %get3A_33 = vector.load %arg6[%get3A_31, %get3A_32] : memref<10000x128xf32, #tpu.memory_space<vmem>>, vector<8x128xf32>
    %sub3A = vector.broadcast %mul3A_30 : vector<1x128xf32> to vector<8x128xf32>
    %sub3A_34 = arith.subf %get3A_33, %sub3A : vector<8x128xf32>
    %mul3A_35 = arith.mulf %sub3A_34, %sub3A_34 : vector<8x128xf32>
    %scan3A_36 = arith.constant 1 : i32
    %scan3A_37 = arith.constant 624 : i32
    %scan3A_38 = arith.addi %scan3A_36, %scan3A_37 : i32
    %scan3A_39 = arith.constant 1 : i32
    %scan3A_40 = scf.for %scan3A_102 = %scan3A_36 to %scan3A_38 step %scan3A_39 iter_args(%scan3A_103 = %mul3A_35) -> (vector<8x128xf32>)  : i32 {
      %mul3A_104 = arith.constant 8 : i32
      %mul3A_105 = arith.muli %mul3A_104, %scan3A_102 : i32
      %multiple_of3A = tpu.assume_multiple %mul3A_105, 8 : i32
      %get3A_106 = arith.index_cast %multiple_of3A : i32 to index
      %get3A_107 = arith.constant 0 : index
      %get3A_108 = vector.load %arg6[%get3A_106, %get3A_107] : memref<10000x128xf32, #tpu.memory_space<vmem>>, vector<8x128xf32>
      %sub3A_109 = vector.broadcast %mul3A_30 : vector<1x128xf32> to vector<8x128xf32>
      %sub3A_110 = arith.subf %get3A_108, %sub3A_109 : vector<8x128xf32>
      %mul3A_111 = arith.mulf %sub3A_110, %sub3A_110 : vector<8x128xf32>
      %add3A_112 = arith.addf %scan3A_103, %mul3A_111 : vector<8x128xf32>
      scf.yield %add3A_112 : vector<8x128xf32>
    }
    %scan3A_41 = arith.constant 624 : i32
    %slice3A_42 = vector.extract_strided_slice %scan3A_40 {offsets = [0, 0], sizes = [4, 128], strides = [1, 1]} : vector<8x128xf32> to vector<4x128xf32>
    %slice3A_43 = vector.extract_strided_slice %scan3A_40 {offsets = [4, 0], sizes = [4, 128], strides = [1, 1]} : vector<8x128xf32> to vector<4x128xf32>
    %add3A_44 = arith.addf %slice3A_42, %slice3A_43 : vector<4x128xf32>
    %slice3A_45 = vector.extract_strided_slice %add3A_44 {offsets = [0, 0], sizes = [2, 128], strides = [1, 1]} : vector<4x128xf32> to vector<2x128xf32>
    %slice3A_46 = vector.extract_strided_slice %add3A_44 {offsets = [2, 0], sizes = [2, 128], strides = [1, 1]} : vector<4x128xf32> to vector<2x128xf32>
    %add3A_47 = arith.addf %slice3A_45, %slice3A_46 : vector<2x128xf32>
    %slice3A_48 = vector.extract_strided_slice %add3A_47 {offsets = [0, 0], sizes = [1, 128], strides = [1, 1]} : vector<2x128xf32> to vector<1x128xf32>
    %slice3A_49 = vector.extract_strided_slice %add3A_47 {offsets = [1, 0], sizes = [1, 128], strides = [1, 1]} : vector<2x128xf32> to vector<1x128xf32>
    %add3A_50 = arith.addf %slice3A_48, %slice3A_49 : vector<1x128xf32>
    %get3A_51 = arith.constant 5000 : index
    %get3A_52 = arith.constant 0 : index
    %get3A_53 = vector.load %arg6[%get3A_51, %get3A_52] : memref<10000x128xf32, #tpu.memory_space<vmem>>, vector<8x128xf32>
    %sub3A_54 = vector.broadcast %mul3A_30 : vector<1x128xf32> to vector<8x128xf32>
    %sub3A_55 = arith.subf %get3A_53, %sub3A_54 : vector<8x128xf32>
    %mul3A_56 = arith.mulf %sub3A_55, %sub3A_55 : vector<8x128xf32>
    %scan3A_57 = arith.constant 626 : i32
    %scan3A_58 = arith.constant 624 : i32
    %scan3A_59 = arith.addi %scan3A_57, %scan3A_58 : i32
    %scan3A_60 = arith.constant 1 : i32
    %scan3A_61 = scf.for %scan3A_102 = %scan3A_57 to %scan3A_59 step %scan3A_60 iter_args(%scan3A_103 = %mul3A_56) -> (vector<8x128xf32>)  : i32 {
      %mul3A_104 = arith.constant 8 : i32
      %mul3A_105 = arith.muli %mul3A_104, %scan3A_102 : i32
      %multiple_of3A = tpu.assume_multiple %mul3A_105, 8 : i32
      %get3A_106 = arith.index_cast %multiple_of3A : i32 to index
      %get3A_107 = arith.constant 0 : index
      %get3A_108 = vector.load %arg6[%get3A_106, %get3A_107] : memref<10000x128xf32, #tpu.memory_space<vmem>>, vector<8x128xf32>
      %sub3A_109 = vector.broadcast %mul3A_30 : vector<1x128xf32> to vector<8x128xf32>
      %sub3A_110 = arith.subf %get3A_108, %sub3A_109 : vector<8x128xf32>
      %mul3A_111 = arith.mulf %sub3A_110, %sub3A_110 : vector<8x128xf32>
      %add3A_112 = arith.addf %scan3A_103, %mul3A_111 : vector<8x128xf32>
      scf.yield %add3A_112 : vector<8x128xf32>
    }
    %scan3A_62 = arith.constant 624 : i32
    %slice3A_63 = vector.extract_strided_slice %scan3A_61 {offsets = [0, 0], sizes = [4, 128], strides = [1, 1]} : vector<8x128xf32> to vector<4x128xf32>
    %slice3A_64 = vector.extract_strided_slice %scan3A_61 {offsets = [4, 0], sizes = [4, 128], strides = [1, 1]} : vector<8x128xf32> to vector<4x128xf32>
    %add3A_65 = arith.addf %slice3A_63, %slice3A_64 : vector<4x128xf32>
    %slice3A_66 = vector.extract_strided_slice %add3A_65 {offsets = [0, 0], sizes = [2, 128], strides = [1, 1]} : vector<4x128xf32> to vector<2x128xf32>
    %slice3A_67 = vector.extract_strided_slice %add3A_65 {offsets = [2, 0], sizes = [2, 128], strides = [1, 1]} : vector<4x128xf32> to vector<2x128xf32>
    %add3A_68 = arith.addf %slice3A_66, %slice3A_67 : vector<2x128xf32>
    %slice3A_69 = vector.extract_strided_slice %add3A_68 {offsets = [0, 0], sizes = [1, 128], strides = [1, 1]} : vector<2x128xf32> to vector<1x128xf32>
    %slice3A_70 = vector.extract_strided_slice %add3A_68 {offsets = [1, 0], sizes = [1, 128], strides = [1, 1]} : vector<2x128xf32> to vector<1x128xf32>
    %add3A_71 = arith.addf %slice3A_69, %slice3A_70 : vector<1x128xf32>
    %add3A_72 = arith.addf %add3A_50, %add3A_71 : vector<1x128xf32>
    %mul3A_73 = arith.constant 9.99999974E-5 : f32
    %mul3A_74 = vector.broadcast %mul3A_73 : f32 to vector<1x128xf32>
    %mul3A_75 = arith.mulf %add3A_72, %mul3A_74 : vector<1x128xf32>
    %get3A_76 = arith.constant 0 : index
    %get3A_77 = arith.constant 0 : index
    %get3A_78 = vector.load %arg6[%get3A_76, %get3A_77] : memref<10000x128xf32, #tpu.memory_space<vmem>>, vector<10000x128xf32>
    %sub3A_79 = vector.broadcast %mul3A_30 : vector<1x128xf32> to vector<10000x128xf32>
    %sub3A_80 = arith.subf %get3A_78, %sub3A_79 : vector<10000x128xf32>
    %add3A_81 = arith.constant 9.99999974E-6 : f32
    %add3A_82 = vector.broadcast %add3A_81 : f32 to vector<1x128xf32>
    %add3A_83 = arith.addf %mul3A_75, %add3A_82 : vector<1x128xf32>
    %sqrt3A = math.sqrt %add3A_83 : vector<1x128xf32>
    %div3A = vector.broadcast %sqrt3A : vector<1x128xf32> to vector<10000x128xf32>
    %div3A_84 = arith.divf %sub3A_80, %div3A : vector<10000x128xf32>
    %max3A = arith.constant 0.000000e+00 : f32
    %max3A_85 = vector.broadcast %max3A : f32 to vector<10000x128xf32>
    %max3A_86 = arith.maximumf %div3A_84, %max3A_85 : vector<10000x128xf32>
    %get3A_87 = arith.constant 0 : index
    %get3A_88 = arith.constant 0 : index
    %get3A_89 = vector.load %arg3[%get3A_87, %get3A_88] : memref<128x128xf32, #tpu.memory_space<vmem>>, vector<128x128xf32>
    %convert_element_type3A_90 = arith.truncf %max3A_86 : vector<10000x128xf32> to vector<10000x128xbf16>
    %convert_element_type3A_91 = arith.truncf %get3A_89 : vector<128x128xf32> to vector<128x128xbf16>
    %dot_general3A_92 = arith.constant dense<0.000000e+00> : vector<10000x128xf32>
    %dot_general3A_93 = tpu.matmul %convert_element_type3A_90, %convert_element_type3A_91, %dot_general3A_92 {dimension_numbers = #tpu.dot_dimension_numbers<[1], [0], [0], [1], [0, 0, 1, 1], [], []>, transpose_lhs_hint = false} : vector<10000x128xbf16>, vector<128x128xbf16>, vector<10000x128xf32> -> vector<10000x128xf32>
    %get3A_94 = arith.constant 0 : index
    %get3A_95 = arith.constant 0 : index
    %get3A_96 = vector.load %arg4[%get3A_94, %get3A_95] : memref<1x128xf32, #tpu.memory_space<vmem>>, vector<1x128xf32>
    %add3A_97 = vector.broadcast %get3A_96 : vector<1x128xf32> to vector<10000x128xf32>
    %add3A_98 = arith.addf %dot_general3A_93, %add3A_97 : vector<10000x128xf32>
    %swap3A_99 = arith.constant 0 : index
    %swap3A_100 = arith.constant 0 : index
    %swap3A_101 = vector.load %arg5[%swap3A_99, %swap3A_100] : memref<10000x128xf32, #tpu.memory_space<vmem>>, vector<10000x128xf32>
    tpu.vector_store %arg5[%swap3A_99, %swap3A_100], %add3A_98 {strides = array<i32>} : memref<10000x128xf32, #tpu.memory_space<vmem>>, vector<10000x128xf32>,
    return
  }
}

module attributes {stable_mosaic.version = 14 : i64} {
  func.func @_mlp_body(%arg0: memref<10000x128xf32, #tpu.memory_space<vmem>>, %arg1: memref<2x10112x128xf32, #tpu.memory_space<vmem>>, %arg2: memref<1x1xf32, #tpu.memory_space<vmem>>, %arg3: memref<128x256xf32, #tpu.memory_space<vmem>>, %arg4: memref<1x256xf32, #tpu.memory_space<vmem>>, %arg5: memref<256x128xf32, #tpu.memory_space<vmem>>, %arg6: memref<1x128xf32, #tpu.memory_space<vmem>>, %arg7: memref<10000x128xf32, #tpu.memory_space<vmem>>, %arg8: memref<10000x256xf32, #tpu.memory_space<vmem>>) attributes {dimension_semantics = [], scalar_prefetch = 0 : i64, scratch_operands = 1 : i64, tpu.core_type = #tpu.core_type<tc>} {
    %get3A = arith.constant 0 : index
    %get3A_0 = arith.constant 0 : index
    %get3A_1 = vector.load %arg0[%get3A, %get3A_0] : memref<10000x128xf32, #tpu.memory_space<vmem>>, vector<10000x128xf32>
    %get3A_2 = arith.constant 0 : index
    %get3A_3 = arith.constant 0 : index
    %get3A_4 = vector.load %arg2[%get3A_2, %get3A_3] : memref<1x1xf32, #tpu.memory_space<vmem>>, vector<1x1xf32>
    %get3A_5 = vector.extract %get3A_4[0, 0] : f32 from vector<1x1xf32>
    %add3A = arith.constant 1.000000e+00 : f32
    %add3A_6 = arith.addf %add3A, %get3A_5 : f32
    %mul3A = vector.broadcast %add3A_6 : f32 to vector<10000x128xf32>
    %mul3A_7 = arith.mulf %mul3A, %get3A_1 : vector<10000x128xf32>
    %get3A_8 = arith.constant 0 : index
    %get3A_9 = arith.constant 0 : index
    %get3A_10 = arith.constant 0 : index
    %get3A_11 = vector.load %arg1[%get3A_8, %get3A_9, %get3A_10] : memref<2x10112x128xf32, #tpu.memory_space<vmem>>, vector<1x10000x128xf32>
    %get3A_12 = vector.shape_cast %get3A_11 : vector<1x10000x128xf32> to vector<10000x128xf32>
    %add3A_13 = arith.addf %mul3A_7, %get3A_12 : vector<10000x128xf32>
    %get3A_14 = arith.constant 1 : index
    %get3A_15 = arith.constant 0 : index
    %get3A_16 = arith.constant 0 : index
    %get3A_17 = vector.load %arg1[%get3A_14, %get3A_15, %get3A_16] : memref<2x10112x128xf32, #tpu.memory_space<vmem>>, vector<1x10000x128xf32>
    %get3A_18 = vector.shape_cast %get3A_17 : vector<1x10000x128xf32> to vector<10000x128xf32>
    %add3A_19 = arith.addf %add3A_13, %get3A_18 : vector<10000x128xf32>
    %get3A_20 = arith.constant 0 : index
    %get3A_21 = arith.constant 0 : index
    %get3A_22 = vector.load %arg3[%get3A_20, %get3A_21] : memref<128x256xf32, #tpu.memory_space<vmem>>, vector<128x256xf32>
    %convert_element_type3A = arith.truncf %add3A_19 : vector<10000x128xf32> to vector<10000x128xbf16>
    %convert_element_type3A_23 = arith.truncf %get3A_22 : vector<128x256xf32> to vector<128x256xbf16>
    %dot_general3A = arith.constant dense<0.000000e+00> : vector<10000x256xf32>
    %dot_general3A_24 = tpu.matmul %convert_element_type3A, %convert_element_type3A_23, %dot_general3A {dimension_numbers = #tpu.dot_dimension_numbers<[1], [0], [0], [1], [0, 0, 1, 1], [], []>, transpose_lhs_hint = false} : vector<10000x128xbf16>, vector<128x256xbf16>, vector<10000x256xf32> -> vector<10000x256xf32>
    %get3A_25 = arith.constant 0 : index
    %get3A_26 = arith.constant 0 : index
    %get3A_27 = vector.load %arg4[%get3A_25, %get3A_26] : memref<1x256xf32, #tpu.memory_space<vmem>>, vector<1x256xf32>
    %add3A_28 = vector.broadcast %get3A_27 : vector<1x256xf32> to vector<10000x256xf32>
    %add3A_29 = arith.addf %dot_general3A_24, %add3A_28 : vector<10000x256xf32>
    %swap3A = arith.constant 0 : index
    %swap3A_30 = arith.constant 0 : index
    %swap3A_31 = vector.load %arg8[%swap3A, %swap3A_30] : memref<10000x256xf32, #tpu.memory_space<vmem>>, vector<10000x256xf32>
    tpu.vector_store %arg8[%swap3A, %swap3A_30], %add3A_29 {strides = array<i32>} : memref<10000x256xf32, #tpu.memory_space<vmem>>, vector<10000x256xf32>,
    %get3A_32 = arith.constant 0 : index
    %get3A_33 = arith.constant 0 : index
    %get3A_34 = vector.load %arg8[%get3A_32, %get3A_33] : memref<10000x256xf32, #tpu.memory_space<vmem>>, vector<8x256xf32>
    %scan3A = arith.constant 1 : i32
    %scan3A_35 = arith.constant 1249 : i32
    %scan3A_36 = arith.addi %scan3A, %scan3A_35 : i32
    %scan3A_37 = arith.constant 1 : i32
    %scan3A_38 = scf.for %scan3A_206 = %scan3A to %scan3A_36 step %scan3A_37 iter_args(%scan3A_207 = %get3A_34) -> (vector<8x256xf32>)  : i32 {
      %mul3A_208 = arith.constant 8 : i32
      %mul3A_209 = arith.muli %mul3A_208, %scan3A_206 : i32
      %multiple_of3A = tpu.assume_multiple %mul3A_209, 8 : i32
      %get3A_210 = arith.index_cast %multiple_of3A : i32 to index
      %get3A_211 = arith.constant 0 : index
      %get3A_212 = vector.load %arg8[%get3A_210, %get3A_211] : memref<10000x256xf32, #tpu.memory_space<vmem>>, vector<8x256xf32>
      %add3A_213 = arith.addf %scan3A_207, %get3A_212 : vector<8x256xf32>
      scf.yield %add3A_213 : vector<8x256xf32>
    }
    %scan3A_39 = arith.constant 1249 : i32
    %slice3A = vector.extract_strided_slice %scan3A_38 {offsets = [0, 0], sizes = [4, 256], strides = [1, 1]} : vector<8x256xf32> to vector<4x256xf32>
    %slice3A_40 = vector.extract_strided_slice %scan3A_38 {offsets = [4, 0], sizes = [4, 256], strides = [1, 1]} : vector<8x256xf32> to vector<4x256xf32>
    %add3A_41 = arith.addf %slice3A, %slice3A_40 : vector<4x256xf32>
    %slice3A_42 = vector.extract_strided_slice %add3A_41 {offsets = [0, 0], sizes = [2, 256], strides = [1, 1]} : vector<4x256xf32> to vector<2x256xf32>
    %slice3A_43 = vector.extract_strided_slice %add3A_41 {offsets = [2, 0], sizes = [2, 256], strides = [1, 1]} : vector<4x256xf32> to vector<2x256xf32>
    %add3A_44 = arith.addf %slice3A_42, %slice3A_43 : vector<2x256xf32>
    %slice3A_45 = vector.extract_strided_slice %add3A_44 {offsets = [0, 0], sizes = [1, 256], strides = [1, 1]} : vector<2x256xf32> to vector<1x256xf32>
    %slice3A_46 = vector.extract_strided_slice %add3A_44 {offsets = [1, 0], sizes = [1, 256], strides = [1, 1]} : vector<2x256xf32> to vector<1x256xf32>
    %add3A_47 = arith.addf %slice3A_45, %slice3A_46 : vector<1x256xf32>
    %mul3A_48 = arith.constant 9.99999974E-5 : f32
    %mul3A_49 = vector.broadcast %mul3A_48 : f32 to vector<1x256xf32>
    %mul3A_50 = arith.mulf %add3A_47, %mul3A_49 : vector<1x256xf32>
    %get3A_51 = arith.constant 0 : index
    %get3A_52 = arith.constant 0 : index
    %get3A_53 = vector.load %arg8[%get3A_51, %get3A_52] : memref<10000x256xf32, #tpu.memory_space<vmem>>, vector<8x256xf32>
    %sub3A = vector.broadcast %mul3A_50 : vector<1x256xf32> to vector<8x256xf32>
    %sub3A_54 = arith.subf %get3A_53, %sub3A : vector<8x256xf32>
    %mul3A_55 = arith.mulf %sub3A_54, %sub3A_54 : vector<8x256xf32>
    %scan3A_56 = arith.constant 1 : i32
    %scan3A_57 = arith.constant 624 : i32
    %scan3A_58 = arith.addi %scan3A_56, %scan3A_57 : i32
    %scan3A_59 = arith.constant 1 : i32
    %scan3A_60 = scf.for %scan3A_206 = %scan3A_56 to %scan3A_58 step %scan3A_59 iter_args(%scan3A_207 = %mul3A_55) -> (vector<8x256xf32>)  : i32 {
      %mul3A_208 = arith.constant 8 : i32
      %mul3A_209 = arith.muli %mul3A_208, %scan3A_206 : i32
      %multiple_of3A = tpu.assume_multiple %mul3A_209, 8 : i32
      %get3A_210 = arith.index_cast %multiple_of3A : i32 to index
      %get3A_211 = arith.constant 0 : index
      %get3A_212 = vector.load %arg8[%get3A_210, %get3A_211] : memref<10000x256xf32, #tpu.memory_space<vmem>>, vector<8x256xf32>
      %sub3A_213 = vector.broadcast %mul3A_50 : vector<1x256xf32> to vector<8x256xf32>
      %sub3A_214 = arith.subf %get3A_212, %sub3A_213 : vector<8x256xf32>
      %mul3A_215 = arith.mulf %sub3A_214, %sub3A_214 : vector<8x256xf32>
      %add3A_216 = arith.addf %scan3A_207, %mul3A_215 : vector<8x256xf32>
      scf.yield %add3A_216 : vector<8x256xf32>
    }
    %scan3A_61 = arith.constant 624 : i32
    %slice3A_62 = vector.extract_strided_slice %scan3A_60 {offsets = [0, 0], sizes = [4, 256], strides = [1, 1]} : vector<8x256xf32> to vector<4x256xf32>
    %slice3A_63 = vector.extract_strided_slice %scan3A_60 {offsets = [4, 0], sizes = [4, 256], strides = [1, 1]} : vector<8x256xf32> to vector<4x256xf32>
    %add3A_64 = arith.addf %slice3A_62, %slice3A_63 : vector<4x256xf32>
    %slice3A_65 = vector.extract_strided_slice %add3A_64 {offsets = [0, 0], sizes = [2, 256], strides = [1, 1]} : vector<4x256xf32> to vector<2x256xf32>
    %slice3A_66 = vector.extract_strided_slice %add3A_64 {offsets = [2, 0], sizes = [2, 256], strides = [1, 1]} : vector<4x256xf32> to vector<2x256xf32>
    %add3A_67 = arith.addf %slice3A_65, %slice3A_66 : vector<2x256xf32>
    %slice3A_68 = vector.extract_strided_slice %add3A_67 {offsets = [0, 0], sizes = [1, 256], strides = [1, 1]} : vector<2x256xf32> to vector<1x256xf32>
    %slice3A_69 = vector.extract_strided_slice %add3A_67 {offsets = [1, 0], sizes = [1, 256], strides = [1, 1]} : vector<2x256xf32> to vector<1x256xf32>
    %add3A_70 = arith.addf %slice3A_68, %slice3A_69 : vector<1x256xf32>
    %get3A_71 = arith.constant 5000 : index
    %get3A_72 = arith.constant 0 : index
    %get3A_73 = vector.load %arg8[%get3A_71, %get3A_72] : memref<10000x256xf32, #tpu.memory_space<vmem>>, vector<8x256xf32>
    %sub3A_74 = vector.broadcast %mul3A_50 : vector<1x256xf32> to vector<8x256xf32>
    %sub3A_75 = arith.subf %get3A_73, %sub3A_74 : vector<8x256xf32>
    %mul3A_76 = arith.mulf %sub3A_75, %sub3A_75 : vector<8x256xf32>
    %scan3A_77 = arith.constant 626 : i32
    %scan3A_78 = arith.constant 624 : i32
    %scan3A_79 = arith.addi %scan3A_77, %scan3A_78 : i32
    %scan3A_80 = arith.constant 1 : i32
    %scan3A_81 = scf.for %scan3A_206 = %scan3A_77 to %scan3A_79 step %scan3A_80 iter_args(%scan3A_207 = %mul3A_76) -> (vector<8x256xf32>)  : i32 {
      %mul3A_208 = arith.constant 8 : i32
      %mul3A_209 = arith.muli %mul3A_208, %scan3A_206 : i32
      %multiple_of3A = tpu.assume_multiple %mul3A_209, 8 : i32
      %get3A_210 = arith.index_cast %multiple_of3A : i32 to index
      %get3A_211 = arith.constant 0 : index
      %get3A_212 = vector.load %arg8[%get3A_210, %get3A_211] : memref<10000x256xf32, #tpu.memory_space<vmem>>, vector<8x256xf32>
      %sub3A_213 = vector.broadcast %mul3A_50 : vector<1x256xf32> to vector<8x256xf32>
      %sub3A_214 = arith.subf %get3A_212, %sub3A_213 : vector<8x256xf32>
      %mul3A_215 = arith.mulf %sub3A_214, %sub3A_214 : vector<8x256xf32>
      %add3A_216 = arith.addf %scan3A_207, %mul3A_215 : vector<8x256xf32>
      scf.yield %add3A_216 : vector<8x256xf32>
    }
    %scan3A_82 = arith.constant 624 : i32
    %slice3A_83 = vector.extract_strided_slice %scan3A_81 {offsets = [0, 0], sizes = [4, 256], strides = [1, 1]} : vector<8x256xf32> to vector<4x256xf32>
    %slice3A_84 = vector.extract_strided_slice %scan3A_81 {offsets = [4, 0], sizes = [4, 256], strides = [1, 1]} : vector<8x256xf32> to vector<4x256xf32>
    %add3A_85 = arith.addf %slice3A_83, %slice3A_84 : vector<4x256xf32>
    %slice3A_86 = vector.extract_strided_slice %add3A_85 {offsets = [0, 0], sizes = [2, 256], strides = [1, 1]} : vector<4x256xf32> to vector<2x256xf32>
    %slice3A_87 = vector.extract_strided_slice %add3A_85 {offsets = [2, 0], sizes = [2, 256], strides = [1, 1]} : vector<4x256xf32> to vector<2x256xf32>
    %add3A_88 = arith.addf %slice3A_86, %slice3A_87 : vector<2x256xf32>
    %slice3A_89 = vector.extract_strided_slice %add3A_88 {offsets = [0, 0], sizes = [1, 256], strides = [1, 1]} : vector<2x256xf32> to vector<1x256xf32>
    %slice3A_90 = vector.extract_strided_slice %add3A_88 {offsets = [1, 0], sizes = [1, 256], strides = [1, 1]} : vector<2x256xf32> to vector<1x256xf32>
    %add3A_91 = arith.addf %slice3A_89, %slice3A_90 : vector<1x256xf32>
    %add3A_92 = arith.addf %add3A_70, %add3A_91 : vector<1x256xf32>
    %mul3A_93 = arith.constant 9.99999974E-5 : f32
    %mul3A_94 = vector.broadcast %mul3A_93 : f32 to vector<1x256xf32>
    %mul3A_95 = arith.mulf %add3A_92, %mul3A_94 : vector<1x256xf32>
    %get3A_96 = arith.constant 0 : index
    %get3A_97 = arith.constant 0 : index
    %get3A_98 = vector.load %arg8[%get3A_96, %get3A_97] : memref<10000x256xf32, #tpu.memory_space<vmem>>, vector<10000x256xf32>
    %sub3A_99 = vector.broadcast %mul3A_50 : vector<1x256xf32> to vector<10000x256xf32>
    %sub3A_100 = arith.subf %get3A_98, %sub3A_99 : vector<10000x256xf32>
    %add3A_101 = arith.constant 9.99999974E-6 : f32
    %add3A_102 = vector.broadcast %add3A_101 : f32 to vector<1x256xf32>
    %add3A_103 = arith.addf %mul3A_95, %add3A_102 : vector<1x256xf32>
    %sqrt3A = math.sqrt %add3A_103 : vector<1x256xf32>
    %div3A = vector.broadcast %sqrt3A : vector<1x256xf32> to vector<10000x256xf32>
    %div3A_104 = arith.divf %sub3A_100, %div3A : vector<10000x256xf32>
    %max3A = arith.constant 0.000000e+00 : f32
    %max3A_105 = vector.broadcast %max3A : f32 to vector<10000x256xf32>
    %max3A_106 = arith.maximumf %div3A_104, %max3A_105 : vector<10000x256xf32>
    %get3A_107 = arith.constant 0 : index
    %get3A_108 = arith.constant 0 : index
    %get3A_109 = vector.load %arg5[%get3A_107, %get3A_108] : memref<256x128xf32, #tpu.memory_space<vmem>>, vector<256x128xf32>
    %convert_element_type3A_110 = arith.truncf %max3A_106 : vector<10000x256xf32> to vector<10000x256xbf16>
    %convert_element_type3A_111 = arith.truncf %get3A_109 : vector<256x128xf32> to vector<256x128xbf16>
    %dot_general3A_112 = arith.constant dense<0.000000e+00> : vector<10000x128xf32>
    %dot_general3A_113 = tpu.matmul %convert_element_type3A_110, %convert_element_type3A_111, %dot_general3A_112 {dimension_numbers = #tpu.dot_dimension_numbers<[1], [0], [0], [1], [0, 0, 1, 1], [], []>, transpose_lhs_hint = false} : vector<10000x256xbf16>, vector<256x128xbf16>, vector<10000x128xf32> -> vector<10000x128xf32>
    %get3A_114 = arith.constant 0 : index
    %get3A_115 = arith.constant 0 : index
    %get3A_116 = vector.load %arg6[%get3A_114, %get3A_115] : memref<1x128xf32, #tpu.memory_space<vmem>>, vector<1x128xf32>
    %add3A_117 = vector.broadcast %get3A_116 : vector<1x128xf32> to vector<10000x128xf32>
    %add3A_118 = arith.addf %dot_general3A_113, %add3A_117 : vector<10000x128xf32>
    %swap3A_119 = arith.constant 0 : index
    %swap3A_120 = arith.constant 0 : index
    %swap3A_121 = vector.load %arg7[%swap3A_119, %swap3A_120] : memref<10000x128xf32, #tpu.memory_space<vmem>>, vector<10000x128xf32>
    tpu.vector_store %arg7[%swap3A_119, %swap3A_120], %add3A_118 {strides = array<i32>} : memref<10000x128xf32, #tpu.memory_space<vmem>>, vector<10000x128xf32>,
    %get3A_122 = arith.constant 0 : index
    %get3A_123 = arith.constant 0 : index
    %get3A_124 = vector.load %arg7[%get3A_122, %get3A_123] : memref<10000x128xf32, #tpu.memory_space<vmem>>, vector<8x128xf32>
    %scan3A_125 = arith.constant 1 : i32
    %scan3A_126 = arith.constant 1249 : i32
    %scan3A_127 = arith.addi %scan3A_125, %scan3A_126 : i32
    %scan3A_128 = arith.constant 1 : i32
    %scan3A_129 = scf.for %scan3A_206 = %scan3A_125 to %scan3A_127 step %scan3A_128 iter_args(%scan3A_207 = %get3A_124) -> (vector<8x128xf32>)  : i32 {
      %mul3A_208 = arith.constant 8 : i32
      %mul3A_209 = arith.muli %mul3A_208, %scan3A_206 : i32
      %multiple_of3A = tpu.assume_multiple %mul3A_209, 8 : i32
      %get3A_210 = arith.index_cast %multiple_of3A : i32 to index
      %get3A_211 = arith.constant 0 : index
      %get3A_212 = vector.load %arg7[%get3A_210, %get3A_211] : memref<10000x128xf32, #tpu.memory_space<vmem>>, vector<8x128xf32>
      %add3A_213 = arith.addf %scan3A_207, %get3A_212 : vector<8x128xf32>
      scf.yield %add3A_213 : vector<8x128xf32>
    }
    %scan3A_130 = arith.constant 1249 : i32
    %slice3A_131 = vector.extract_strided_slice %scan3A_129 {offsets = [0, 0], sizes = [4, 128], strides = [1, 1]} : vector<8x128xf32> to vector<4x128xf32>
    %slice3A_132 = vector.extract_strided_slice %scan3A_129 {offsets = [4, 0], sizes = [4, 128], strides = [1, 1]} : vector<8x128xf32> to vector<4x128xf32>
    %add3A_133 = arith.addf %slice3A_131, %slice3A_132 : vector<4x128xf32>
    %slice3A_134 = vector.extract_strided_slice %add3A_133 {offsets = [0, 0], sizes = [2, 128], strides = [1, 1]} : vector<4x128xf32> to vector<2x128xf32>
    %slice3A_135 = vector.extract_strided_slice %add3A_133 {offsets = [2, 0], sizes = [2, 128], strides = [1, 1]} : vector<4x128xf32> to vector<2x128xf32>
    %add3A_136 = arith.addf %slice3A_134, %slice3A_135 : vector<2x128xf32>
    %slice3A_137 = vector.extract_strided_slice %add3A_136 {offsets = [0, 0], sizes = [1, 128], strides = [1, 1]} : vector<2x128xf32> to vector<1x128xf32>
    %slice3A_138 = vector.extract_strided_slice %add3A_136 {offsets = [1, 0], sizes = [1, 128], strides = [1, 1]} : vector<2x128xf32> to vector<1x128xf32>
    %add3A_139 = arith.addf %slice3A_137, %slice3A_138 : vector<1x128xf32>
    %mul3A_140 = arith.constant 9.99999974E-5 : f32
    %mul3A_141 = vector.broadcast %mul3A_140 : f32 to vector<1x128xf32>
    %mul3A_142 = arith.mulf %add3A_139, %mul3A_141 : vector<1x128xf32>
    %get3A_143 = arith.constant 0 : index
    %get3A_144 = arith.constant 0 : index
    %get3A_145 = vector.load %arg7[%get3A_143, %get3A_144] : memref<10000x128xf32, #tpu.memory_space<vmem>>, vector<8x128xf32>
    %sub3A_146 = vector.broadcast %mul3A_142 : vector<1x128xf32> to vector<8x128xf32>
    %sub3A_147 = arith.subf %get3A_145, %sub3A_146 : vector<8x128xf32>
    %mul3A_148 = arith.mulf %sub3A_147, %sub3A_147 : vector<8x128xf32>
    %scan3A_149 = arith.constant 1 : i32
    %scan3A_150 = arith.constant 624 : i32
    %scan3A_151 = arith.addi %scan3A_149, %scan3A_150 : i32
    %scan3A_152 = arith.constant 1 : i32
    %scan3A_153 = scf.for %scan3A_206 = %scan3A_149 to %scan3A_151 step %scan3A_152 iter_args(%scan3A_207 = %mul3A_148) -> (vector<8x128xf32>)  : i32 {
      %mul3A_208 = arith.constant 8 : i32
      %mul3A_209 = arith.muli %mul3A_208, %scan3A_206 : i32
      %multiple_of3A = tpu.assume_multiple %mul3A_209, 8 : i32
      %get3A_210 = arith.index_cast %multiple_of3A : i32 to index
      %get3A_211 = arith.constant 0 : index
      %get3A_212 = vector.load %arg7[%get3A_210, %get3A_211] : memref<10000x128xf32, #tpu.memory_space<vmem>>, vector<8x128xf32>
      %sub3A_213 = vector.broadcast %mul3A_142 : vector<1x128xf32> to vector<8x128xf32>
      %sub3A_214 = arith.subf %get3A_212, %sub3A_213 : vector<8x128xf32>
      %mul3A_215 = arith.mulf %sub3A_214, %sub3A_214 : vector<8x128xf32>
      %add3A_216 = arith.addf %scan3A_207, %mul3A_215 : vector<8x128xf32>
      scf.yield %add3A_216 : vector<8x128xf32>
    }
    %scan3A_154 = arith.constant 624 : i32
    %slice3A_155 = vector.extract_strided_slice %scan3A_153 {offsets = [0, 0], sizes = [4, 128], strides = [1, 1]} : vector<8x128xf32> to vector<4x128xf32>
    %slice3A_156 = vector.extract_strided_slice %scan3A_153 {offsets = [4, 0], sizes = [4, 128], strides = [1, 1]} : vector<8x128xf32> to vector<4x128xf32>
    %add3A_157 = arith.addf %slice3A_155, %slice3A_156 : vector<4x128xf32>
    %slice3A_158 = vector.extract_strided_slice %add3A_157 {offsets = [0, 0], sizes = [2, 128], strides = [1, 1]} : vector<4x128xf32> to vector<2x128xf32>
    %slice3A_159 = vector.extract_strided_slice %add3A_157 {offsets = [2, 0], sizes = [2, 128], strides = [1, 1]} : vector<4x128xf32> to vector<2x128xf32>
    %add3A_160 = arith.addf %slice3A_158, %slice3A_159 : vector<2x128xf32>
    %slice3A_161 = vector.extract_strided_slice %add3A_160 {offsets = [0, 0], sizes = [1, 128], strides = [1, 1]} : vector<2x128xf32> to vector<1x128xf32>
    %slice3A_162 = vector.extract_strided_slice %add3A_160 {offsets = [1, 0], sizes = [1, 128], strides = [1, 1]} : vector<2x128xf32> to vector<1x128xf32>
    %add3A_163 = arith.addf %slice3A_161, %slice3A_162 : vector<1x128xf32>
    %get3A_164 = arith.constant 5000 : index
    %get3A_165 = arith.constant 0 : index
    %get3A_166 = vector.load %arg7[%get3A_164, %get3A_165] : memref<10000x128xf32, #tpu.memory_space<vmem>>, vector<8x128xf32>
    %sub3A_167 = vector.broadcast %mul3A_142 : vector<1x128xf32> to vector<8x128xf32>
    %sub3A_168 = arith.subf %get3A_166, %sub3A_167 : vector<8x128xf32>
    %mul3A_169 = arith.mulf %sub3A_168, %sub3A_168 : vector<8x128xf32>
    %scan3A_170 = arith.constant 626 : i32
    %scan3A_171 = arith.constant 624 : i32
    %scan3A_172 = arith.addi %scan3A_170, %scan3A_171 : i32
    %scan3A_173 = arith.constant 1 : i32
    %scan3A_174 = scf.for %scan3A_206 = %scan3A_170 to %scan3A_172 step %scan3A_173 iter_args(%scan3A_207 = %mul3A_169) -> (vector<8x128xf32>)  : i32 {
      %mul3A_208 = arith.constant 8 : i32
      %mul3A_209 = arith.muli %mul3A_208, %scan3A_206 : i32
      %multiple_of3A = tpu.assume_multiple %mul3A_209, 8 : i32
      %get3A_210 = arith.index_cast %multiple_of3A : i32 to index
      %get3A_211 = arith.constant 0 : index
      %get3A_212 = vector.load %arg7[%get3A_210, %get3A_211] : memref<10000x128xf32, #tpu.memory_space<vmem>>, vector<8x128xf32>
      %sub3A_213 = vector.broadcast %mul3A_142 : vector<1x128xf32> to vector<8x128xf32>
      %sub3A_214 = arith.subf %get3A_212, %sub3A_213 : vector<8x128xf32>
      %mul3A_215 = arith.mulf %sub3A_214, %sub3A_214 : vector<8x128xf32>
      %add3A_216 = arith.addf %scan3A_207, %mul3A_215 : vector<8x128xf32>
      scf.yield %add3A_216 : vector<8x128xf32>
    }
    %scan3A_175 = arith.constant 624 : i32
    %slice3A_176 = vector.extract_strided_slice %scan3A_174 {offsets = [0, 0], sizes = [4, 128], strides = [1, 1]} : vector<8x128xf32> to vector<4x128xf32>
    %slice3A_177 = vector.extract_strided_slice %scan3A_174 {offsets = [4, 0], sizes = [4, 128], strides = [1, 1]} : vector<8x128xf32> to vector<4x128xf32>
    %add3A_178 = arith.addf %slice3A_176, %slice3A_177 : vector<4x128xf32>
    %slice3A_179 = vector.extract_strided_slice %add3A_178 {offsets = [0, 0], sizes = [2, 128], strides = [1, 1]} : vector<4x128xf32> to vector<2x128xf32>
    %slice3A_180 = vector.extract_strided_slice %add3A_178 {offsets = [2, 0], sizes = [2, 128], strides = [1, 1]} : vector<4x128xf32> to vector<2x128xf32>
    %add3A_181 = arith.addf %slice3A_179, %slice3A_180 : vector<2x128xf32>
    %slice3A_182 = vector.extract_strided_slice %add3A_181 {offsets = [0, 0], sizes = [1, 128], strides = [1, 1]} : vector<2x128xf32> to vector<1x128xf32>
    %slice3A_183 = vector.extract_strided_slice %add3A_181 {offsets = [1, 0], sizes = [1, 128], strides = [1, 1]} : vector<2x128xf32> to vector<1x128xf32>
    %add3A_184 = arith.addf %slice3A_182, %slice3A_183 : vector<1x128xf32>
    %add3A_185 = arith.addf %add3A_163, %add3A_184 : vector<1x128xf32>
    %mul3A_186 = arith.constant 9.99999974E-5 : f32
    %mul3A_187 = vector.broadcast %mul3A_186 : f32 to vector<1x128xf32>
    %mul3A_188 = arith.mulf %add3A_185, %mul3A_187 : vector<1x128xf32>
    %get3A_189 = arith.constant 0 : index
    %get3A_190 = arith.constant 0 : index
    %get3A_191 = vector.load %arg7[%get3A_189, %get3A_190] : memref<10000x128xf32, #tpu.memory_space<vmem>>, vector<10000x128xf32>
    %sub3A_192 = vector.broadcast %mul3A_142 : vector<1x128xf32> to vector<10000x128xf32>
    %sub3A_193 = arith.subf %get3A_191, %sub3A_192 : vector<10000x128xf32>
    %add3A_194 = arith.constant 9.99999974E-6 : f32
    %add3A_195 = vector.broadcast %add3A_194 : f32 to vector<1x128xf32>
    %add3A_196 = arith.addf %mul3A_188, %add3A_195 : vector<1x128xf32>
    %sqrt3A_197 = math.sqrt %add3A_196 : vector<1x128xf32>
    %div3A_198 = vector.broadcast %sqrt3A_197 : vector<1x128xf32> to vector<10000x128xf32>
    %div3A_199 = arith.divf %sub3A_193, %div3A_198 : vector<10000x128xf32>
    %max3A_200 = arith.constant 0.000000e+00 : f32
    %max3A_201 = vector.broadcast %max3A_200 : f32 to vector<10000x128xf32>
    %max3A_202 = arith.maximumf %div3A_199, %max3A_201 : vector<10000x128xf32>
    %swap3A_203 = arith.constant 0 : index
    %swap3A_204 = arith.constant 0 : index
    %swap3A_205 = vector.load %arg7[%swap3A_203, %swap3A_204] : memref<10000x128xf32, #tpu.memory_space<vmem>>, vector<10000x128xf32>
    tpu.vector_store %arg7[%swap3A_203, %swap3A_204], %max3A_202 {strides = array<i32>} : memref<10000x128xf32, #tpu.memory_space<vmem>>, vector<10000x128xf32>,
    return
  }
}

module attributes {stable_mosaic.version = 14 : i64} {
  func.func @_mlp_body(%arg0: memref<10000x128xf32, #tpu.memory_space<vmem>>, %arg1: memref<2x10112x128xf32, #tpu.memory_space<vmem>>, %arg2: memref<1x1xf32, #tpu.memory_space<vmem>>, %arg3: memref<128x256xf32, #tpu.memory_space<vmem>>, %arg4: memref<1x256xf32, #tpu.memory_space<vmem>>, %arg5: memref<256x128xf32, #tpu.memory_space<vmem>>, %arg6: memref<1x128xf32, #tpu.memory_space<vmem>>, %arg7: memref<10000x128xf32, #tpu.memory_space<vmem>>, %arg8: memref<10000x256xf32, #tpu.memory_space<vmem>>) attributes {dimension_semantics = [], scalar_prefetch = 0 : i64, scratch_operands = 1 : i64, tpu.core_type = #tpu.core_type<tc>} {
    %get3A = arith.constant 0 : index
    %get3A_0 = arith.constant 0 : index
    %get3A_1 = vector.load %arg0[%get3A, %get3A_0] : memref<10000x128xf32, #tpu.memory_space<vmem>>, vector<10000x128xf32>
    %get3A_2 = arith.constant 0 : index
    %get3A_3 = arith.constant 0 : index
    %get3A_4 = vector.load %arg2[%get3A_2, %get3A_3] : memref<1x1xf32, #tpu.memory_space<vmem>>, vector<1x1xf32>
    %get3A_5 = vector.extract %get3A_4[0, 0] : f32 from vector<1x1xf32>
    %add3A = arith.constant 1.000000e+00 : f32
    %add3A_6 = arith.addf %add3A, %get3A_5 : f32
    %mul3A = vector.broadcast %add3A_6 : f32 to vector<10000x128xf32>
    %mul3A_7 = arith.mulf %mul3A, %get3A_1 : vector<10000x128xf32>
    %get3A_8 = arith.constant 0 : index
    %get3A_9 = arith.constant 0 : index
    %get3A_10 = arith.constant 0 : index
    %get3A_11 = vector.load %arg1[%get3A_8, %get3A_9, %get3A_10] : memref<2x10112x128xf32, #tpu.memory_space<vmem>>, vector<1x10000x128xf32>
    %get3A_12 = vector.shape_cast %get3A_11 : vector<1x10000x128xf32> to vector<10000x128xf32>
    %add3A_13 = arith.addf %mul3A_7, %get3A_12 : vector<10000x128xf32>
    %get3A_14 = arith.constant 1 : index
    %get3A_15 = arith.constant 0 : index
    %get3A_16 = arith.constant 0 : index
    %get3A_17 = vector.load %arg1[%get3A_14, %get3A_15, %get3A_16] : memref<2x10112x128xf32, #tpu.memory_space<vmem>>, vector<1x10000x128xf32>
    %get3A_18 = vector.shape_cast %get3A_17 : vector<1x10000x128xf32> to vector<10000x128xf32>
    %add3A_19 = arith.addf %add3A_13, %get3A_18 : vector<10000x128xf32>
    %get3A_20 = arith.constant 0 : index
    %get3A_21 = arith.constant 0 : index
    %get3A_22 = vector.load %arg3[%get3A_20, %get3A_21] : memref<128x256xf32, #tpu.memory_space<vmem>>, vector<128x256xf32>
    %convert_element_type3A = arith.truncf %add3A_19 : vector<10000x128xf32> to vector<10000x128xbf16>
    %convert_element_type3A_23 = arith.truncf %get3A_22 : vector<128x256xf32> to vector<128x256xbf16>
    %dot_general3A = arith.constant dense<0.000000e+00> : vector<10000x256xf32>
    %dot_general3A_24 = tpu.matmul %convert_element_type3A, %convert_element_type3A_23, %dot_general3A {dimension_numbers = #tpu.dot_dimension_numbers<[1], [0], [0], [1], [0, 0, 1, 1], [], []>, transpose_lhs_hint = false} : vector<10000x128xbf16>, vector<128x256xbf16>, vector<10000x256xf32> -> vector<10000x256xf32>
    %get3A_25 = arith.constant 0 : index
    %get3A_26 = arith.constant 0 : index
    %get3A_27 = vector.load %arg4[%get3A_25, %get3A_26] : memref<1x256xf32, #tpu.memory_space<vmem>>, vector<1x256xf32>
    %add3A_28 = vector.broadcast %get3A_27 : vector<1x256xf32> to vector<10000x256xf32>
    %add3A_29 = arith.addf %dot_general3A_24, %add3A_28 : vector<10000x256xf32>
    %swap3A = arith.constant 0 : index
    %swap3A_30 = arith.constant 0 : index
    %swap3A_31 = vector.load %arg8[%swap3A, %swap3A_30] : memref<10000x256xf32, #tpu.memory_space<vmem>>, vector<10000x256xf32>
    tpu.vector_store %arg8[%swap3A, %swap3A_30], %add3A_29 {strides = array<i32>} : memref<10000x256xf32, #tpu.memory_space<vmem>>, vector<10000x256xf32>,
    %get3A_32 = arith.constant 0 : index
    %get3A_33 = arith.constant 0 : index
    %get3A_34 = vector.load %arg8[%get3A_32, %get3A_33] : memref<10000x256xf32, #tpu.memory_space<vmem>>, vector<8x256xf32>
    %scan3A = arith.constant 1 : i32
    %scan3A_35 = arith.constant 1249 : i32
    %scan3A_36 = arith.addi %scan3A, %scan3A_35 : i32
    %scan3A_37 = arith.constant 1 : i32
    %scan3A_38 = scf.for %scan3A_203 = %scan3A to %scan3A_36 step %scan3A_37 iter_args(%scan3A_204 = %get3A_34) -> (vector<8x256xf32>)  : i32 {
      %mul3A_205 = arith.constant 8 : i32
      %mul3A_206 = arith.muli %mul3A_205, %scan3A_203 : i32
      %multiple_of3A = tpu.assume_multiple %mul3A_206, 8 : i32
      %get3A_207 = arith.index_cast %multiple_of3A : i32 to index
      %get3A_208 = arith.constant 0 : index
      %get3A_209 = vector.load %arg8[%get3A_207, %get3A_208] : memref<10000x256xf32, #tpu.memory_space<vmem>>, vector<8x256xf32>
      %add3A_210 = arith.addf %scan3A_204, %get3A_209 : vector<8x256xf32>
      scf.yield %add3A_210 : vector<8x256xf32>
    }
    %scan3A_39 = arith.constant 1249 : i32
    %slice3A = vector.extract_strided_slice %scan3A_38 {offsets = [0, 0], sizes = [4, 256], strides = [1, 1]} : vector<8x256xf32> to vector<4x256xf32>
    %slice3A_40 = vector.extract_strided_slice %scan3A_38 {offsets = [4, 0], sizes = [4, 256], strides = [1, 1]} : vector<8x256xf32> to vector<4x256xf32>
    %add3A_41 = arith.addf %slice3A, %slice3A_40 : vector<4x256xf32>
    %slice3A_42 = vector.extract_strided_slice %add3A_41 {offsets = [0, 0], sizes = [2, 256], strides = [1, 1]} : vector<4x256xf32> to vector<2x256xf32>
    %slice3A_43 = vector.extract_strided_slice %add3A_41 {offsets = [2, 0], sizes = [2, 256], strides = [1, 1]} : vector<4x256xf32> to vector<2x256xf32>
    %add3A_44 = arith.addf %slice3A_42, %slice3A_43 : vector<2x256xf32>
    %slice3A_45 = vector.extract_strided_slice %add3A_44 {offsets = [0, 0], sizes = [1, 256], strides = [1, 1]} : vector<2x256xf32> to vector<1x256xf32>
    %slice3A_46 = vector.extract_strided_slice %add3A_44 {offsets = [1, 0], sizes = [1, 256], strides = [1, 1]} : vector<2x256xf32> to vector<1x256xf32>
    %add3A_47 = arith.addf %slice3A_45, %slice3A_46 : vector<1x256xf32>
    %mul3A_48 = arith.constant 9.99999974E-5 : f32
    %mul3A_49 = vector.broadcast %mul3A_48 : f32 to vector<1x256xf32>
    %mul3A_50 = arith.mulf %add3A_47, %mul3A_49 : vector<1x256xf32>
    %get3A_51 = arith.constant 0 : index
    %get3A_52 = arith.constant 0 : index
    %get3A_53 = vector.load %arg8[%get3A_51, %get3A_52] : memref<10000x256xf32, #tpu.memory_space<vmem>>, vector<8x256xf32>
    %sub3A = vector.broadcast %mul3A_50 : vector<1x256xf32> to vector<8x256xf32>
    %sub3A_54 = arith.subf %get3A_53, %sub3A : vector<8x256xf32>
    %mul3A_55 = arith.mulf %sub3A_54, %sub3A_54 : vector<8x256xf32>
    %scan3A_56 = arith.constant 1 : i32
    %scan3A_57 = arith.constant 624 : i32
    %scan3A_58 = arith.addi %scan3A_56, %scan3A_57 : i32
    %scan3A_59 = arith.constant 1 : i32
    %scan3A_60 = scf.for %scan3A_203 = %scan3A_56 to %scan3A_58 step %scan3A_59 iter_args(%scan3A_204 = %mul3A_55) -> (vector<8x256xf32>)  : i32 {
      %mul3A_205 = arith.constant 8 : i32
      %mul3A_206 = arith.muli %mul3A_205, %scan3A_203 : i32
      %multiple_of3A = tpu.assume_multiple %mul3A_206, 8 : i32
      %get3A_207 = arith.index_cast %multiple_of3A : i32 to index
      %get3A_208 = arith.constant 0 : index
      %get3A_209 = vector.load %arg8[%get3A_207, %get3A_208] : memref<10000x256xf32, #tpu.memory_space<vmem>>, vector<8x256xf32>
      %sub3A_210 = vector.broadcast %mul3A_50 : vector<1x256xf32> to vector<8x256xf32>
      %sub3A_211 = arith.subf %get3A_209, %sub3A_210 : vector<8x256xf32>
      %mul3A_212 = arith.mulf %sub3A_211, %sub3A_211 : vector<8x256xf32>
      %add3A_213 = arith.addf %scan3A_204, %mul3A_212 : vector<8x256xf32>
      scf.yield %add3A_213 : vector<8x256xf32>
    }
    %scan3A_61 = arith.constant 624 : i32
    %slice3A_62 = vector.extract_strided_slice %scan3A_60 {offsets = [0, 0], sizes = [4, 256], strides = [1, 1]} : vector<8x256xf32> to vector<4x256xf32>
    %slice3A_63 = vector.extract_strided_slice %scan3A_60 {offsets = [4, 0], sizes = [4, 256], strides = [1, 1]} : vector<8x256xf32> to vector<4x256xf32>
    %add3A_64 = arith.addf %slice3A_62, %slice3A_63 : vector<4x256xf32>
    %slice3A_65 = vector.extract_strided_slice %add3A_64 {offsets = [0, 0], sizes = [2, 256], strides = [1, 1]} : vector<4x256xf32> to vector<2x256xf32>
    %slice3A_66 = vector.extract_strided_slice %add3A_64 {offsets = [2, 0], sizes = [2, 256], strides = [1, 1]} : vector<4x256xf32> to vector<2x256xf32>
    %add3A_67 = arith.addf %slice3A_65, %slice3A_66 : vector<2x256xf32>
    %slice3A_68 = vector.extract_strided_slice %add3A_67 {offsets = [0, 0], sizes = [1, 256], strides = [1, 1]} : vector<2x256xf32> to vector<1x256xf32>
    %slice3A_69 = vector.extract_strided_slice %add3A_67 {offsets = [1, 0], sizes = [1, 256], strides = [1, 1]} : vector<2x256xf32> to vector<1x256xf32>
    %add3A_70 = arith.addf %slice3A_68, %slice3A_69 : vector<1x256xf32>
    %get3A_71 = arith.constant 5000 : index
    %get3A_72 = arith.constant 0 : index
    %get3A_73 = vector.load %arg8[%get3A_71, %get3A_72] : memref<10000x256xf32, #tpu.memory_space<vmem>>, vector<8x256xf32>
    %sub3A_74 = vector.broadcast %mul3A_50 : vector<1x256xf32> to vector<8x256xf32>
    %sub3A_75 = arith.subf %get3A_73, %sub3A_74 : vector<8x256xf32>
    %mul3A_76 = arith.mulf %sub3A_75, %sub3A_75 : vector<8x256xf32>
    %scan3A_77 = arith.constant 626 : i32
    %scan3A_78 = arith.constant 624 : i32
    %scan3A_79 = arith.addi %scan3A_77, %scan3A_78 : i32
    %scan3A_80 = arith.constant 1 : i32
    %scan3A_81 = scf.for %scan3A_203 = %scan3A_77 to %scan3A_79 step %scan3A_80 iter_args(%scan3A_204 = %mul3A_76) -> (vector<8x256xf32>)  : i32 {
      %mul3A_205 = arith.constant 8 : i32
      %mul3A_206 = arith.muli %mul3A_205, %scan3A_203 : i32
      %multiple_of3A = tpu.assume_multiple %mul3A_206, 8 : i32
      %get3A_207 = arith.index_cast %multiple_of3A : i32 to index
      %get3A_208 = arith.constant 0 : index
      %get3A_209 = vector.load %arg8[%get3A_207, %get3A_208] : memref<10000x256xf32, #tpu.memory_space<vmem>>, vector<8x256xf32>
      %sub3A_210 = vector.broadcast %mul3A_50 : vector<1x256xf32> to vector<8x256xf32>
      %sub3A_211 = arith.subf %get3A_209, %sub3A_210 : vector<8x256xf32>
      %mul3A_212 = arith.mulf %sub3A_211, %sub3A_211 : vector<8x256xf32>
      %add3A_213 = arith.addf %scan3A_204, %mul3A_212 : vector<8x256xf32>
      scf.yield %add3A_213 : vector<8x256xf32>
    }
    %scan3A_82 = arith.constant 624 : i32
    %slice3A_83 = vector.extract_strided_slice %scan3A_81 {offsets = [0, 0], sizes = [4, 256], strides = [1, 1]} : vector<8x256xf32> to vector<4x256xf32>
    %slice3A_84 = vector.extract_strided_slice %scan3A_81 {offsets = [4, 0], sizes = [4, 256], strides = [1, 1]} : vector<8x256xf32> to vector<4x256xf32>
    %add3A_85 = arith.addf %slice3A_83, %slice3A_84 : vector<4x256xf32>
    %slice3A_86 = vector.extract_strided_slice %add3A_85 {offsets = [0, 0], sizes = [2, 256], strides = [1, 1]} : vector<4x256xf32> to vector<2x256xf32>
    %slice3A_87 = vector.extract_strided_slice %add3A_85 {offsets = [2, 0], sizes = [2, 256], strides = [1, 1]} : vector<4x256xf32> to vector<2x256xf32>
    %add3A_88 = arith.addf %slice3A_86, %slice3A_87 : vector<2x256xf32>
    %slice3A_89 = vector.extract_strided_slice %add3A_88 {offsets = [0, 0], sizes = [1, 256], strides = [1, 1]} : vector<2x256xf32> to vector<1x256xf32>
    %slice3A_90 = vector.extract_strided_slice %add3A_88 {offsets = [1, 0], sizes = [1, 256], strides = [1, 1]} : vector<2x256xf32> to vector<1x256xf32>
    %add3A_91 = arith.addf %slice3A_89, %slice3A_90 : vector<1x256xf32>
    %add3A_92 = arith.addf %add3A_70, %add3A_91 : vector<1x256xf32>
    %mul3A_93 = arith.constant 9.99999974E-5 : f32
    %mul3A_94 = vector.broadcast %mul3A_93 : f32 to vector<1x256xf32>
    %mul3A_95 = arith.mulf %add3A_92, %mul3A_94 : vector<1x256xf32>
    %get3A_96 = arith.constant 0 : index
    %get3A_97 = arith.constant 0 : index
    %get3A_98 = vector.load %arg8[%get3A_96, %get3A_97] : memref<10000x256xf32, #tpu.memory_space<vmem>>, vector<10000x256xf32>
    %sub3A_99 = vector.broadcast %mul3A_50 : vector<1x256xf32> to vector<10000x256xf32>
    %sub3A_100 = arith.subf %get3A_98, %sub3A_99 : vector<10000x256xf32>
    %add3A_101 = arith.constant 9.99999974E-6 : f32
    %add3A_102 = vector.broadcast %add3A_101 : f32 to vector<1x256xf32>
    %add3A_103 = arith.addf %mul3A_95, %add3A_102 : vector<1x256xf32>
    %sqrt3A = math.sqrt %add3A_103 : vector<1x256xf32>
    %div3A = vector.broadcast %sqrt3A : vector<1x256xf32> to vector<10000x256xf32>
    %div3A_104 = arith.divf %sub3A_100, %div3A : vector<10000x256xf32>
    %max3A = arith.constant 0.000000e+00 : f32
    %max3A_105 = vector.broadcast %max3A : f32 to vector<10000x256xf32>
    %max3A_106 = arith.maximumf %div3A_104, %max3A_105 : vector<10000x256xf32>
    %get3A_107 = arith.constant 0 : index
    %get3A_108 = arith.constant 0 : index
    %get3A_109 = vector.load %arg5[%get3A_107, %get3A_108] : memref<256x128xf32, #tpu.memory_space<vmem>>, vector<256x128xf32>
    %convert_element_type3A_110 = arith.truncf %max3A_106 : vector<10000x256xf32> to vector<10000x256xbf16>
    %convert_element_type3A_111 = arith.truncf %get3A_109 : vector<256x128xf32> to vector<256x128xbf16>
    %dot_general3A_112 = arith.constant dense<0.000000e+00> : vector<10000x128xf32>
    %dot_general3A_113 = tpu.matmul %convert_element_type3A_110, %convert_element_type3A_111, %dot_general3A_112 {dimension_numbers = #tpu.dot_dimension_numbers<[1], [0], [0], [1], [0, 0, 1, 1], [], []>, transpose_lhs_hint = false} : vector<10000x256xbf16>, vector<256x128xbf16>, vector<10000x128xf32> -> vector<10000x128xf32>
    %get3A_114 = arith.constant 0 : index
    %get3A_115 = arith.constant 0 : index
    %get3A_116 = vector.load %arg6[%get3A_114, %get3A_115] : memref<1x128xf32, #tpu.memory_space<vmem>>, vector<1x128xf32>
    %add3A_117 = vector.broadcast %get3A_116 : vector<1x128xf32> to vector<10000x128xf32>
    %add3A_118 = arith.addf %dot_general3A_113, %add3A_117 : vector<10000x128xf32>
    %swap3A_119 = arith.constant 0 : index
    %swap3A_120 = arith.constant 0 : index
    %swap3A_121 = vector.load %arg7[%swap3A_119, %swap3A_120] : memref<10000x128xf32, #tpu.memory_space<vmem>>, vector<10000x128xf32>
    tpu.vector_store %arg7[%swap3A_119, %swap3A_120], %add3A_118 {strides = array<i32>} : memref<10000x128xf32, #tpu.memory_space<vmem>>, vector<10000x128xf32>,
    %get3A_122 = arith.constant 0 : index
    %get3A_123 = arith.constant 0 : index
    %get3A_124 = vector.load %arg7[%get3A_122, %get3A_123] : memref<10000x128xf32, #tpu.memory_space<vmem>>, vector<8x128xf32>
    %scan3A_125 = arith.constant 1 : i32
    %scan3A_126 = arith.constant 1249 : i32
    %scan3A_127 = arith.addi %scan3A_125, %scan3A_126 : i32
    %scan3A_128 = arith.constant 1 : i32
    %scan3A_129 = scf.for %scan3A_203 = %scan3A_125 to %scan3A_127 step %scan3A_128 iter_args(%scan3A_204 = %get3A_124) -> (vector<8x128xf32>)  : i32 {
      %mul3A_205 = arith.constant 8 : i32
      %mul3A_206 = arith.muli %mul3A_205, %scan3A_203 : i32
      %multiple_of3A = tpu.assume_multiple %mul3A_206, 8 : i32
      %get3A_207 = arith.index_cast %multiple_of3A : i32 to index
      %get3A_208 = arith.constant 0 : index
      %get3A_209 = vector.load %arg7[%get3A_207, %get3A_208] : memref<10000x128xf32, #tpu.memory_space<vmem>>, vector<8x128xf32>
      %add3A_210 = arith.addf %scan3A_204, %get3A_209 : vector<8x128xf32>
      scf.yield %add3A_210 : vector<8x128xf32>
    }
    %scan3A_130 = arith.constant 1249 : i32
    %slice3A_131 = vector.extract_strided_slice %scan3A_129 {offsets = [0, 0], sizes = [4, 128], strides = [1, 1]} : vector<8x128xf32> to vector<4x128xf32>
    %slice3A_132 = vector.extract_strided_slice %scan3A_129 {offsets = [4, 0], sizes = [4, 128], strides = [1, 1]} : vector<8x128xf32> to vector<4x128xf32>
    %add3A_133 = arith.addf %slice3A_131, %slice3A_132 : vector<4x128xf32>
    %slice3A_134 = vector.extract_strided_slice %add3A_133 {offsets = [0, 0], sizes = [2, 128], strides = [1, 1]} : vector<4x128xf32> to vector<2x128xf32>
    %slice3A_135 = vector.extract_strided_slice %add3A_133 {offsets = [2, 0], sizes = [2, 128], strides = [1, 1]} : vector<4x128xf32> to vector<2x128xf32>
    %add3A_136 = arith.addf %slice3A_134, %slice3A_135 : vector<2x128xf32>
    %slice3A_137 = vector.extract_strided_slice %add3A_136 {offsets = [0, 0], sizes = [1, 128], strides = [1, 1]} : vector<2x128xf32> to vector<1x128xf32>
    %slice3A_138 = vector.extract_strided_slice %add3A_136 {offsets = [1, 0], sizes = [1, 128], strides = [1, 1]} : vector<2x128xf32> to vector<1x128xf32>
    %add3A_139 = arith.addf %slice3A_137, %slice3A_138 : vector<1x128xf32>
    %mul3A_140 = arith.constant 9.99999974E-5 : f32
    %mul3A_141 = vector.broadcast %mul3A_140 : f32 to vector<1x128xf32>
    %mul3A_142 = arith.mulf %add3A_139, %mul3A_141 : vector<1x128xf32>
    %get3A_143 = arith.constant 0 : index
    %get3A_144 = arith.constant 0 : index
    %get3A_145 = vector.load %arg7[%get3A_143, %get3A_144] : memref<10000x128xf32, #tpu.memory_space<vmem>>, vector<8x128xf32>
    %sub3A_146 = vector.broadcast %mul3A_142 : vector<1x128xf32> to vector<8x128xf32>
    %sub3A_147 = arith.subf %get3A_145, %sub3A_146 : vector<8x128xf32>
    %mul3A_148 = arith.mulf %sub3A_147, %sub3A_147 : vector<8x128xf32>
    %scan3A_149 = arith.constant 1 : i32
    %scan3A_150 = arith.constant 624 : i32
    %scan3A_151 = arith.addi %scan3A_149, %scan3A_150 : i32
    %scan3A_152 = arith.constant 1 : i32
    %scan3A_153 = scf.for %scan3A_203 = %scan3A_149 to %scan3A_151 step %scan3A_152 iter_args(%scan3A_204 = %mul3A_148) -> (vector<8x128xf32>)  : i32 {
      %mul3A_205 = arith.constant 8 : i32
      %mul3A_206 = arith.muli %mul3A_205, %scan3A_203 : i32
      %multiple_of3A = tpu.assume_multiple %mul3A_206, 8 : i32
      %get3A_207 = arith.index_cast %multiple_of3A : i32 to index
      %get3A_208 = arith.constant 0 : index
      %get3A_209 = vector.load %arg7[%get3A_207, %get3A_208] : memref<10000x128xf32, #tpu.memory_space<vmem>>, vector<8x128xf32>
      %sub3A_210 = vector.broadcast %mul3A_142 : vector<1x128xf32> to vector<8x128xf32>
      %sub3A_211 = arith.subf %get3A_209, %sub3A_210 : vector<8x128xf32>
      %mul3A_212 = arith.mulf %sub3A_211, %sub3A_211 : vector<8x128xf32>
      %add3A_213 = arith.addf %scan3A_204, %mul3A_212 : vector<8x128xf32>
      scf.yield %add3A_213 : vector<8x128xf32>
    }
    %scan3A_154 = arith.constant 624 : i32
    %slice3A_155 = vector.extract_strided_slice %scan3A_153 {offsets = [0, 0], sizes = [4, 128], strides = [1, 1]} : vector<8x128xf32> to vector<4x128xf32>
    %slice3A_156 = vector.extract_strided_slice %scan3A_153 {offsets = [4, 0], sizes = [4, 128], strides = [1, 1]} : vector<8x128xf32> to vector<4x128xf32>
    %add3A_157 = arith.addf %slice3A_155, %slice3A_156 : vector<4x128xf32>
    %slice3A_158 = vector.extract_strided_slice %add3A_157 {offsets = [0, 0], sizes = [2, 128], strides = [1, 1]} : vector<4x128xf32> to vector<2x128xf32>
    %slice3A_159 = vector.extract_strided_slice %add3A_157 {offsets = [2, 0], sizes = [2, 128], strides = [1, 1]} : vector<4x128xf32> to vector<2x128xf32>
    %add3A_160 = arith.addf %slice3A_158, %slice3A_159 : vector<2x128xf32>
    %slice3A_161 = vector.extract_strided_slice %add3A_160 {offsets = [0, 0], sizes = [1, 128], strides = [1, 1]} : vector<2x128xf32> to vector<1x128xf32>
    %slice3A_162 = vector.extract_strided_slice %add3A_160 {offsets = [1, 0], sizes = [1, 128], strides = [1, 1]} : vector<2x128xf32> to vector<1x128xf32>
    %add3A_163 = arith.addf %slice3A_161, %slice3A_162 : vector<1x128xf32>
    %get3A_164 = arith.constant 5000 : index
    %get3A_165 = arith.constant 0 : index
    %get3A_166 = vector.load %arg7[%get3A_164, %get3A_165] : memref<10000x128xf32, #tpu.memory_space<vmem>>, vector<8x128xf32>
    %sub3A_167 = vector.broadcast %mul3A_142 : vector<1x128xf32> to vector<8x128xf32>
    %sub3A_168 = arith.subf %get3A_166, %sub3A_167 : vector<8x128xf32>
    %mul3A_169 = arith.mulf %sub3A_168, %sub3A_168 : vector<8x128xf32>
    %scan3A_170 = arith.constant 626 : i32
    %scan3A_171 = arith.constant 624 : i32
    %scan3A_172 = arith.addi %scan3A_170, %scan3A_171 : i32
    %scan3A_173 = arith.constant 1 : i32
    %scan3A_174 = scf.for %scan3A_203 = %scan3A_170 to %scan3A_172 step %scan3A_173 iter_args(%scan3A_204 = %mul3A_169) -> (vector<8x128xf32>)  : i32 {
      %mul3A_205 = arith.constant 8 : i32
      %mul3A_206 = arith.muli %mul3A_205, %scan3A_203 : i32
      %multiple_of3A = tpu.assume_multiple %mul3A_206, 8 : i32
      %get3A_207 = arith.index_cast %multiple_of3A : i32 to index
      %get3A_208 = arith.constant 0 : index
      %get3A_209 = vector.load %arg7[%get3A_207, %get3A_208] : memref<10000x128xf32, #tpu.memory_space<vmem>>, vector<8x128xf32>
      %sub3A_210 = vector.broadcast %mul3A_142 : vector<1x128xf32> to vector<8x128xf32>
      %sub3A_211 = arith.subf %get3A_209, %sub3A_210 : vector<8x128xf32>
      %mul3A_212 = arith.mulf %sub3A_211, %sub3A_211 : vector<8x128xf32>
      %add3A_213 = arith.addf %scan3A_204, %mul3A_212 : vector<8x128xf32>
      scf.yield %add3A_213 : vector<8x128xf32>
    }
    %scan3A_175 = arith.constant 624 : i32
    %slice3A_176 = vector.extract_strided_slice %scan3A_174 {offsets = [0, 0], sizes = [4, 128], strides = [1, 1]} : vector<8x128xf32> to vector<4x128xf32>
    %slice3A_177 = vector.extract_strided_slice %scan3A_174 {offsets = [4, 0], sizes = [4, 128], strides = [1, 1]} : vector<8x128xf32> to vector<4x128xf32>
    %add3A_178 = arith.addf %slice3A_176, %slice3A_177 : vector<4x128xf32>
    %slice3A_179 = vector.extract_strided_slice %add3A_178 {offsets = [0, 0], sizes = [2, 128], strides = [1, 1]} : vector<4x128xf32> to vector<2x128xf32>
    %slice3A_180 = vector.extract_strided_slice %add3A_178 {offsets = [2, 0], sizes = [2, 128], strides = [1, 1]} : vector<4x128xf32> to vector<2x128xf32>
    %add3A_181 = arith.addf %slice3A_179, %slice3A_180 : vector<2x128xf32>
    %slice3A_182 = vector.extract_strided_slice %add3A_181 {offsets = [0, 0], sizes = [1, 128], strides = [1, 1]} : vector<2x128xf32> to vector<1x128xf32>
    %slice3A_183 = vector.extract_strided_slice %add3A_181 {offsets = [1, 0], sizes = [1, 128], strides = [1, 1]} : vector<2x128xf32> to vector<1x128xf32>
    %add3A_184 = arith.addf %slice3A_182, %slice3A_183 : vector<1x128xf32>
    %add3A_185 = arith.addf %add3A_163, %add3A_184 : vector<1x128xf32>
    %mul3A_186 = arith.constant 9.99999974E-5 : f32
    %mul3A_187 = vector.broadcast %mul3A_186 : f32 to vector<1x128xf32>
    %mul3A_188 = arith.mulf %add3A_185, %mul3A_187 : vector<1x128xf32>
    %get3A_189 = arith.constant 0 : index
    %get3A_190 = arith.constant 0 : index
    %get3A_191 = vector.load %arg7[%get3A_189, %get3A_190] : memref<10000x128xf32, #tpu.memory_space<vmem>>, vector<10000x128xf32>
    %sub3A_192 = vector.broadcast %mul3A_142 : vector<1x128xf32> to vector<10000x128xf32>
    %sub3A_193 = arith.subf %get3A_191, %sub3A_192 : vector<10000x128xf32>
    %add3A_194 = arith.constant 9.99999974E-6 : f32
    %add3A_195 = vector.broadcast %add3A_194 : f32 to vector<1x128xf32>
    %add3A_196 = arith.addf %mul3A_188, %add3A_195 : vector<1x128xf32>
    %sqrt3A_197 = math.sqrt %add3A_196 : vector<1x128xf32>
    %div3A_198 = vector.broadcast %sqrt3A_197 : vector<1x128xf32> to vector<10000x128xf32>
    %div3A_199 = arith.divf %sub3A_193, %div3A_198 : vector<10000x128xf32>
    %swap3A_200 = arith.constant 0 : index
    %swap3A_201 = arith.constant 0 : index
    %swap3A_202 = vector.load %arg7[%swap3A_200, %swap3A_201] : memref<10000x128xf32, #tpu.memory_space<vmem>>, vector<10000x128xf32>
    tpu.vector_store %arg7[%swap3A_200, %swap3A_201], %div3A_199 {strides = array<i32>} : memref<10000x128xf32, #tpu.memory_space<vmem>>, vector<10000x128xf32>,
    return
  }
}

</mosaic_0001>

<sc_bundles>
// kernel: kernel.10.cloned.1.call-start
scs
__scs_entry_jumppad:
0x0: {  	(pc) =	sbr.rel $0x88, $3  }
0x1: {  	(tag) =	ssettag $0x0;
	lr =	simm.s32 $0x1  }
0x2: {  	[smem:$0x3F85] =	sst lr;
	_ =	strace $0xD0000000  }
0x3: {  	_ = 	snop  }
0x4: {  	_ = 	snop  }
0x5: {  	_ = 	snop  }
0x6: {  	_ = 	snop  }
0x7: {  	_ = 	snop  }
__scs_overlays_trampoline_lowered:
0x8: {  	[smem:$0x3F94] =	sst s0  }
0x9: {  	[smem:$0x3F95] =	sst s1  }
0xa: {  	[smem:$0x3F96] =	sst s2  }
0xb: {  	[smem:$0x3F97] =	sst s3  }
0xc: {  	[smem:$0x3F98] =	sst s4  }
0xd: {  	[smem:$0x3F99] =	sst s5  }
0xe: {  	[smem:$0x3F9A] =	sst s6  }
0xf: {  	[smem:$0x3F9B] =	sst s7  }
0x10: {  	[smem:$0x3F9C] =	sst s8  }
0x11: {  	[smem:$0x3F9D] =	sst s9;
	s0 =	simm.s32 @!p0 $0x0  }
0x12: {  	s1 =	sld [smem:$0x3F83];
	s0 =	simm.s32 @p0 $0x1  }
0x13: {  	[smem:$0x3F9E] =	sst s0;
	s0 =	simm.s32 @!p1 $0x0  }
0x14: {  	s2 =	sld [smem:$0x3F82];
	s0 =	simm.s32 @p1 $0x1  }
0x15: {  	[smem:$0x3F9F] =	sst s0;
	s0 =	simm.s32 @!p2 $0x0  }
0x16: {  	s3 =	sld [smem:$0x3FDB];
	s0 =	simm.s32 @p2 $0x1  }
0x17: {  	s4 =	simm.s32 $0x1BF5;
	[smem:$0x3FA1] =	sst s0  }
0x18: {  	s0 =	sld [smem:$0x3F84];
	_ =	swait.ge [sflag:s4], $0x0  }
0x19: {  	s7 =	sld [smem:$0x3F85]  }
0x1a: {  	s8 =	sadd.s32 $0xFFFFE003, lr  }
0x1b: {  	s9 =	sadd.s32 $0xFFFFFEF7, lr;
	s5 =	simm.s32 $0xFFFFFFFF;
	p2 =	slt.u32 s8, $0xFFFFF086  }
0x1c: {  	p1 =	slt.u32 s9, $0xF7A;
	s5 =	simm.s32 @!p2 $0x0  }
0x1d: {  	s5 =	simm.s32 @p1 $0x1;
	p0 =	seq.s32 s7, s2  }
0x1e: {  	s7 =	smul.u32 @!p0 $0xF7A, s2;
	p2 =	seq.s32 @!p0 s5, $0x0  }
0x1f: {  	s9 =	smul.u32 $0xF7A, s1;
	s8 =	simm.s32 @!p0 $0x1BF5;
	p2 =	por !p2, p0  }
0x20: {  	[sflag:s8] =	ssyncset.s32 @!p0 $0xFFFFF086;
	s6 =	sadd.s32 @!p0 s3, s7;
	s7 =	simm.s32 @!p0 $0x108  }
0x21: {  	s3 =	sadd.s32 s3, s9;
	s6 =	sadd.s32 @!p0 $0x88, s6;
	s7 =	simm.s32 @p2 $0x1082  }
0x22: {  	[simem:s7], [sflag:s8] =	dma.local @!p0 [hbm:s6], $0xF7A  }
0x23: {  	s9 =	sor.u32 $0xD0000000, s2;
	s6 =	simm.s32 $0x108;
	_ =	swait.ge @!p0 [sflag:s8], $0x0  }
0x24: {  	s3 =	sadd.s32 $0x88, s3;
	s6 =	simm.s32 @!p1 $0x1082;
	[sflag:s4] =	ssyncset.s32 $0xFFFFF086  }
0x25: {  	[simem:s6], [sflag:s4] =	dma.local [hbm:s3], $0xF7A  }
0x26: {  	[smem:$0x3F85] =	sst s1;
	(tag) =	ssettag s2;
	_ =	strace s9  }
0x27: {  	s1 =	sld [smem:$0x3F95]  }
0x28: {  	s2 =	sld [smem:$0x3F96]  }
0x29: {  	s4 =	sld [smem:$0x3F98]  }
0x2a: {  	p0 =	seq.s32 s5, $0x0;
	s5 =	sld [smem:$0x3F99]  }
0x2b: {  	s6 =	sld [smem:$0x3F9A]  }
0x2c: {  	s7 =	sld [smem:$0x3F9B]  }
0x2d: {  	s3 =	simm.s32 $0x108;
	s8 =	sld [smem:$0x3F9C]  }
0x2e: {  	s3 =	simm.s32 @!p0 $0x1082;
	s9 =	sld [smem:$0x3F9D]  }
0x2f: {  	lr =	sadd.s32 s0, s3;
	s0 =	sld [smem:$0x3F94]  }
0x30: {  	s3 =	sld [smem:$0x3F97]  }
0x31: {  	[smem:$0x3FA0] =	sst s10  }
0x32: {  	s10 =	sld [smem:$0x3F9E];
	_ =	sdelay $0x3  }
0x33: {  	p0 =	seq.s32 s10, $0x1;
	s10 =	sld [smem:$0x3FA0];
	_ =	sdelay $0x3  }
0x34: {  	[smem:$0x3FA0] =	sst s10  }
0x35: {  	s10 =	sld [smem:$0x3F9F];
	_ =	sdelay $0x3  }
0x36: {  	p1 =	seq.s32 s10, $0x1;
	s10 =	sld [smem:$0x3FA0];
	_ =	sdelay $0x3  }
0x37: {  	[smem:$0x3FA0] =	sst s10  }
0x38: {  	s10 =	sld [smem:$0x3FA1]  }
0x39: {  	_ = 	snop;
	(pc) =	sbr.ind lr, $3  }
0x3a: {  	_ = 	snop  }
0x3b: {  	_ = 	snop  }
0x3c: {  	p2 =	seq.s32 s10, $0x1;
	s10 =	sld [smem:$0x3FA0]  }
0x3d: {  	_ =	shalt  }
0x3e: {  	_ =	shalt  }
0x3f: {  	_ =	shalt  }
0x40: {  	_ =	shalt  }
0x41: {  	_ =	shalt  }
0x42: {  	_ =	shalt  }
0x43: {  	_ =	shalt  }
0x44: {  	_ =	shalt  }
0x45: {  	_ =	shalt  }
0x46: {  	_ =	shalt  }
0x47: {  	_ =	shalt  }
0x48: {  	_ =	shalt  }
0x49: {  	_ =	shalt  }
0x4a: {  	_ =	shalt  }
0x4b: {  	_ =	shalt  }
0x4c: {  	_ =	shalt  }
0x4d: {  	_ =	shalt  }
0x4e: {  	_ =	shalt  }
0x4f: {  	_ =	shalt  }
0x50: {  	_ =	shalt  }
0x51: {  	_ =	shalt  }
0x52: {  	_ =	shalt  }
0x53: {  	_ =	shalt  }
0x54: {  	_ =	shalt  }
0x55: {  	_ =	shalt  }
0x56: {  	_ =	shalt  }
0x57: {  	_ =	shalt  }
0x58: {  	_ =	shalt  }
0x59: {  	_ =	shalt  }
0x5a: {  	_ =	shalt  }
0x5b: {  	_ =	shalt  }
0x5c: {  	_ =	shalt  }
0x5d: {  	_ =	shalt  }
0x5e: {  	_ =	shalt  }
0x5f: {  	_ =	shalt  }
0x60: {  	_ =	shalt  }
0x61: {  	_ =	shalt  }
0x62: {  	_ =	shalt  }
0x63: {  	_ =	shalt  }
0x64: {  	_ =	shalt  }
0x65: {  	_ =	shalt  }
0x66: {  	_ =	shalt  }
0x67: {  	_ =	shalt  }
0x68: {  	_ =	shalt  }
0x69: {  	_ =	shalt  }
0x6a: {  	_ =	shalt  }
0x6b: {  	_ =	shalt  }
0x6c: {  	_ =	shalt  }
0x6d: {  	_ =	shalt  }
0x6e: {  	_ =	shalt  }
0x6f: {  	_ =	shalt  }
0x70: {  	_ =	shalt  }
0x71: {  	_ =	shalt  }
0x72: {  	_ =	shalt  }
0x73: {  	_ =	shalt  }
0x74: {  	_ =	shalt  }
0x75: {  	_ =	shalt  }
0x76: {  	_ =	shalt  }
0x77: {  	_ =	shalt  }
0x78: {  	_ =	shalt  }
0x79: {  	_ =	shalt  }
0x7a: {  	_ =	shalt  }
0x7b: {  	_ =	shalt  }
0x7c: {  	_ =	shalt  }
0x7d: {  	_ =	shalt  }
0x7e: {  	_ =	shalt  }
0x7f: {  	_ =	shalt  }
0x80: {  	_ =	shalt  }
0x81: {  	_ =	shalt  }
0x82: {  	_ =	shalt  }
0x83: {  	_ =	shalt  }
0x84: {  	_ =	shalt  }
0x85: {  	_ =	shalt  }
0x86: {  	_ =	shalt  }
0x87: {  	_ =	shalt  }
.Lfunc_end0:
.L_simem_size_0:
called_computation_lowered:
.L_overlay_start_0:
0x88: {  	s2 =	sld [smem:$0x3FD9]  }
0x89: {  	s3 =	sld [smem:$0x3FFE];
	_ =	sdelay $0x1  }
0x8a: {  	s1 =	srdreg.scid  }
0x8b: {  	s0 =	sand.u32 $0x1, s1  }
0x8c: {  	s17 =	sshll.u32 s0, $0xA;
	s2 =	sadd.s32 s3, s2  }
0x8d: {  	s2 =	sadd.s32 s2, s17  }
0x8e: {  	[smem:$0x3FAC] =	sst s2  }
0x8f: {  	_ = 	snop  }
0x90: {  	s2 =	sld [smem:$0x3FD0];
	(tm) =	ssettm $0x1  }
0x91: {  	s18 =	sld [smem:$0x3FFB];
	_ =	sdelay $0x3  }
0x92: {  	_ =	strace s18  }
0x93: {  	s3 =	sld [smem:$0x3FFC];
	_ =	sdelay $0x3  }
0x94: {  	_ =	strace s3  }
0x95: {  	s3 =	sld [smem:$0x3FFD];
	_ =	sdelay $0x3  }
0x96: {  	_ =	strace s3  }
0x97: {  	_ =	strace $0x8FFFFFFF  }
0x98: {  	s19 =	sld [smem:$0x3FDB];
	_ =	sdelay $0x1  }
0x99: {  	s4 =	simm.s32 $_scs_section_size  }
0x9a: {  	s5 =	simm.s32 $_size__tile_overlayer_lowered;
	s6 =	simm.s32 $_tile_overlayer_lowered  }
0x9b: {  	s22 =	simm.s32 $0x1BFF;
	s21 =	sshll.u32 s6, $0x1;
	s3 =	sadd.s32 s4, s19  }
0x9c: {  	s7 =	simm.s32 $0x0;
	s20 =	sshll.u32 s5, $0x1;
	s5 =	sadd.s32 s21, s3  }
0x9d: {  	[timem:s7], [sflag:s22] =	dma.local [hbm:s5], s20  }
0x9e: {  	_ =	swait.ge [sflag:s22], s20  }
0x9f: {  	s4 =	ssub.s32 $0x0, s20;
	[sflag:s22] =	ssyncset.done $0x0  }
0xa0: {  	[sflag:s22] =	ssyncadd.s32 s4;
	_ =	sdelay $0x1  }
0xa1: {  	s23 =	simm.s32 $0x1B8B  }
0xa2: {  	_ =	swait.ge [sflag:s23], $0x1  }
0xa3: {  	[sflag:s23] =	ssyncset.done $0x0  }
0xa4: {  	s25 =	simm.s32 $0x1B8E;
	s24 =	sld [smem:$0x3FFE];
	[sflag:s23] =	ssyncadd.s32 $0xFFFFFFFF  }
0xa5: {  	s26 =	simm.s32 $execute0_lowered;
	[smem:$0x3FD2] =	sst s25  }
0xa6: {  	s5 =	sshll.u32 s26, $0x1;
	_ =	strace $0x80000046;
	[dreg:$0x1] =	wrdreg $0xFFFFFFFF  }
0xa7: {  	s28 =	simm.s32 $_size_execute0_lowered;
	s3 =	sadd.s32 s3, s5;
	[dreg:$0x0] =	wrdreg $0x0  }
0xa8: {  	s5 =	sshll.u32 s28, $0x1;
	[dreg:$0x2] =	wrdreg s3  }
0xa9: {  	[dreg:$0x3] =	wrdreg s5  }
0xaa: {  	[dreg:$0x4] =	wrdreg $0xC0  }
0xab: {  	_ =	task [dreg:s7], $0x5FFFF  }
0xac: {  	[dreg:$0x1] =	wrdreg $0xFFFFFFFF  }
0xad: {  	[dreg:$0x0] =	wrdreg $0x60  }
0xae: {  	[dreg:$0x2] =	wrdreg s2  }
0xaf: {  	[dreg:$0x3] =	wrdreg s24  }
0xb0: {  	[dreg:$0x4] =	wrdreg $0x81000  }
0xb1: {  	[dreg:$0x5] =	wrdreg $0x9  }
0xb2: {  	_ =	task.clear_ibuf [dreg:s7], $0x6FFFF;
	_ =	strace $0x90000046  }
0xb3: {  	s29 =	simm.s32 $0x9;
	_ =	strace $0x80000048  }
0xb4: {  	_ =	swait.ge [sflag:s29], $0x1  }
0xb5: {  	[sflag:s29] =	ssyncadd.s32 $0xFFFFFFFF  }
0xb6: {  	_ =	strace $0x90000048  }
0xb7: {  	_ =	sfence  }
0xb8: {  	s30 =	sld [smem:$0x0];
	_ =	sdelay $0x2  }
0xb9: {  	s31 =	sshll.u32 s1, $0xD;
	s1 =	sshrl.u32 s1, $0x2  }
0xba: {  	s3 =	sand.u32 $0x4000, s31;
	s1 =	sadd.s32 s1, s30  }
0xbb: {  	s0 =	sor.u32 s3, s0;
	s1 =	sshll.u32 s1, $0x11  }
0xbc: {  	s0 =	sor.u32 s1, s0  }
0xbd: {  	s0 =	sadd.s32 $0x8F2B, s0  }
0xbe: {  	[sflag:s0] =	ssyncadd.remote.s32 $0x1  }
0xbf: {  	_ =	sfence.sel $0xFFFF  }
0xc0: {  	[dreg:$0x0] =	wrdreg $0xFFFFFFFF;
	(pc) =	sbr.abs _section_cstart, $3  }
0xc1: {  	[dreg:$0x1] =	wrdreg $0xFFFFFFFF  }
0xc2: {  	_ =	task.clear_ibuf [dreg:s7], $0x2FFFF;
	_ =	strace $0x9FFFFFFF  }
0xc3: {  	(tm) =	ssettm $0x7FFFFFFF  }
tec
execute0_lowered:
.L_overlay_start_1:
0x0: {  	(tag) =	ssettag $0x1  }
0x1: {  	s1 =	rddreg [dreg:$0x0]  }
0x2: {  	s8 =	rddreg [dreg:$0x1]  }
0x3: {  	s2 =	rddreg [dreg:$0x2]  }
0x4: {  	s0 =	rddreg [dreg:$0x3];
	s3 =	simm.s32 $0x0;
	s4 =	srdreg.scid  }
0x5: {  	[smem:$0x7FF] =	sst s3;
	s9 =	sand.u32 $0x1, s4;
	s5 =	sadd.s32 $0x9D5800, s8  }
0x6: {  	s4 =	stileid.u32;
	s6 =	sadd.s32 $0x9E9200, s8;
	s10 =	smul.u32 $0x27800, s9  }
0x7: {  	s7 =	sadd.s32 $0x5800, s8;
	_ =	strace $0x80000047;
	s12 =	smul.u32 $0x278, s4  }
0x8: {  	s11 =	ssub.s32 $0x2, s9;
	s14 =	smul.u32 $0x4F000, s4;
	s23 =	sshll.u32 s9, $0x4  }
0x9: {  	s31 =	smul.u32 $0x2780, s4;
	s13 =	sshrl.u32 s11, $0x1;
	s24 =	sor.u32 s4, s23  }
0xa: {  	s15 =	sadd.s32 s10, s8;
	s16 =	ssub.s32 s11, s13;
	s25 =	sshrl.u32 s14, $0x2  }
0xb: {  	s26 =	sadd.s32 $0x80, s12;
	s17 =	sadd.s32 $0x100, s12;
	s18 =	sadd.s32 $0x180, s12  }
0xc: {  	s19 =	sadd.s32 $0x200, s12;
	s12 =	smul.u32 $0x4E80, s24;
	s8 =	sadd.s32 s25, s2  }
0xd: {  	s28 =	sshll.u32 s26, $0x7;
	s29 =	sshll.u32 s17, $0x7;
	s30 =	sshll.u32 s18, $0x7  }
0xe: {  	s20 =	sshll.u32 s19, $0x7;
	s24 =	sadd.s32 $0x9FCC00, s15;
	s21 =	sshll.u32 s26, $0x4  }
0xf: {  	s22 =	sshll.u32 s17, $0x4;
	s23 =	sshll.u32 s18, $0x4;
	s25 =	sshll.u32 s19, $0x4  }
0x10: {  	s14 =	smax.u32 s16, $0x1;
	s15 =	simm.s32 $0x100;
	s16 =	simm.s32 $0x2  }
0x11: {  	s17 =	simm.s32 $0x80;
	s18 =	simm.s32 $0x4100;
	s19 =	simm.s32 $0x1  }
0x12: {  	s9 =	sadd.s32 s28, s2;
	s10 =	sadd.s32 s29, s2;
	s11 =	sadd.s32 s30, s2  }
0x13: {  	s13 =	sadd.s32 s20, s2;
	s20 =	sadd.s32 s31, s24;
	s21 =	sadd.s32 s21, s24  }
0x14: {  	v0 =	vimm.f32 $0.0e+00;
	s22 =	sadd.s32 s22, s24;
	s23 =	sadd.s32 s23, s24;
	s24 =	sadd.s32 s25, s24  }
.LBB2_1:
0x15: {  	s25 =	simm.s32 $0x0;
	s26 =	simm.s32 $0x200  }
.LBB2_2:
0x16: {  	p0 =	sne.s32 s26, $0xFE00;
	[tilespmem:s25+$0x170] =	vst v0  }
0x17: {  	[tilespmem:s25+$0x100] =	vst v0  }
0x18: {  	[tilespmem:s25+$0x110] =	vst v0  }
.Ltmp0:
0x19: {  	[tilespmem:s25+$0x120] =	vst v0;
	(pc) =	sbr.rel @p0 .LBB2_2-.Ltmp0, $4  }
0x1a: {  	[tilespmem:s25+$0x130] =	vst v0  }
0x1b: {  	[tilespmem:s25+$0x140] =	vst v0  }
0x1c: {  	[tilespmem:s25+$0x150] =	vst v0  }
0x1d: {  	[tilespmem:s25+$0x160] =	vst v0;
	s25 =	sshra.s32 s26, $0x2;
	s26 =	sadd.s32 $0x200, s26  }
0x1e: {  	[tilespmem:s25+$0x170] =	vst v0  }
0x1f: {  	[tilespmem:s25+$0x100] =	vst v0  }
0x20: {  	[tilespmem:s25+$0x110] =	vst v0  }
0x21: {  	[tilespmem:s25+$0x120] =	vst v0  }
0x22: {  	[tilespmem:s25+$0x130] =	vst v0  }
0x23: {  	[tilespmem:s25+$0x140] =	vst v0  }
0x24: {  	[tilespmem:s25+$0x150] =	vst v0  }
0x25: {  	[tilespmem:s25+$0x160] =	vst v0  }
0x26: {  	[spmem:s8] =	stream.linear.scatter [tilespmem:s15], [sflag:$0x2], $0x4000, $0x38;
	[tilespmem:$0x1BD00] =	vst v63  }
0x27: {  	_ =	swait.ge [sflag:s16], $0x4000  }
0x28: {  	[sflag:s16] =	ssyncset.done $0x0  }
0x29: {  	[sflag:s16] =	ssyncadd.s32 $0xFFFFC000  }
0x2a: {  	[spmem:s9] =	stream.linear.scatter [tilespmem:s15], [sflag:$0x2], $0x4000, $0x38;
	[tilespmem:$0x1BD00] =	vst v63  }
0x2b: {  	_ =	swait.ge [sflag:s16], $0x4000  }
0x2c: {  	[sflag:s16] =	ssyncset.done $0x0  }
0x2d: {  	[sflag:s16] =	ssyncadd.s32 $0xFFFFC000  }
0x2e: {  	[spmem:s10] =	stream.linear.scatter [tilespmem:s15], [sflag:$0x2], $0x4000, $0x38;
	[tilespmem:$0x1BD00] =	vst v63  }
0x2f: {  	_ =	swait.ge [sflag:s16], $0x4000  }
0x30: {  	[sflag:s16] =	ssyncset.done $0x0  }
0x31: {  	[sflag:s16] =	ssyncadd.s32 $0xFFFFC000  }
0x32: {  	[spmem:s11] =	stream.linear.scatter [tilespmem:s15], [sflag:$0x2], $0x4000, $0x38;
	[tilespmem:$0x1BD00] =	vst v63  }
0x33: {  	_ =	swait.ge [sflag:s16], $0x4000  }
0x34: {  	[sflag:s16] =	ssyncset.done $0x0  }
0x35: {  	[sflag:s16] =	ssyncadd.s32 $0xFFFFC000  }
0x36: {  	[spmem:s13] =	stream.linear.scatter [tilespmem:s15], [sflag:$0x2], $0x3C00, $0x38;
	[tilespmem:$0x1BD00] =	vst v63  }
0x37: {  	_ =	swait.ge [sflag:s16], $0x3C00  }
0x38: {  	[sflag:s16] =	ssyncset.done $0x0  }
0x39: {  	[sflag:s16] =	ssyncadd.s32 $0xFFFFC400  }
0x3a: {  	s25 =	simm.s32 $0x0;
	s26 =	simm.s32 $0x0;
	[bflag:$0x0] =	sbarrier.arrive $0xFFFF  }
.LBB2_4:
0x3b: {  	s28 =	sshll.u32 s26, $0x7  }
0x3c: {  	s28 =	sadd.s32 s12, s28  }
0x3d: {  	s29 =	sshrl.u32 s28, $0x3  }
0x3e: {  	s30 =	sadd.s32 s5, s29  }
0x3f: {  	[tilespmem:s25], [sflag:$0x2] =	stream.linear.gather [hbm4b:s30+s25], $0x80, $0x38;
	[tilespmem:$0x1BD00] =	vst v63  }
0x40: {  	_ =	swait.ge [sflag:s16], $0x80  }
0x41: {  	[sflag:s16] =	ssyncset.done $0x0  }
0x42: {  	s29 =	sadd.s32 s6, s29;
	[sflag:s16] =	ssyncadd.s32 $0xFFFFFF80  }
0x43: {  	[tilespmem:s17], [sflag:$0x2] =	stream.linear.gather [hbm4b:s29+s25], $0x80, $0x38;
	[tilespmem:$0x1BD00] =	vst v63  }
0x44: {  	_ =	swait.ge [sflag:s16], $0x80  }
0x45: {  	s28 =	sshll.u32 s28, $0x4;
	[sflag:s16] =	ssyncset.done $0x0  }
0x46: {  	s28 =	sadd.s32 s7, s28;
	[sflag:s16] =	ssyncadd.s32 $0xFFFFFF80  }
0x47: {  	[tilespmem:s15], [sflag:$0x2] =	stream.linear.gather [hbm4b:s28+s25], $0x4000, $0x38;
	[tilespmem:$0x1BD00] =	vst v63  }
0x48: {  	_ =	swait.ge [sflag:s16], $0x4000  }
0x49: {  	[sflag:s16] =	ssyncset.done $0x0  }
0x4a: {  	[sflag:s16] =	ssyncadd.s32 $0xFFFFC000  }
0x4b: {  	[tilespmem:s18], [sflag:$0x1] =	stream.indirect.gather [hbm4b:s1+s17], $0x80, s25, s17, $0xb8;
	[tilespmem:$0x1BD00] =	vst v63  }
0x4c: {  	_ =	swait.ge [sflag:s19], $0x4000  }
0x4d: {  	[sflag:s19] =	ssyncset.done $0x0  }
0x4e: {  	s28 =	simm.s32 $0x0;
	[sflag:s19] =	ssyncadd.s32 $0xFFFFC000  }
0x4f: {  	v7 =	vld [tilespmem:s28+$0x4100]  }
0x50: {  	v12 =	vld [tilespmem:s28+$0x4110]  }
0x51: {  	v6 =	vld [tilespmem:s28+$0x4120]  }
0x52: {  	v5 =	vld [tilespmem:s28+$0x4130]  }
0x53: {  	v4 =	vld [tilespmem:s28+$0x4140]  }
0x54: {  	v3 =	vld [tilespmem:s28+$0x4150]  }
0x55: {  	v2 =	vld [tilespmem:s28+$0x4160]  }
0x56: {  	v1 =	vld [tilespmem:s28+$0x4170]  }
0x57: {  	v13 =	vld [tilespmem:s28+$0x100]  }
0x58: {  	v14 =	vld [tilespmem:s28+$0x110]  }
0x59: {  	v11 =	vld [tilespmem:s28+$0x120]  }
0x5a: {  	v10 =	vld [tilespmem:s28+$0x130]  }
0x5b: {  	v9 =	vld [tilespmem:s28+$0x140]  }
0x5c: {  	v8 =	vld [tilespmem:s28+$0x150];
	v13 =	vadd.f32 v7, v13  }
0x5d: {  	s29 =	simm.s32 $0x200;
	v12 =	vadd.f32 v12, v14;
	v7 =	vld [tilespmem:s28+$0x160]  }
.LBB2_5:
0x5e: {  	s30 =	sshra.s32 s29, $0x2;
	p0 =	sne.s32 s29, $0xFE00;
	v13 =	vmax.f32 v13, $0.0e+00;
	v6 =	vadd.f32 v6, v11;
	v11 =	vld [tilespmem:s28+$0x170]  }
0x5f: {  	v14 =	vld [tilespmem:s30+$0x4100];
	[tilespmem:s28+$0x100] =	vst v13;
	v12 =	vmax.f32 v12, $0.0e+00;
	v5 =	vadd.f32 v5, v10  }
0x60: {  	v15 =	vld [tilespmem:s30+$0x4110];
	[tilespmem:s28+$0x110] =	vst v12;
	v10 =	vmax.f32 v6, $0.0e+00;
	v4 =	vadd.f32 v4, v9  }
0x61: {  	v6 =	vld [tilespmem:s30+$0x4120];
	[tilespmem:s28+$0x120] =	vst v10;
	v9 =	vmax.f32 v5, $0.0e+00;
	v3 =	vadd.f32 v3, v8  }
0x62: {  	v5 =	vld [tilespmem:s30+$0x4130];
	[tilespmem:s28+$0x130] =	vst v9;
	v8 =	vmax.f32 v4, $0.0e+00;
	v2 =	vadd.f32 v2, v7  }
0x63: {  	v4 =	vld [tilespmem:s30+$0x4140];
	[tilespmem:s28+$0x140] =	vst v8;
	v7 =	vmax.f32 v3, $0.0e+00;
	v1 =	vadd.f32 v1, v11  }
0x64: {  	v3 =	vld [tilespmem:s30+$0x4150];
	[tilespmem:s28+$0x150] =	vst v7;
	v7 =	vmax.f32 v2, $0.0e+00  }
0x65: {  	v2 =	vld [tilespmem:s30+$0x4160];
	[tilespmem:s28+$0x160] =	vst v7;
	v7 =	vmax.f32 v1, $0.0e+00  }
0x66: {  	v1 =	vld [tilespmem:s30+$0x4170];
	[tilespmem:s28+$0x170] =	vst v7;
	s28 =	smov.u32 s30  }
0x67: {  	v7 =	vld [tilespmem:s28+$0x100]  }
0x68: {  	v12 =	vld [tilespmem:s28+$0x110]  }
.Ltmp1:
0x69: {  	v11 =	vld [tilespmem:s28+$0x120];
	(pc) =	sbr.rel @p0 .LBB2_5-.Ltmp1, $4  }
0x6a: {  	v10 =	vld [tilespmem:s28+$0x130]  }
0x6b: {  	v9 =	vld [tilespmem:s28+$0x140]  }
0x6c: {  	v13 =	vadd.f32 v14, v7;
	v8 =	vld [tilespmem:s28+$0x150]  }
0x6d: {  	s29 =	sadd.s32 $0x200, s29;
	v12 =	vadd.f32 v15, v12;
	v7 =	vld [tilespmem:s28+$0x160]  }
0x6e: {  	v13 =	vmax.f32 v13, $0.0e+00;
	v6 =	vadd.f32 v6, v11;
	v63 =	vld [tilespmem:s28+$0x170]  }
0x6f: {  	[tilespmem:s28+$0x100] =	vst v13;
	v12 =	vmax.f32 v12, $0.0e+00;
	v5 =	vadd.f32 v5, v10  }
0x70: {  	[tilespmem:s28+$0x110] =	vst v12;
	v6 =	vmax.f32 v6, $0.0e+00;
	v4 =	vadd.f32 v4, v9  }
0x71: {  	[tilespmem:s28+$0x120] =	vst v6;
	v5 =	vmax.f32 v5, $0.0e+00;
	v3 =	vadd.f32 v3, v8  }
0x72: {  	[tilespmem:s28+$0x130] =	vst v5;
	v4 =	vmax.f32 v4, $0.0e+00;
	v2 =	vadd.f32 v2, v7  }
0x73: {  	[tilespmem:s28+$0x140] =	vst v4;
	v3 =	vmax.f32 v3, $0.0e+00;
	v1 =	vadd.f32 v1, v63  }
0x74: {  	s26 =	sadd.s32 $0x1, s26;
	[tilespmem:s28+$0x150] =	vst v3;
	v2 =	vmax.f32 v2, $0.0e+00  }
0x75: {  	p0 =	sne.s32 s26, $0x9D;
	[tilespmem:s28+$0x160] =	vst v2;
	v1 =	vmax.f32 v1, $0.0e+00  }
.Ltmp2:
0x76: {  	[tilespmem:s28+$0x170] =	vst v1;
	(pc) =	sbr.rel @p0 .LBB2_4-.Ltmp2, $4  }
0x77: {  	[spmem:s2] =	stream.indirect.scatter.add.f32 [tilespmem:s15], [sflag:$0x2], $0x80, s17, s17, $0xb8;
	[tilespmem:$0x1BD00] =	vst v63  }
0x78: {  	_ =	swait.ge [sflag:s16], $0x4000  }
0x79: {  	[sflag:s16] =	ssyncset.done $0x0  }
0x7a: {  	[sflag:s16] =	ssyncadd.s32 $0xFFFFC000  }
0x7b: {  	s25 =	sshll.u32 s4, $0x6  }
0x7c: {  	[bflag:$0x0] =	sbarrier.arrive $0xFFFF;
	s26 =	sshrl.u32 s8, $0x3;
	s25 =	sor.u32 $0x1C02, s25  }
0x7d: {  	[hbm:s20], [sflag:s25] =	dma.local [spmem:s26], $0x800  }
0x7e: {  	_ =	swait.ge [sflag:s16], $0x800  }
0x7f: {  	[sflag:s16] =	ssyncset.done $0x0  }
0x80: {  	s28 =	sshrl.u32 s9, $0x3;
	[sflag:s16] =	ssyncadd.s32 $0xFFFFF800  }
0x81: {  	[hbm:s21], [sflag:s25] =	dma.local [spmem:s28], $0x800  }
0x82: {  	_ =	swait.ge [sflag:s16], $0x800  }
0x83: {  	[sflag:s16] =	ssyncset.done $0x0  }
0x84: {  	s29 =	sshrl.u32 s10, $0x3;
	[sflag:s16] =	ssyncadd.s32 $0xFFFFF800  }
0x85: {  	[hbm:s22], [sflag:s25] =	dma.local [spmem:s29], $0x800  }
0x86: {  	_ =	swait.ge [sflag:s16], $0x800  }
0x87: {  	[sflag:s16] =	ssyncset.done $0x0  }
0x88: {  	s30 =	sshrl.u32 s11, $0x3;
	[sflag:s16] =	ssyncadd.s32 $0xFFFFF800  }
0x89: {  	[hbm:s23], [sflag:s25] =	dma.local [spmem:s30], $0x800  }
0x8a: {  	s3 =	sadd.s32 $0x1, s3;
	_ =	swait.ge [sflag:s16], $0x800  }
0x8b: {  	p0 =	sne.s32 s3, s14;
	[sflag:s16] =	ssyncset.done $0x0  }
.Ltmp3:
0x8c: {  	s31 =	sshrl.u32 s13, $0x3;
	[sflag:s16] =	ssyncadd.s32 $0xFFFFF800;
	(pc) =	sbr.rel @p0 .LBB2_1-.Ltmp3, $4  }
0x8d: {  	[hbm:s24], [sflag:s25] =	dma.local [spmem:s31], $0x780  }
0x8e: {  	_ =	swait.ge [sflag:s16], $0x780  }
0x8f: {  	[sflag:s16] =	ssyncset.done $0x0  }
0x90: {  	[sflag:s16] =	ssyncadd.s32 $0xFFFFF880  }
0x91: {  	_ =	sfence.sel $0x180000  }
0x92: {  	[bflag:$0x0] =	sbarrier.arrive $0xFFFF  }
0x93: {  	p0 =	sne.s32 s4, $0x0;
	_ =	strace $0x90000047  }
0x94: {  	s0 =	sadd.s32 @!p0 $0x100000, s0;
	[bflag:$0x2] =	sbarrier.arrive $0xFFFF  }
0x95: {  	[sflag:s0] =	ssyncadd.tile.s32 @!p0 $0x1;
	_ =	shalt  }
.Lfunc_end2:
_tile_overlayer_lowered:
.L_overlay_start_2:
0x96: {  	(tag) =	ssettag $0x2  }
0x97: {  	s0 =	rddreg [dreg:$0x0];
	s2 =	stileid.u32  }
0x98: {  	s1 =	rddreg [dreg:$0x1];
	p0 =	sne.s32 s2, $0x0  }
0x99: {  	s3 =	rddreg [dreg:$0x2];
	[bflag:$0x3] =	sbarrier.arrive $0xFFFF;
	s2 =	simm.s32 @!p0 $0x1C02  }
0x9a: {  	[timem:s3], [sflag:s2] =	dma.local @!p0 [hbm:s0], s1  }
0x9b: {  	s0 =	simm.s32 @!p0 $0x2  }
0x9c: {  	_ =	swait.ge @!p0 [sflag:s0], s1  }
0x9d: {  	s1 =	ssub.s32 @!p0 $0x0, s1;
	[sflag:s0] =	ssyncset.done @!p0 $0x0  }
0x9e: {  	[sflag:s0] =	ssyncadd.s32 @!p0 s1  }
0x9f: {  	[bflag:$0x3] =	sbarrier.arrive $0xFFFF  }
0xa0: {  	_ =	shalt  }

// kernel: kernel.13.cloned.1.call-start
scs
__scs_entry_jumppad:
0x0: {  	(pc) =	sbr.rel $0x88, $3  }
0x1: {  	(tag) =	ssettag $0x0;
	lr =	simm.s32 $0x1  }
0x2: {  	[smem:$0x3F85] =	sst lr;
	_ =	strace $0xD0000000  }
0x3: {  	_ = 	snop  }
0x4: {  	_ = 	snop  }
0x5: {  	_ = 	snop  }
0x6: {  	_ = 	snop  }
0x7: {  	_ = 	snop  }
__scs_overlays_trampoline_lowered:
0x8: {  	[smem:$0x3F94] =	sst s0  }
0x9: {  	[smem:$0x3F95] =	sst s1  }
0xa: {  	[smem:$0x3F96] =	sst s2  }
0xb: {  	[smem:$0x3F97] =	sst s3  }
0xc: {  	[smem:$0x3F98] =	sst s4  }
0xd: {  	[smem:$0x3F99] =	sst s5  }
0xe: {  	[smem:$0x3F9A] =	sst s6  }
0xf: {  	[smem:$0x3F9B] =	sst s7  }
0x10: {  	[smem:$0x3F9C] =	sst s8  }
0x11: {  	[smem:$0x3F9D] =	sst s9;
	s0 =	simm.s32 @!p0 $0x0  }
0x12: {  	s1 =	sld [smem:$0x3F83];
	s0 =	simm.s32 @p0 $0x1  }
0x13: {  	[smem:$0x3F9E] =	sst s0;
	s0 =	simm.s32 @!p1 $0x0  }
0x14: {  	s2 =	sld [smem:$0x3F82];
	s0 =	simm.s32 @p1 $0x1  }
0x15: {  	[smem:$0x3F9F] =	sst s0;
	s0 =	simm.s32 @!p2 $0x0  }
0x16: {  	s3 =	sld [smem:$0x3FDB];
	s0 =	simm.s32 @p2 $0x1  }
0x17: {  	s4 =	simm.s32 $0x1BF5;
	[smem:$0x3FA1] =	sst s0  }
0x18: {  	s0 =	sld [smem:$0x3F84];
	_ =	swait.ge [sflag:s4], $0x0  }
0x19: {  	s7 =	sld [smem:$0x3F85]  }
0x1a: {  	s8 =	sadd.s32 $0xFFFFE003, lr  }
0x1b: {  	s9 =	sadd.s32 $0xFFFFFEF7, lr;
	s5 =	simm.s32 $0xFFFFFFFF;
	p2 =	slt.u32 s8, $0xFFFFF086  }
0x1c: {  	p1 =	slt.u32 s9, $0xF7A;
	s5 =	simm.s32 @!p2 $0x0  }
0x1d: {  	s5 =	simm.s32 @p1 $0x1;
	p0 =	seq.s32 s7, s2  }
0x1e: {  	s7 =	smul.u32 @!p0 $0xF7A, s2;
	p2 =	seq.s32 @!p0 s5, $0x0  }
0x1f: {  	s9 =	smul.u32 $0xF7A, s1;
	s8 =	simm.s32 @!p0 $0x1BF5;
	p2 =	por !p2, p0  }
0x20: {  	[sflag:s8] =	ssyncset.s32 @!p0 $0xFFFFF086;
	s6 =	sadd.s32 @!p0 s3, s7;
	s7 =	simm.s32 @!p0 $0x108  }
0x21: {  	s3 =	sadd.s32 s3, s9;
	s6 =	sadd.s32 @!p0 $0x88, s6;
	s7 =	simm.s32 @p2 $0x1082  }
0x22: {  	[simem:s7], [sflag:s8] =	dma.local @!p0 [hbm:s6], $0xF7A  }
0x23: {  	s9 =	sor.u32 $0xD0000000, s2;
	s6 =	simm.s32 $0x108;
	_ =	swait.ge @!p0 [sflag:s8], $0x0  }
0x24: {  	s3 =	sadd.s32 $0x88, s3;
	s6 =	simm.s32 @!p1 $0x1082;
	[sflag:s4] =	ssyncset.s32 $0xFFFFF086  }
0x25: {  	[simem:s6], [sflag:s4] =	dma.local [hbm:s3], $0xF7A  }
0x26: {  	[smem:$0x3F85] =	sst s1;
	(tag) =	ssettag s2;
	_ =	strace s9  }
0x27: {  	s1 =	sld [smem:$0x3F95]  }
0x28: {  	s2 =	sld [smem:$0x3F96]  }
0x29: {  	s4 =	sld [smem:$0x3F98]  }
0x2a: {  	p0 =	seq.s32 s5, $0x0;
	s5 =	sld [smem:$0x3F99]  }
0x2b: {  	s6 =	sld [smem:$0x3F9A]  }
0x2c: {  	s7 =	sld [smem:$0x3F9B]  }
0x2d: {  	s3 =	simm.s32 $0x108;
	s8 =	sld [smem:$0x3F9C]  }
0x2e: {  	s3 =	simm.s32 @!p0 $0x1082;
	s9 =	sld [smem:$0x3F9D]  }
0x2f: {  	lr =	sadd.s32 s0, s3;
	s0 =	sld [smem:$0x3F94]  }
0x30: {  	s3 =	sld [smem:$0x3F97]  }
0x31: {  	[smem:$0x3FA0] =	sst s10  }
0x32: {  	s10 =	sld [smem:$0x3F9E];
	_ =	sdelay $0x3  }
0x33: {  	p0 =	seq.s32 s10, $0x1;
	s10 =	sld [smem:$0x3FA0];
	_ =	sdelay $0x3  }
0x34: {  	[smem:$0x3FA0] =	sst s10  }
0x35: {  	s10 =	sld [smem:$0x3F9F];
	_ =	sdelay $0x3  }
0x36: {  	p1 =	seq.s32 s10, $0x1;
	s10 =	sld [smem:$0x3FA0];
	_ =	sdelay $0x3  }
0x37: {  	[smem:$0x3FA0] =	sst s10  }
0x38: {  	s10 =	sld [smem:$0x3FA1]  }
0x39: {  	_ = 	snop;
	(pc) =	sbr.ind lr, $3  }
0x3a: {  	_ = 	snop  }
0x3b: {  	_ = 	snop  }
0x3c: {  	p2 =	seq.s32 s10, $0x1;
	s10 =	sld [smem:$0x3FA0]  }
0x3d: {  	_ =	shalt  }
0x3e: {  	_ =	shalt  }
0x3f: {  	_ =	shalt  }
0x40: {  	_ =	shalt  }
0x41: {  	_ =	shalt  }
0x42: {  	_ =	shalt  }
0x43: {  	_ =	shalt  }
0x44: {  	_ =	shalt  }
0x45: {  	_ =	shalt  }
0x46: {  	_ =	shalt  }
0x47: {  	_ =	shalt  }
0x48: {  	_ =	shalt  }
0x49: {  	_ =	shalt  }
0x4a: {  	_ =	shalt  }
0x4b: {  	_ =	shalt  }
0x4c: {  	_ =	shalt  }
0x4d: {  	_ =	shalt  }
0x4e: {  	_ =	shalt  }
0x4f: {  	_ =	shalt  }
0x50: {  	_ =	shalt  }
0x51: {  	_ =	shalt  }
0x52: {  	_ =	shalt  }
0x53: {  	_ =	shalt  }
0x54: {  	_ =	shalt  }
0x55: {  	_ =	shalt  }
0x56: {  	_ =	shalt  }
0x57: {  	_ =	shalt  }
0x58: {  	_ =	shalt  }
0x59: {  	_ =	shalt  }
0x5a: {  	_ =	shalt  }
0x5b: {  	_ =	shalt  }
0x5c: {  	_ =	shalt  }
0x5d: {  	_ =	shalt  }
0x5e: {  	_ =	shalt  }
0x5f: {  	_ =	shalt  }
0x60: {  	_ =	shalt  }
0x61: {  	_ =	shalt  }
0x62: {  	_ =	shalt  }
0x63: {  	_ =	shalt  }
0x64: {  	_ =	shalt  }
0x65: {  	_ =	shalt  }
0x66: {  	_ =	shalt  }
0x67: {  	_ =	shalt  }
0x68: {  	_ =	shalt  }
0x69: {  	_ =	shalt  }
0x6a: {  	_ =	shalt  }
0x6b: {  	_ =	shalt  }
0x6c: {  	_ =	shalt  }
0x6d: {  	_ =	shalt  }
0x6e: {  	_ =	shalt  }
0x6f: {  	_ =	shalt  }
0x70: {  	_ =	shalt  }
0x71: {  	_ =	shalt  }
0x72: {  	_ =	shalt  }
0x73: {  	_ =	shalt  }
0x74: {  	_ =	shalt  }
0x75: {  	_ =	shalt  }
0x76: {  	_ =	shalt  }
0x77: {  	_ =	shalt  }
0x78: {  	_ =	shalt  }
0x79: {  	_ =	shalt  }
0x7a: {  	_ =	shalt  }
0x7b: {  	_ =	shalt  }
0x7c: {  	_ =	shalt  }
0x7d: {  	_ =	shalt  }
0x7e: {  	_ =	shalt  }
0x7f: {  	_ =	shalt  }
0x80: {  	_ =	shalt  }
0x81: {  	_ =	shalt  }
0x82: {  	_ =	shalt  }
0x83: {  	_ =	shalt  }
0x84: {  	_ =	shalt  }
0x85: {  	_ =	shalt  }
0x86: {  	_ =	shalt  }
0x87: {  	_ =	shalt  }
.Lfunc_end0:
.L_simem_size_0:
called_computation.1_lowered:
.L_overlay_start_0:
0x88: {  	s2 =	sld [smem:$0x3FD9]  }
0x89: {  	s3 =	sld [smem:$0x3FFE];
	_ =	sdelay $0x1  }
0x8a: {  	s1 =	srdreg.scid  }
0x8b: {  	s0 =	sand.u32 $0x1, s1  }
0x8c: {  	s17 =	sshll.u32 s0, $0xA;
	s2 =	sadd.s32 s3, s2  }
0x8d: {  	s2 =	sadd.s32 s2, s17  }
0x8e: {  	[smem:$0x3FAC] =	sst s2  }
0x8f: {  	_ = 	snop  }
0x90: {  	s2 =	sld [smem:$0x3FD0];
	(tm) =	ssettm $0x1  }
0x91: {  	s18 =	sld [smem:$0x3FFB];
	_ =	sdelay $0x3  }
0x92: {  	_ =	strace s18  }
0x93: {  	s3 =	sld [smem:$0x3FFC];
	_ =	sdelay $0x3  }
0x94: {  	_ =	strace s3  }
0x95: {  	s3 =	sld [smem:$0x3FFD];
	_ =	sdelay $0x3  }
0x96: {  	_ =	strace s3  }
0x97: {  	_ =	strace $0x8FFFFFFF  }
0x98: {  	s19 =	sld [smem:$0x3FDB];
	_ =	sdelay $0x1  }
0x99: {  	s4 =	simm.s32 $_scs_section_size  }
0x9a: {  	s5 =	simm.s32 $_size__tile_overlayer_lowered;
	s6 =	simm.s32 $_tile_overlayer_lowered  }
0x9b: {  	s22 =	simm.s32 $0x1BFF;
	s21 =	sshll.u32 s6, $0x1;
	s3 =	sadd.s32 s4, s19  }
0x9c: {  	s7 =	simm.s32 $0x0;
	s20 =	sshll.u32 s5, $0x1;
	s5 =	sadd.s32 s21, s3  }
0x9d: {  	[timem:s7], [sflag:s22] =	dma.local [hbm:s5], s20  }
0x9e: {  	_ =	swait.ge [sflag:s22], s20  }
0x9f: {  	s4 =	ssub.s32 $0x0, s20;
	[sflag:s22] =	ssyncset.done $0x0  }
0xa0: {  	[sflag:s22] =	ssyncadd.s32 s4;
	_ =	sdelay $0x1  }
0xa1: {  	s23 =	simm.s32 $0x1B8B  }
0xa2: {  	_ =	swait.ge [sflag:s23], $0x1  }
0xa3: {  	[sflag:s23] =	ssyncset.done $0x0  }
0xa4: {  	s25 =	simm.s32 $0x1B8E;
	s24 =	sld [smem:$0x3FFE];
	[sflag:s23] =	ssyncadd.s32 $0xFFFFFFFF  }
0xa5: {  	s26 =	simm.s32 $execute0_lowered;
	[smem:$0x3FD2] =	sst s25  }
0xa6: {  	s5 =	sshll.u32 s26, $0x1;
	_ =	strace $0x80000049;
	[dreg:$0x1] =	wrdreg $0xFFFFFFFF  }
0xa7: {  	s28 =	simm.s32 $_size_execute0_lowered;
	s3 =	sadd.s32 s3, s5;
	[dreg:$0x0] =	wrdreg $0x0  }
0xa8: {  	s5 =	sshll.u32 s28, $0x1;
	[dreg:$0x2] =	wrdreg s3  }
0xa9: {  	[dreg:$0x3] =	wrdreg s5  }
0xaa: {  	[dreg:$0x4] =	wrdreg $0xC0  }
0xab: {  	_ =	task [dreg:s7], $0x5FFFF  }
0xac: {  	[dreg:$0x1] =	wrdreg $0xFFFFFFFF  }
0xad: {  	[dreg:$0x0] =	wrdreg $0x60  }
0xae: {  	[dreg:$0x2] =	wrdreg s2  }
0xaf: {  	[dreg:$0x3] =	wrdreg s24  }
0xb0: {  	[dreg:$0x4] =	wrdreg $0x81000  }
0xb1: {  	[dreg:$0x5] =	wrdreg $0x9  }
0xb2: {  	_ =	task.clear_ibuf [dreg:s7], $0x6FFFF;
	_ =	strace $0x90000049  }
0xb3: {  	s29 =	simm.s32 $0x9;
	_ =	strace $0x8000004B  }
0xb4: {  	_ =	swait.ge [sflag:s29], $0x1  }
0xb5: {  	[sflag:s29] =	ssyncadd.s32 $0xFFFFFFFF  }
0xb6: {  	_ =	strace $0x9000004B  }
0xb7: {  	_ =	sfence  }
0xb8: {  	s30 =	sld [smem:$0x0];
	_ =	sdelay $0x2  }
0xb9: {  	s31 =	sshll.u32 s1, $0xD;
	s1 =	sshrl.u32 s1, $0x2  }
0xba: {  	s3 =	sand.u32 $0x4000, s31;
	s1 =	sadd.s32 s1, s30  }
0xbb: {  	s0 =	sor.u32 s3, s0;
	s1 =	sshll.u32 s1, $0x11  }
0xbc: {  	s0 =	sor.u32 s1, s0  }
0xbd: {  	s0 =	sadd.s32 $0x8F2B, s0  }
0xbe: {  	[sflag:s0] =	ssyncadd.remote.s32 $0x1  }
0xbf: {  	_ =	sfence.sel $0xFFFF  }
0xc0: {  	[dreg:$0x0] =	wrdreg $0xFFFFFFFF;
	(pc) =	sbr.abs _section_cstart, $3  }
0xc1: {  	[dreg:$0x1] =	wrdreg $0xFFFFFFFF  }
0xc2: {  	_ =	task.clear_ibuf [dreg:s7], $0x2FFFF;
	_ =	strace $0x9FFFFFFF  }
0xc3: {  	(tm) =	ssettm $0x7FFFFFFF  }
tec
execute0_lowered:
.L_overlay_start_1:
0x0: {  	(tag) =	ssettag $0x1  }
0x1: {  	s1 =	rddreg [dreg:$0x0]  }
0x2: {  	s8 =	rddreg [dreg:$0x1]  }
0x3: {  	s2 =	rddreg [dreg:$0x2];
	s3 =	simm.s32 $0x0  }
0x4: {  	s4 =	srdreg.scid;
	[smem:$0x7FF] =	sst s3  }
0x5: {  	s9 =	sand.u32 $0x1, s4;
	s5 =	sadd.s32 $0x9D5800, s8;
	s6 =	sadd.s32 $0x9E9200, s8  }
0x6: {  	s4 =	stileid.u32;
	s7 =	sadd.s32 $0x3109C00, s8;
	s10 =	smul.u32 $0x27800, s9  }
0x7: {  	s0 =	rddreg [dreg:$0x3];
	_ =	strace $0x8000004A;
	s12 =	smul.u32 $0x278, s4  }
0x8: {  	s11 =	ssub.s32 $0x2, s9;
	s14 =	smul.u32 $0x4F000, s4;
	s23 =	sshll.u32 s9, $0x4  }
0x9: {  	s31 =	smul.u32 $0x2780, s4;
	s13 =	sshrl.u32 s11, $0x1;
	s24 =	sor.u32 s4, s23  }
0xa: {  	s15 =	sadd.s32 s10, s8;
	s16 =	ssub.s32 s11, s13;
	s25 =	sshrl.u32 s14, $0x2  }
0xb: {  	s26 =	sadd.s32 $0x80, s12;
	s17 =	sadd.s32 $0x100, s12;
	s18 =	sadd.s32 $0x180, s12  }
0xc: {  	s19 =	sadd.s32 $0x200, s12;
	s12 =	smul.u32 $0x4E80, s24;
	s8 =	sadd.s32 s25, s2  }
0xd: {  	s28 =	sshll.u32 s26, $0x7;
	s29 =	sshll.u32 s17, $0x7;
	s30 =	sshll.u32 s18, $0x7  }
0xe: {  	s20 =	sshll.u32 s19, $0x7;
	s24 =	sadd.s32 $0x5800, s15;
	s21 =	sshll.u32 s26, $0x4  }
0xf: {  	s22 =	sshll.u32 s17, $0x4;
	s23 =	sshll.u32 s18, $0x4;
	s25 =	sshll.u32 s19, $0x4  }
0x10: {  	s14 =	smax.u32 s16, $0x1;
	s15 =	simm.s32 $0x100;
	s16 =	simm.s32 $0x2  }
0x11: {  	s17 =	simm.s32 $0x80;
	s18 =	simm.s32 $0x4100;
	s19 =	simm.s32 $0x1  }
0x12: {  	s9 =	sadd.s32 s28, s2;
	s10 =	sadd.s32 s29, s2;
	s11 =	sadd.s32 s30, s2  }
0x13: {  	s13 =	sadd.s32 s20, s2;
	s20 =	sadd.s32 s31, s24;
	s21 =	sadd.s32 s21, s24  }
0x14: {  	v0 =	vimm.f32 $0.0e+00;
	s22 =	sadd.s32 s22, s24;
	s23 =	sadd.s32 s23, s24;
	s24 =	sadd.s32 s25, s24  }
.LBB2_1:
0x15: {  	s25 =	simm.s32 $0x0;
	s26 =	simm.s32 $0x200  }
.LBB2_2:
0x16: {  	p0 =	sne.s32 s26, $0xFE00;
	[tilespmem:s25+$0x170] =	vst v0  }
0x17: {  	[tilespmem:s25+$0x100] =	vst v0  }
0x18: {  	[tilespmem:s25+$0x110] =	vst v0  }
.Ltmp0:
0x19: {  	[tilespmem:s25+$0x120] =	vst v0;
	(pc) =	sbr.rel @p0 .LBB2_2-.Ltmp0, $4  }
0x1a: {  	[tilespmem:s25+$0x130] =	vst v0  }
0x1b: {  	[tilespmem:s25+$0x140] =	vst v0  }
0x1c: {  	[tilespmem:s25+$0x150] =	vst v0  }
0x1d: {  	[tilespmem:s25+$0x160] =	vst v0;
	s25 =	sshra.s32 s26, $0x2;
	s26 =	sadd.s32 $0x200, s26  }
0x1e: {  	[tilespmem:s25+$0x170] =	vst v0  }
0x1f: {  	[tilespmem:s25+$0x100] =	vst v0  }
0x20: {  	[tilespmem:s25+$0x110] =	vst v0  }
0x21: {  	[tilespmem:s25+$0x120] =	vst v0  }
0x22: {  	[tilespmem:s25+$0x130] =	vst v0  }
0x23: {  	[tilespmem:s25+$0x140] =	vst v0  }
0x24: {  	[tilespmem:s25+$0x150] =	vst v0  }
0x25: {  	[tilespmem:s25+$0x160] =	vst v0  }
0x26: {  	[spmem:s8] =	stream.linear.scatter [tilespmem:s15], [sflag:$0x2], $0x4000, $0x38;
	[tilespmem:$0x1BD00] =	vst v63  }
0x27: {  	_ =	swait.ge [sflag:s16], $0x4000  }
0x28: {  	[sflag:s16] =	ssyncset.done $0x0  }
0x29: {  	[sflag:s16] =	ssyncadd.s32 $0xFFFFC000  }
0x2a: {  	[spmem:s9] =	stream.linear.scatter [tilespmem:s15], [sflag:$0x2], $0x4000, $0x38;
	[tilespmem:$0x1BD00] =	vst v63  }
0x2b: {  	_ =	swait.ge [sflag:s16], $0x4000  }
0x2c: {  	[sflag:s16] =	ssyncset.done $0x0  }
0x2d: {  	[sflag:s16] =	ssyncadd.s32 $0xFFFFC000  }
0x2e: {  	[spmem:s10] =	stream.linear.scatter [tilespmem:s15], [sflag:$0x2], $0x4000, $0x38;
	[tilespmem:$0x1BD00] =	vst v63  }
0x2f: {  	_ =	swait.ge [sflag:s16], $0x4000  }
0x30: {  	[sflag:s16] =	ssyncset.done $0x0  }
0x31: {  	[sflag:s16] =	ssyncadd.s32 $0xFFFFC000  }
0x32: {  	[spmem:s11] =	stream.linear.scatter [tilespmem:s15], [sflag:$0x2], $0x4000, $0x38;
	[tilespmem:$0x1BD00] =	vst v63  }
0x33: {  	_ =	swait.ge [sflag:s16], $0x4000  }
0x34: {  	[sflag:s16] =	ssyncset.done $0x0  }
0x35: {  	[sflag:s16] =	ssyncadd.s32 $0xFFFFC000  }
0x36: {  	[spmem:s13] =	stream.linear.scatter [tilespmem:s15], [sflag:$0x2], $0x3C00, $0x38;
	[tilespmem:$0x1BD00] =	vst v63  }
0x37: {  	_ =	swait.ge [sflag:s16], $0x3C00  }
0x38: {  	[sflag:s16] =	ssyncset.done $0x0  }
0x39: {  	[sflag:s16] =	ssyncadd.s32 $0xFFFFC400  }
0x3a: {  	s25 =	simm.s32 $0x0;
	s26 =	simm.s32 $0x0;
	[bflag:$0x0] =	sbarrier.arrive $0xFFFF  }
.LBB2_4:
0x3b: {  	s28 =	sshll.u32 s26, $0x7  }
0x3c: {  	s28 =	sadd.s32 s12, s28  }
0x3d: {  	s29 =	sshrl.u32 s28, $0x3  }
0x3e: {  	s30 =	sadd.s32 s5, s29  }
0x3f: {  	[tilespmem:s25], [sflag:$0x2] =	stream.linear.gather [hbm4b:s30+s25], $0x80, $0x38;
	[tilespmem:$0x1BD00] =	vst v63  }
0x40: {  	_ =	swait.ge [sflag:s16], $0x80  }
0x41: {  	[sflag:s16] =	ssyncset.done $0x0  }
0x42: {  	s29 =	sadd.s32 s6, s29;
	[sflag:s16] =	ssyncadd.s32 $0xFFFFFF80  }
0x43: {  	[tilespmem:s17], [sflag:$0x2] =	stream.linear.gather [hbm4b:s29+s25], $0x80, $0x38;
	[tilespmem:$0x1BD00] =	vst v63  }
0x44: {  	_ =	swait.ge [sflag:s16], $0x80  }
0x45: {  	s28 =	sshll.u32 s28, $0x4;
	[sflag:s16] =	ssyncset.done $0x0  }
0x46: {  	s28 =	sadd.s32 s7, s28;
	[sflag:s16] =	ssyncadd.s32 $0xFFFFFF80  }
0x47: {  	[tilespmem:s15], [sflag:$0x2] =	stream.linear.gather [hbm4b:s28+s25], $0x4000, $0x38;
	[tilespmem:$0x1BD00] =	vst v63  }
0x48: {  	_ =	swait.ge [sflag:s16], $0x4000  }
0x49: {  	[sflag:s16] =	ssyncset.done $0x0  }
0x4a: {  	[sflag:s16] =	ssyncadd.s32 $0xFFFFC000  }
0x4b: {  	[tilespmem:s18], [sflag:$0x1] =	stream.indirect.gather [hbm4b:s1+s17], $0x80, s25, s17, $0xb8;
	[tilespmem:$0x1BD00] =	vst v63  }
0x4c: {  	_ =	swait.ge [sflag:s19], $0x4000  }
0x4d: {  	[sflag:s19] =	ssyncset.done $0x0  }
0x4e: {  	s28 =	simm.s32 $0x0;
	[sflag:s19] =	ssyncadd.s32 $0xFFFFC000  }
0x4f: {  	v7 =	vld [tilespmem:s28+$0x4100]  }
0x50: {  	v12 =	vld [tilespmem:s28+$0x4110]  }
0x51: {  	v6 =	vld [tilespmem:s28+$0x4120]  }
0x52: {  	v5 =	vld [tilespmem:s28+$0x4130]  }
0x53: {  	v4 =	vld [tilespmem:s28+$0x4140]  }
0x54: {  	v3 =	vld [tilespmem:s28+$0x4150]  }
0x55: {  	v2 =	vld [tilespmem:s28+$0x4160]  }
0x56: {  	v1 =	vld [tilespmem:s28+$0x4170]  }
0x57: {  	v13 =	vld [tilespmem:s28+$0x100]  }
0x58: {  	v14 =	vld [tilespmem:s28+$0x110]  }
0x59: {  	v11 =	vld [tilespmem:s28+$0x120]  }
0x5a: {  	v10 =	vld [tilespmem:s28+$0x130]  }
0x5b: {  	v9 =	vld [tilespmem:s28+$0x140]  }
0x5c: {  	v8 =	vld [tilespmem:s28+$0x150];
	v13 =	vadd.f32 v7, v13  }
0x5d: {  	s29 =	simm.s32 $0x200;
	v12 =	vadd.f32 v12, v14;
	v7 =	vld [tilespmem:s28+$0x160]  }
.LBB2_5:
0x5e: {  	s30 =	sshra.s32 s29, $0x2;
	p0 =	sne.s32 s29, $0xFE00;
	v13 =	vmax.f32 v13, $0.0e+00;
	v6 =	vadd.f32 v6, v11;
	v11 =	vld [tilespmem:s28+$0x170]  }
0x5f: {  	v14 =	vld [tilespmem:s30+$0x4100];
	[tilespmem:s28+$0x100] =	vst v13;
	v12 =	vmax.f32 v12, $0.0e+00;
	v5 =	vadd.f32 v5, v10  }
0x60: {  	v15 =	vld [tilespmem:s30+$0x4110];
	[tilespmem:s28+$0x110] =	vst v12;
	v10 =	vmax.f32 v6, $0.0e+00;
	v4 =	vadd.f32 v4, v9  }
0x61: {  	v6 =	vld [tilespmem:s30+$0x4120];
	[tilespmem:s28+$0x120] =	vst v10;
	v9 =	vmax.f32 v5, $0.0e+00;
	v3 =	vadd.f32 v3, v8  }
0x62: {  	v5 =	vld [tilespmem:s30+$0x4130];
	[tilespmem:s28+$0x130] =	vst v9;
	v8 =	vmax.f32 v4, $0.0e+00;
	v2 =	vadd.f32 v2, v7  }
0x63: {  	v4 =	vld [tilespmem:s30+$0x4140];
	[tilespmem:s28+$0x140] =	vst v8;
	v7 =	vmax.f32 v3, $0.0e+00;
	v1 =	vadd.f32 v1, v11  }
0x64: {  	v3 =	vld [tilespmem:s30+$0x4150];
	[tilespmem:s28+$0x150] =	vst v7;
	v7 =	vmax.f32 v2, $0.0e+00  }
0x65: {  	v2 =	vld [tilespmem:s30+$0x4160];
	[tilespmem:s28+$0x160] =	vst v7;
	v7 =	vmax.f32 v1, $0.0e+00  }
0x66: {  	v1 =	vld [tilespmem:s30+$0x4170];
	[tilespmem:s28+$0x170] =	vst v7;
	s28 =	smov.u32 s30  }
0x67: {  	v7 =	vld [tilespmem:s28+$0x100]  }
0x68: {  	v12 =	vld [tilespmem:s28+$0x110]  }
.Ltmp1:
0x69: {  	v11 =	vld [tilespmem:s28+$0x120];
	(pc) =	sbr.rel @p0 .LBB2_5-.Ltmp1, $4  }
0x6a: {  	v10 =	vld [tilespmem:s28+$0x130]  }
0x6b: {  	v9 =	vld [tilespmem:s28+$0x140]  }
0x6c: {  	v13 =	vadd.f32 v14, v7;
	v8 =	vld [tilespmem:s28+$0x150]  }
0x6d: {  	s29 =	sadd.s32 $0x200, s29;
	v12 =	vadd.f32 v15, v12;
	v7 =	vld [tilespmem:s28+$0x160]  }
0x6e: {  	v13 =	vmax.f32 v13, $0.0e+00;
	v6 =	vadd.f32 v6, v11;
	v63 =	vld [tilespmem:s28+$0x170]  }
0x6f: {  	[tilespmem:s28+$0x100] =	vst v13;
	v12 =	vmax.f32 v12, $0.0e+00;
	v5 =	vadd.f32 v5, v10  }
0x70: {  	[tilespmem:s28+$0x110] =	vst v12;
	v6 =	vmax.f32 v6, $0.0e+00;
	v4 =	vadd.f32 v4, v9  }
0x71: {  	[tilespmem:s28+$0x120] =	vst v6;
	v5 =	vmax.f32 v5, $0.0e+00;
	v3 =	vadd.f32 v3, v8  }
0x72: {  	[tilespmem:s28+$0x130] =	vst v5;
	v4 =	vmax.f32 v4, $0.0e+00;
	v2 =	vadd.f32 v2, v7  }
0x73: {  	[tilespmem:s28+$0x140] =	vst v4;
	v3 =	vmax.f32 v3, $0.0e+00;
	v1 =	vadd.f32 v1, v63  }
0x74: {  	s26 =	sadd.s32 $0x1, s26;
	[tilespmem:s28+$0x150] =	vst v3;
	v2 =	vmax.f32 v2, $0.0e+00  }
0x75: {  	p0 =	sne.s32 s26, $0x9D;
	[tilespmem:s28+$0x160] =	vst v2;
	v1 =	vmax.f32 v1, $0.0e+00  }
.Ltmp2:
0x76: {  	[tilespmem:s28+$0x170] =	vst v1;
	(pc) =	sbr.rel @p0 .LBB2_4-.Ltmp2, $4  }
0x77: {  	[spmem:s2] =	stream.indirect.scatter.add.f32 [tilespmem:s15], [sflag:$0x2], $0x80, s17, s17, $0xb8;
	[tilespmem:$0x1BD00] =	vst v63  }
0x78: {  	_ =	swait.ge [sflag:s16], $0x4000  }
0x79: {  	[sflag:s16] =	ssyncset.done $0x0  }
0x7a: {  	[sflag:s16] =	ssyncadd.s32 $0xFFFFC000  }
0x7b: {  	s25 =	sshll.u32 s4, $0x6  }
0x7c: {  	[bflag:$0x0] =	sbarrier.arrive $0xFFFF;
	s26 =	sshrl.u32 s8, $0x3;
	s25 =	sor.u32 $0x1C02, s25  }
0x7d: {  	[hbm:s20], [sflag:s25] =	dma.local [spmem:s26], $0x800  }
0x7e: {  	_ =	swait.ge [sflag:s16], $0x800  }
0x7f: {  	[sflag:s16] =	ssyncset.done $0x0  }
0x80: {  	s28 =	sshrl.u32 s9, $0x3;
	[sflag:s16] =	ssyncadd.s32 $0xFFFFF800  }
0x81: {  	[hbm:s21], [sflag:s25] =	dma.local [spmem:s28], $0x800  }
0x82: {  	_ =	swait.ge [sflag:s16], $0x800  }
0x83: {  	[sflag:s16] =	ssyncset.done $0x0  }
0x84: {  	s29 =	sshrl.u32 s10, $0x3;
	[sflag:s16] =	ssyncadd.s32 $0xFFFFF800  }
0x85: {  	[hbm:s22], [sflag:s25] =	dma.local [spmem:s29], $0x800  }
0x86: {  	_ =	swait.ge [sflag:s16], $0x800  }
0x87: {  	[sflag:s16] =	ssyncset.done $0x0  }
0x88: {  	s30 =	sshrl.u32 s11, $0x3;
	[sflag:s16] =	ssyncadd.s32 $0xFFFFF800  }
0x89: {  	[hbm:s23], [sflag:s25] =	dma.local [spmem:s30], $0x800  }
0x8a: {  	s3 =	sadd.s32 $0x1, s3;
	_ =	swait.ge [sflag:s16], $0x800  }
0x8b: {  	p0 =	sne.s32 s3, s14;
	[sflag:s16] =	ssyncset.done $0x0  }
.Ltmp3:
0x8c: {  	s31 =	sshrl.u32 s13, $0x3;
	[sflag:s16] =	ssyncadd.s32 $0xFFFFF800;
	(pc) =	sbr.rel @p0 .LBB2_1-.Ltmp3, $4  }
0x8d: {  	[hbm:s24], [sflag:s25] =	dma.local [spmem:s31], $0x780  }
0x8e: {  	_ =	swait.ge [sflag:s16], $0x780  }
0x8f: {  	[sflag:s16] =	ssyncset.done $0x0  }
0x90: {  	[sflag:s16] =	ssyncadd.s32 $0xFFFFF880  }
0x91: {  	_ =	sfence.sel $0x180000  }
0x92: {  	[bflag:$0x0] =	sbarrier.arrive $0xFFFF  }
0x93: {  	p0 =	sne.s32 s4, $0x0;
	_ =	strace $0x9000004A  }
0x94: {  	s0 =	sadd.s32 @!p0 $0x100000, s0;
	[bflag:$0x2] =	sbarrier.arrive $0xFFFF  }
0x95: {  	[sflag:s0] =	ssyncadd.tile.s32 @!p0 $0x1;
	_ =	shalt  }
.Lfunc_end2:
_tile_overlayer_lowered:
.L_overlay_start_2:
0x96: {  	(tag) =	ssettag $0x2  }
0x97: {  	s0 =	rddreg [dreg:$0x0];
	s2 =	stileid.u32  }
0x98: {  	s1 =	rddreg [dreg:$0x1];
	p0 =	sne.s32 s2, $0x0  }
0x99: {  	s3 =	rddreg [dreg:$0x2];
	[bflag:$0x3] =	sbarrier.arrive $0xFFFF;
	s2 =	simm.s32 @!p0 $0x1C02  }
0x9a: {  	[timem:s3], [sflag:s2] =	dma.local @!p0 [hbm:s0], s1  }
0x9b: {  	s0 =	simm.s32 @!p0 $0x2  }
0x9c: {  	_ =	swait.ge @!p0 [sflag:s0], s1  }
0x9d: {  	s1 =	ssub.s32 @!p0 $0x0, s1;
	[sflag:s0] =	ssyncset.done @!p0 $0x0  }
0x9e: {  	[sflag:s0] =	ssyncadd.s32 @!p0 s1  }
0x9f: {  	[bflag:$0x3] =	sbarrier.arrive $0xFFFF  }
0xa0: {  	_ =	shalt  }

// kernel: kernel.16.cloned.1.call-start
scs
__scs_entry_jumppad:
0x0: {  	(pc) =	sbr.rel $0x88, $3  }
0x1: {  	(tag) =	ssettag $0x0;
	lr =	simm.s32 $0x1  }
0x2: {  	[smem:$0x3F85] =	sst lr;
	_ =	strace $0xD0000000  }
0x3: {  	_ = 	snop  }
0x4: {  	_ = 	snop  }
0x5: {  	_ = 	snop  }
0x6: {  	_ = 	snop  }
0x7: {  	_ = 	snop  }
__scs_overlays_trampoline_lowered:
0x8: {  	[smem:$0x3F94] =	sst s0  }
0x9: {  	[smem:$0x3F95] =	sst s1  }
0xa: {  	[smem:$0x3F96] =	sst s2  }
0xb: {  	[smem:$0x3F97] =	sst s3  }
0xc: {  	[smem:$0x3F98] =	sst s4  }
0xd: {  	[smem:$0x3F99] =	sst s5  }
0xe: {  	[smem:$0x3F9A] =	sst s6  }
0xf: {  	[smem:$0x3F9B] =	sst s7  }
0x10: {  	[smem:$0x3F9C] =	sst s8  }
0x11: {  	[smem:$0x3F9D] =	sst s9;
	s0 =	simm.s32 @!p0 $0x0  }
0x12: {  	s1 =	sld [smem:$0x3F83];
	s0 =	simm.s32 @p0 $0x1  }
0x13: {  	[smem:$0x3F9E] =	sst s0;
	s0 =	simm.s32 @!p1 $0x0  }
0x14: {  	s2 =	sld [smem:$0x3F82];
	s0 =	simm.s32 @p1 $0x1  }
0x15: {  	[smem:$0x3F9F] =	sst s0;
	s0 =	simm.s32 @!p2 $0x0  }
0x16: {  	s3 =	sld [smem:$0x3FDB];
	s0 =	simm.s32 @p2 $0x1  }
0x17: {  	s4 =	simm.s32 $0x1BF5;
	[smem:$0x3FA1] =	sst s0  }
0x18: {  	s0 =	sld [smem:$0x3F84];
	_ =	swait.ge [sflag:s4], $0x0  }
0x19: {  	s7 =	sld [smem:$0x3F85]  }
0x1a: {  	s8 =	sadd.s32 $0xFFFFE003, lr  }
0x1b: {  	s9 =	sadd.s32 $0xFFFFFEF7, lr;
	s5 =	simm.s32 $0xFFFFFFFF;
	p2 =	slt.u32 s8, $0xFFFFF086  }
0x1c: {  	p1 =	slt.u32 s9, $0xF7A;
	s5 =	simm.s32 @!p2 $0x0  }
0x1d: {  	s5 =	simm.s32 @p1 $0x1;
	p0 =	seq.s32 s7, s2  }
0x1e: {  	s7 =	smul.u32 @!p0 $0xF7A, s2;
	p2 =	seq.s32 @!p0 s5, $0x0  }
0x1f: {  	s9 =	smul.u32 $0xF7A, s1;
	s8 =	simm.s32 @!p0 $0x1BF5;
	p2 =	por !p2, p0  }
0x20: {  	[sflag:s8] =	ssyncset.s32 @!p0 $0xFFFFF086;
	s6 =	sadd.s32 @!p0 s3, s7;
	s7 =	simm.s32 @!p0 $0x108  }
0x21: {  	s3 =	sadd.s32 s3, s9;
	s6 =	sadd.s32 @!p0 $0x88, s6;
	s7 =	simm.s32 @p2 $0x1082  }
0x22: {  	[simem:s7], [sflag:s8] =	dma.local @!p0 [hbm:s6], $0xF7A  }
0x23: {  	s9 =	sor.u32 $0xD0000000, s2;
	s6 =	simm.s32 $0x108;
	_ =	swait.ge @!p0 [sflag:s8], $0x0  }
0x24: {  	s3 =	sadd.s32 $0x88, s3;
	s6 =	simm.s32 @!p1 $0x1082;
	[sflag:s4] =	ssyncset.s32 $0xFFFFF086  }
0x25: {  	[simem:s6], [sflag:s4] =	dma.local [hbm:s3], $0xF7A  }
0x26: {  	[smem:$0x3F85] =	sst s1;
	(tag) =	ssettag s2;
	_ =	strace s9  }
0x27: {  	s1 =	sld [smem:$0x3F95]  }
0x28: {  	s2 =	sld [smem:$0x3F96]  }
0x29: {  	s4 =	sld [smem:$0x3F98]  }
0x2a: {  	p0 =	seq.s32 s5, $0x0;
	s5 =	sld [smem:$0x3F99]  }
0x2b: {  	s6 =	sld [smem:$0x3F9A]  }
0x2c: {  	s7 =	sld [smem:$0x3F9B]  }
0x2d: {  	s3 =	simm.s32 $0x108;
	s8 =	sld [smem:$0x3F9C]  }
0x2e: {  	s3 =	simm.s32 @!p0 $0x1082;
	s9 =	sld [smem:$0x3F9D]  }
0x2f: {  	lr =	sadd.s32 s0, s3;
	s0 =	sld [smem:$0x3F94]  }
0x30: {  	s3 =	sld [smem:$0x3F97]  }
0x31: {  	[smem:$0x3FA0] =	sst s10  }
0x32: {  	s10 =	sld [smem:$0x3F9E];
	_ =	sdelay $0x3  }
0x33: {  	p0 =	seq.s32 s10, $0x1;
	s10 =	sld [smem:$0x3FA0];
	_ =	sdelay $0x3  }
0x34: {  	[smem:$0x3FA0] =	sst s10  }
0x35: {  	s10 =	sld [smem:$0x3F9F];
	_ =	sdelay $0x3  }
0x36: {  	p1 =	seq.s32 s10, $0x1;
	s10 =	sld [smem:$0x3FA0];
	_ =	sdelay $0x3  }
0x37: {  	[smem:$0x3FA0] =	sst s10  }
0x38: {  	s10 =	sld [smem:$0x3FA1]  }
0x39: {  	_ = 	snop;
	(pc) =	sbr.ind lr, $3  }
0x3a: {  	_ = 	snop  }
0x3b: {  	_ = 	snop  }
0x3c: {  	p2 =	seq.s32 s10, $0x1;
	s10 =	sld [smem:$0x3FA0]  }
0x3d: {  	_ =	shalt  }
0x3e: {  	_ =	shalt  }
0x3f: {  	_ =	shalt  }
0x40: {  	_ =	shalt  }
0x41: {  	_ =	shalt  }
0x42: {  	_ =	shalt  }
0x43: {  	_ =	shalt  }
0x44: {  	_ =	shalt  }
0x45: {  	_ =	shalt  }
0x46: {  	_ =	shalt  }
0x47: {  	_ =	shalt  }
0x48: {  	_ =	shalt  }
0x49: {  	_ =	shalt  }
0x4a: {  	_ =	shalt  }
0x4b: {  	_ =	shalt  }
0x4c: {  	_ =	shalt  }
0x4d: {  	_ =	shalt  }
0x4e: {  	_ =	shalt  }
0x4f: {  	_ =	shalt  }
0x50: {  	_ =	shalt  }
0x51: {  	_ =	shalt  }
0x52: {  	_ =	shalt  }
0x53: {  	_ =	shalt  }
0x54: {  	_ =	shalt  }
0x55: {  	_ =	shalt  }
0x56: {  	_ =	shalt  }
0x57: {  	_ =	shalt  }
0x58: {  	_ =	shalt  }
0x59: {  	_ =	shalt  }
0x5a: {  	_ =	shalt  }
0x5b: {  	_ =	shalt  }
0x5c: {  	_ =	shalt  }
0x5d: {  	_ =	shalt  }
0x5e: {  	_ =	shalt  }
0x5f: {  	_ =	shalt  }
0x60: {  	_ =	shalt  }
0x61: {  	_ =	shalt  }
0x62: {  	_ =	shalt  }
0x63: {  	_ =	shalt  }
0x64: {  	_ =	shalt  }
0x65: {  	_ =	shalt  }
0x66: {  	_ =	shalt  }
0x67: {  	_ =	shalt  }
0x68: {  	_ =	shalt  }
0x69: {  	_ =	shalt  }
0x6a: {  	_ =	shalt  }
0x6b: {  	_ =	shalt  }
0x6c: {  	_ =	shalt  }
0x6d: {  	_ =	shalt  }
0x6e: {  	_ =	shalt  }
0x6f: {  	_ =	shalt  }
0x70: {  	_ =	shalt  }
0x71: {  	_ =	shalt  }
0x72: {  	_ =	shalt  }
0x73: {  	_ =	shalt  }
0x74: {  	_ =	shalt  }
0x75: {  	_ =	shalt  }
0x76: {  	_ =	shalt  }
0x77: {  	_ =	shalt  }
0x78: {  	_ =	shalt  }
0x79: {  	_ =	shalt  }
0x7a: {  	_ =	shalt  }
0x7b: {  	_ =	shalt  }
0x7c: {  	_ =	shalt  }
0x7d: {  	_ =	shalt  }
0x7e: {  	_ =	shalt  }
0x7f: {  	_ =	shalt  }
0x80: {  	_ =	shalt  }
0x81: {  	_ =	shalt  }
0x82: {  	_ =	shalt  }
0x83: {  	_ =	shalt  }
0x84: {  	_ =	shalt  }
0x85: {  	_ =	shalt  }
0x86: {  	_ =	shalt  }
0x87: {  	_ =	shalt  }
.Lfunc_end0:
.L_simem_size_0:
called_computation.2_lowered:
.L_overlay_start_0:
0x88: {  	s2 =	sld [smem:$0x3FD9]  }
0x89: {  	s3 =	sld [smem:$0x3FFE];
	_ =	sdelay $0x1  }
0x8a: {  	s1 =	srdreg.scid  }
0x8b: {  	s0 =	sand.u32 $0x1, s1  }
0x8c: {  	s17 =	sshll.u32 s0, $0xA;
	s2 =	sadd.s32 s3, s2  }
0x8d: {  	s2 =	sadd.s32 s2, s17  }
0x8e: {  	[smem:$0x3FAC] =	sst s2  }
0x8f: {  	_ = 	snop  }
0x90: {  	s2 =	sld [smem:$0x3FD0];
	(tm) =	ssettm $0x1  }
0x91: {  	s18 =	sld [smem:$0x3FFB];
	_ =	sdelay $0x3  }
0x92: {  	_ =	strace s18  }
0x93: {  	s3 =	sld [smem:$0x3FFC];
	_ =	sdelay $0x3  }
0x94: {  	_ =	strace s3  }
0x95: {  	s3 =	sld [smem:$0x3FFD];
	_ =	sdelay $0x3  }
0x96: {  	_ =	strace s3  }
0x97: {  	_ =	strace $0x8FFFFFFF  }
0x98: {  	s19 =	sld [smem:$0x3FDB];
	_ =	sdelay $0x1  }
0x99: {  	s4 =	simm.s32 $_scs_section_size  }
0x9a: {  	s5 =	simm.s32 $_size__tile_overlayer_lowered;
	s6 =	simm.s32 $_tile_overlayer_lowered  }
0x9b: {  	s22 =	simm.s32 $0x1BFF;
	s21 =	sshll.u32 s6, $0x1;
	s3 =	sadd.s32 s4, s19  }
0x9c: {  	s7 =	simm.s32 $0x0;
	s20 =	sshll.u32 s5, $0x1;
	s5 =	sadd.s32 s21, s3  }
0x9d: {  	[timem:s7], [sflag:s22] =	dma.local [hbm:s5], s20  }
0x9e: {  	_ =	swait.ge [sflag:s22], s20  }
0x9f: {  	s4 =	ssub.s32 $0x0, s20;
	[sflag:s22] =	ssyncset.done $0x0  }
0xa0: {  	[sflag:s22] =	ssyncadd.s32 s4;
	_ =	sdelay $0x1  }
0xa1: {  	s23 =	simm.s32 $0x1B8B  }
0xa2: {  	_ =	swait.ge [sflag:s23], $0x1  }
0xa3: {  	[sflag:s23] =	ssyncset.done $0x0  }
0xa4: {  	s25 =	simm.s32 $0x1B8E;
	s24 =	sld [smem:$0x3FFE];
	[sflag:s23] =	ssyncadd.s32 $0xFFFFFFFF  }
0xa5: {  	s26 =	simm.s32 $execute0_lowered;
	[smem:$0x3FD2] =	sst s25  }
0xa6: {  	s5 =	sshll.u32 s26, $0x1;
	_ =	strace $0x8000004C;
	[dreg:$0x1] =	wrdreg $0xFFFFFFFF  }
0xa7: {  	s28 =	simm.s32 $_size_execute0_lowered;
	s3 =	sadd.s32 s3, s5;
	[dreg:$0x0] =	wrdreg $0x0  }
0xa8: {  	s5 =	sshll.u32 s28, $0x1;
	[dreg:$0x2] =	wrdreg s3  }
0xa9: {  	[dreg:$0x3] =	wrdreg s5  }
0xaa: {  	[dreg:$0x4] =	wrdreg $0xC0  }
0xab: {  	_ =	task [dreg:s7], $0x5FFFF  }
0xac: {  	[dreg:$0x1] =	wrdreg $0xFFFFFFFF  }
0xad: {  	[dreg:$0x0] =	wrdreg $0x60  }
0xae: {  	[dreg:$0x2] =	wrdreg s2  }
0xaf: {  	[dreg:$0x3] =	wrdreg s24  }
0xb0: {  	[dreg:$0x4] =	wrdreg $0x81000  }
0xb1: {  	[dreg:$0x5] =	wrdreg $0x9  }
0xb2: {  	_ =	task.clear_ibuf [dreg:s7], $0x6FFFF;
	_ =	strace $0x9000004C  }
0xb3: {  	s29 =	simm.s32 $0x9;
	_ =	strace $0x8000004E  }
0xb4: {  	_ =	swait.ge [sflag:s29], $0x1  }
0xb5: {  	[sflag:s29] =	ssyncadd.s32 $0xFFFFFFFF  }
0xb6: {  	_ =	strace $0x9000004E  }
0xb7: {  	_ =	sfence  }
0xb8: {  	s30 =	sld [smem:$0x0];
	_ =	sdelay $0x2  }
0xb9: {  	s31 =	sshll.u32 s1, $0xD;
	s1 =	sshrl.u32 s1, $0x2  }
0xba: {  	s3 =	sand.u32 $0x4000, s31;
	s1 =	sadd.s32 s1, s30  }
0xbb: {  	s0 =	sor.u32 s3, s0;
	s1 =	sshll.u32 s1, $0x11  }
0xbc: {  	s0 =	sor.u32 s1, s0  }
0xbd: {  	s0 =	sadd.s32 $0x8F2B, s0  }
0xbe: {  	[sflag:s0] =	ssyncadd.remote.s32 $0x1  }
0xbf: {  	_ =	sfence.sel $0xFFFF  }
0xc0: {  	[dreg:$0x0] =	wrdreg $0xFFFFFFFF;
	(pc) =	sbr.abs _section_cstart, $3  }
0xc1: {  	[dreg:$0x1] =	wrdreg $0xFFFFFFFF  }
0xc2: {  	_ =	task.clear_ibuf [dreg:s7], $0x2FFFF;
	_ =	strace $0x9FFFFFFF  }
0xc3: {  	(tm) =	ssettm $0x7FFFFFFF  }
tec
execute0_lowered:
.L_overlay_start_1:
0x0: {  	(tag) =	ssettag $0x1  }
0x1: {  	s1 =	rddreg [dreg:$0x0]  }
0x2: {  	s8 =	rddreg [dreg:$0x1]  }
0x3: {  	s2 =	rddreg [dreg:$0x2];
	s3 =	simm.s32 $0x0  }
0x4: {  	s4 =	srdreg.scid;
	[smem:$0x7FF] =	sst s3  }
0x5: {  	s9 =	sand.u32 $0x1, s4;
	s5 =	sadd.s32 $0x9D5800, s8;
	s6 =	sadd.s32 $0x9E9200, s8  }
0x6: {  	s4 =	stileid.u32;
	s7 =	sadd.s32 $0x3AD9C00, s8;
	s10 =	smul.u32 $0x27800, s9  }
0x7: {  	s0 =	rddreg [dreg:$0x3];
	_ =	strace $0x8000004D;
	s12 =	smul.u32 $0x278, s4  }
0x8: {  	s11 =	ssub.s32 $0x2, s9;
	s14 =	smul.u32 $0x4F000, s4;
	s23 =	sshll.u32 s9, $0x4  }
0x9: {  	s31 =	smul.u32 $0x2780, s4;
	s13 =	sshrl.u32 s11, $0x1;
	s24 =	sor.u32 s4, s23  }
0xa: {  	s15 =	sadd.s32 s10, s8;
	s16 =	ssub.s32 s11, s13;
	s25 =	sshrl.u32 s14, $0x2  }
0xb: {  	s26 =	sadd.s32 $0x80, s12;
	s17 =	sadd.s32 $0x100, s12;
	s18 =	sadd.s32 $0x180, s12  }
0xc: {  	s19 =	sadd.s32 $0x200, s12;
	s12 =	smul.u32 $0x4E80, s24;
	s8 =	sadd.s32 s25, s2  }
0xd: {  	s28 =	sshll.u32 s26, $0x7;
	s29 =	sshll.u32 s17, $0x7;
	s30 =	sshll.u32 s18, $0x7  }
0xe: {  	s20 =	sshll.u32 s19, $0x7;
	s24 =	sadd.s32 $0x5800, s15;
	s21 =	sshll.u32 s26, $0x4  }
0xf: {  	s22 =	sshll.u32 s17, $0x4;
	s23 =	sshll.u32 s18, $0x4;
	s25 =	sshll.u32 s19, $0x4  }
0x10: {  	s14 =	smax.u32 s16, $0x1;
	s15 =	simm.s32 $0x100;
	s16 =	simm.s32 $0x2  }
0x11: {  	s17 =	simm.s32 $0x80;
	s18 =	simm.s32 $0x4100;
	s19 =	simm.s32 $0x1  }
0x12: {  	s9 =	sadd.s32 s28, s2;
	s10 =	sadd.s32 s29, s2;
	s11 =	sadd.s32 s30, s2  }
0x13: {  	s13 =	sadd.s32 s20, s2;
	s20 =	sadd.s32 s31, s24;
	s21 =	sadd.s32 s21, s24  }
0x14: {  	v0 =	vimm.f32 $0.0e+00;
	s22 =	sadd.s32 s22, s24;
	s23 =	sadd.s32 s23, s24;
	s24 =	sadd.s32 s25, s24  }
.LBB2_1:
0x15: {  	s25 =	simm.s32 $0x0;
	s26 =	simm.s32 $0x200  }
.LBB2_2:
0x16: {  	p0 =	sne.s32 s26, $0xFE00;
	[tilespmem:s25+$0x170] =	vst v0  }
0x17: {  	[tilespmem:s25+$0x100] =	vst v0  }
0x18: {  	[tilespmem:s25+$0x110] =	vst v0  }
.Ltmp0:
0x19: {  	[tilespmem:s25+$0x120] =	vst v0;
	(pc) =	sbr.rel @p0 .LBB2_2-.Ltmp0, $4  }
0x1a: {  	[tilespmem:s25+$0x130] =	vst v0  }
0x1b: {  	[tilespmem:s25+$0x140] =	vst v0  }
0x1c: {  	[tilespmem:s25+$0x150] =	vst v0  }
0x1d: {  	[tilespmem:s25+$0x160] =	vst v0;
	s25 =	sshra.s32 s26, $0x2;
	s26 =	sadd.s32 $0x200, s26  }
0x1e: {  	[tilespmem:s25+$0x170] =	vst v0  }
0x1f: {  	[tilespmem:s25+$0x100] =	vst v0  }
0x20: {  	[tilespmem:s25+$0x110] =	vst v0  }
0x21: {  	[tilespmem:s25+$0x120] =	vst v0  }
0x22: {  	[tilespmem:s25+$0x130] =	vst v0  }
0x23: {  	[tilespmem:s25+$0x140] =	vst v0  }
0x24: {  	[tilespmem:s25+$0x150] =	vst v0  }
0x25: {  	[tilespmem:s25+$0x160] =	vst v0  }
0x26: {  	[spmem:s8] =	stream.linear.scatter [tilespmem:s15], [sflag:$0x2], $0x4000, $0x38;
	[tilespmem:$0x1BD00] =	vst v63  }
0x27: {  	_ =	swait.ge [sflag:s16], $0x4000  }
0x28: {  	[sflag:s16] =	ssyncset.done $0x0  }
0x29: {  	[sflag:s16] =	ssyncadd.s32 $0xFFFFC000  }
0x2a: {  	[spmem:s9] =	stream.linear.scatter [tilespmem:s15], [sflag:$0x2], $0x4000, $0x38;
	[tilespmem:$0x1BD00] =	vst v63  }
0x2b: {  	_ =	swait.ge [sflag:s16], $0x4000  }
0x2c: {  	[sflag:s16] =	ssyncset.done $0x0  }
0x2d: {  	[sflag:s16] =	ssyncadd.s32 $0xFFFFC000  }
0x2e: {  	[spmem:s10] =	stream.linear.scatter [tilespmem:s15], [sflag:$0x2], $0x4000, $0x38;
	[tilespmem:$0x1BD00] =	vst v63  }
0x2f: {  	_ =	swait.ge [sflag:s16], $0x4000  }
0x30: {  	[sflag:s16] =	ssyncset.done $0x0  }
0x31: {  	[sflag:s16] =	ssyncadd.s32 $0xFFFFC000  }
0x32: {  	[spmem:s11] =	stream.linear.scatter [tilespmem:s15], [sflag:$0x2], $0x4000, $0x38;
	[tilespmem:$0x1BD00] =	vst v63  }
0x33: {  	_ =	swait.ge [sflag:s16], $0x4000  }
0x34: {  	[sflag:s16] =	ssyncset.done $0x0  }
0x35: {  	[sflag:s16] =	ssyncadd.s32 $0xFFFFC000  }
0x36: {  	[spmem:s13] =	stream.linear.scatter [tilespmem:s15], [sflag:$0x2], $0x3C00, $0x38;
	[tilespmem:$0x1BD00] =	vst v63  }
0x37: {  	_ =	swait.ge [sflag:s16], $0x3C00  }
0x38: {  	[sflag:s16] =	ssyncset.done $0x0  }
0x39: {  	[sflag:s16] =	ssyncadd.s32 $0xFFFFC400  }
0x3a: {  	s25 =	simm.s32 $0x0;
	s26 =	simm.s32 $0x0;
	[bflag:$0x0] =	sbarrier.arrive $0xFFFF  }
.LBB2_4:
0x3b: {  	s28 =	sshll.u32 s26, $0x7  }
0x3c: {  	s28 =	sadd.s32 s12, s28  }
0x3d: {  	s29 =	sshrl.u32 s28, $0x3  }
0x3e: {  	s30 =	sadd.s32 s5, s29  }
0x3f: {  	[tilespmem:s25], [sflag:$0x2] =	stream.linear.gather [hbm4b:s30+s25], $0x80, $0x38;
	[tilespmem:$0x1BD00] =	vst v63  }
0x40: {  	_ =	swait.ge [sflag:s16], $0x80  }
0x41: {  	[sflag:s16] =	ssyncset.done $0x0  }
0x42: {  	s29 =	sadd.s32 s6, s29;
	[sflag:s16] =	ssyncadd.s32 $0xFFFFFF80  }
0x43: {  	[tilespmem:s17], [sflag:$0x2] =	stream.linear.gather [hbm4b:s29+s25], $0x80, $0x38;
	[tilespmem:$0x1BD00] =	vst v63  }
0x44: {  	_ =	swait.ge [sflag:s16], $0x80  }
0x45: {  	s28 =	sshll.u32 s28, $0x4;
	[sflag:s16] =	ssyncset.done $0x0  }
0x46: {  	s28 =	sadd.s32 s7, s28;
	[sflag:s16] =	ssyncadd.s32 $0xFFFFFF80  }
0x47: {  	[tilespmem:s15], [sflag:$0x2] =	stream.linear.gather [hbm4b:s28+s25], $0x4000, $0x38;
	[tilespmem:$0x1BD00] =	vst v63  }
0x48: {  	_ =	swait.ge [sflag:s16], $0x4000  }
0x49: {  	[sflag:s16] =	ssyncset.done $0x0  }
0x4a: {  	[sflag:s16] =	ssyncadd.s32 $0xFFFFC000  }
0x4b: {  	[tilespmem:s18], [sflag:$0x1] =	stream.indirect.gather [hbm4b:s1+s17], $0x80, s25, s17, $0xb8;
	[tilespmem:$0x1BD00] =	vst v63  }
0x4c: {  	_ =	swait.ge [sflag:s19], $0x4000  }
0x4d: {  	[sflag:s19] =	ssyncset.done $0x0  }
0x4e: {  	s28 =	simm.s32 $0x0;
	[sflag:s19] =	ssyncadd.s32 $0xFFFFC000  }
0x4f: {  	v7 =	vld [tilespmem:s28+$0x4100]  }
0x50: {  	v12 =	vld [tilespmem:s28+$0x4110]  }
0x51: {  	v6 =	vld [tilespmem:s28+$0x4120]  }
0x52: {  	v5 =	vld [tilespmem:s28+$0x4130]  }
0x53: {  	v4 =	vld [tilespmem:s28+$0x4140]  }
0x54: {  	v3 =	vld [tilespmem:s28+$0x4150]  }
0x55: {  	v2 =	vld [tilespmem:s28+$0x4160]  }
0x56: {  	v1 =	vld [tilespmem:s28+$0x4170]  }
0x57: {  	v13 =	vld [tilespmem:s28+$0x100]  }
0x58: {  	v14 =	vld [tilespmem:s28+$0x110]  }
0x59: {  	v11 =	vld [tilespmem:s28+$0x120]  }
0x5a: {  	v10 =	vld [tilespmem:s28+$0x130]  }
0x5b: {  	v9 =	vld [tilespmem:s28+$0x140]  }
0x5c: {  	v8 =	vld [tilespmem:s28+$0x150];
	v13 =	vadd.f32 v7, v13  }
0x5d: {  	s29 =	simm.s32 $0x200;
	v12 =	vadd.f32 v12, v14;
	v7 =	vld [tilespmem:s28+$0x160]  }
.LBB2_5:
0x5e: {  	s30 =	sshra.s32 s29, $0x2;
	p0 =	sne.s32 s29, $0xFE00;
	v13 =	vmax.f32 v13, $0.0e+00;
	v6 =	vadd.f32 v6, v11;
	v11 =	vld [tilespmem:s28+$0x170]  }
0x5f: {  	v14 =	vld [tilespmem:s30+$0x4100];
	[tilespmem:s28+$0x100] =	vst v13;
	v12 =	vmax.f32 v12, $0.0e+00;
	v5 =	vadd.f32 v5, v10  }
0x60: {  	v15 =	vld [tilespmem:s30+$0x4110];
	[tilespmem:s28+$0x110] =	vst v12;
	v10 =	vmax.f32 v6, $0.0e+00;
	v4 =	vadd.f32 v4, v9  }
0x61: {  	v6 =	vld [tilespmem:s30+$0x4120];
	[tilespmem:s28+$0x120] =	vst v10;
	v9 =	vmax.f32 v5, $0.0e+00;
	v3 =	vadd.f32 v3, v8  }
0x62: {  	v5 =	vld [tilespmem:s30+$0x4130];
	[tilespmem:s28+$0x130] =	vst v9;
	v8 =	vmax.f32 v4, $0.0e+00;
	v2 =	vadd.f32 v2, v7  }
0x63: {  	v4 =	vld [tilespmem:s30+$0x4140];
	[tilespmem:s28+$0x140] =	vst v8;
	v7 =	vmax.f32 v3, $0.0e+00;
	v1 =	vadd.f32 v1, v11  }
0x64: {  	v3 =	vld [tilespmem:s30+$0x4150];
	[tilespmem:s28+$0x150] =	vst v7;
	v7 =	vmax.f32 v2, $0.0e+00  }
0x65: {  	v2 =	vld [tilespmem:s30+$0x4160];
	[tilespmem:s28+$0x160] =	vst v7;
	v7 =	vmax.f32 v1, $0.0e+00  }
0x66: {  	v1 =	vld [tilespmem:s30+$0x4170];
	[tilespmem:s28+$0x170] =	vst v7;
	s28 =	smov.u32 s30  }
0x67: {  	v7 =	vld [tilespmem:s28+$0x100]  }
0x68: {  	v12 =	vld [tilespmem:s28+$0x110]  }
.Ltmp1:
0x69: {  	v11 =	vld [tilespmem:s28+$0x120];
	(pc) =	sbr.rel @p0 .LBB2_5-.Ltmp1, $4  }
0x6a: {  	v10 =	vld [tilespmem:s28+$0x130]  }
0x6b: {  	v9 =	vld [tilespmem:s28+$0x140]  }
0x6c: {  	v13 =	vadd.f32 v14, v7;
	v8 =	vld [tilespmem:s28+$0x150]  }
0x6d: {  	s29 =	sadd.s32 $0x200, s29;
	v12 =	vadd.f32 v15, v12;
	v7 =	vld [tilespmem:s28+$0x160]  }
0x6e: {  	v13 =	vmax.f32 v13, $0.0e+00;
	v6 =	vadd.f32 v6, v11;
	v63 =	vld [tilespmem:s28+$0x170]  }
0x6f: {  	[tilespmem:s28+$0x100] =	vst v13;
	v12 =	vmax.f32 v12, $0.0e+00;
	v5 =	vadd.f32 v5, v10  }
0x70: {  	[tilespmem:s28+$0x110] =	vst v12;
	v6 =	vmax.f32 v6, $0.0e+00;
	v4 =	vadd.f32 v4, v9  }
0x71: {  	[tilespmem:s28+$0x120] =	vst v6;
	v5 =	vmax.f32 v5, $0.0e+00;
	v3 =	vadd.f32 v3, v8  }
0x72: {  	[tilespmem:s28+$0x130] =	vst v5;
	v4 =	vmax.f32 v4, $0.0e+00;
	v2 =	vadd.f32 v2, v7  }
0x73: {  	[tilespmem:s28+$0x140] =	vst v4;
	v3 =	vmax.f32 v3, $0.0e+00;
	v1 =	vadd.f32 v1, v63  }
0x74: {  	s26 =	sadd.s32 $0x1, s26;
	[tilespmem:s28+$0x150] =	vst v3;
	v2 =	vmax.f32 v2, $0.0e+00  }
0x75: {  	p0 =	sne.s32 s26, $0x9D;
	[tilespmem:s28+$0x160] =	vst v2;
	v1 =	vmax.f32 v1, $0.0e+00  }
.Ltmp2:
0x76: {  	[tilespmem:s28+$0x170] =	vst v1;
	(pc) =	sbr.rel @p0 .LBB2_4-.Ltmp2, $4  }
0x77: {  	[spmem:s2] =	stream.indirect.scatter.add.f32 [tilespmem:s15], [sflag:$0x2], $0x80, s17, s17, $0xb8;
	[tilespmem:$0x1BD00] =	vst v63  }
0x78: {  	_ =	swait.ge [sflag:s16], $0x4000  }
0x79: {  	[sflag:s16] =	ssyncset.done $0x0  }
0x7a: {  	[sflag:s16] =	ssyncadd.s32 $0xFFFFC000  }
0x7b: {  	s25 =	sshll.u32 s4, $0x6  }
0x7c: {  	[bflag:$0x0] =	sbarrier.arrive $0xFFFF;
	s26 =	sshrl.u32 s8, $0x3;
	s25 =	sor.u32 $0x1C02, s25  }
0x7d: {  	[hbm:s20], [sflag:s25] =	dma.local [spmem:s26], $0x800  }
0x7e: {  	_ =	swait.ge [sflag:s16], $0x800  }
0x7f: {  	[sflag:s16] =	ssyncset.done $0x0  }
0x80: {  	s28 =	sshrl.u32 s9, $0x3;
	[sflag:s16] =	ssyncadd.s32 $0xFFFFF800  }
0x81: {  	[hbm:s21], [sflag:s25] =	dma.local [spmem:s28], $0x800  }
0x82: {  	_ =	swait.ge [sflag:s16], $0x800  }
0x83: {  	[sflag:s16] =	ssyncset.done $0x0  }
0x84: {  	s29 =	sshrl.u32 s10, $0x3;
	[sflag:s16] =	ssyncadd.s32 $0xFFFFF800  }
0x85: {  	[hbm:s22], [sflag:s25] =	dma.local [spmem:s29], $0x800  }
0x86: {  	_ =	swait.ge [sflag:s16], $0x800  }
0x87: {  	[sflag:s16] =	ssyncset.done $0x0  }
0x88: {  	s30 =	sshrl.u32 s11, $0x3;
	[sflag:s16] =	ssyncadd.s32 $0xFFFFF800  }
0x89: {  	[hbm:s23], [sflag:s25] =	dma.local [spmem:s30], $0x800  }
0x8a: {  	s3 =	sadd.s32 $0x1, s3;
	_ =	swait.ge [sflag:s16], $0x800  }
0x8b: {  	p0 =	sne.s32 s3, s14;
	[sflag:s16] =	ssyncset.done $0x0  }
.Ltmp3:
0x8c: {  	s31 =	sshrl.u32 s13, $0x3;
	[sflag:s16] =	ssyncadd.s32 $0xFFFFF800;
	(pc) =	sbr.rel @p0 .LBB2_1-.Ltmp3, $4  }
0x8d: {  	[hbm:s24], [sflag:s25] =	dma.local [spmem:s31], $0x780  }
0x8e: {  	_ =	swait.ge [sflag:s16], $0x780  }
0x8f: {  	[sflag:s16] =	ssyncset.done $0x0  }
0x90: {  	[sflag:s16] =	ssyncadd.s32 $0xFFFFF880  }
0x91: {  	_ =	sfence.sel $0x180000  }
0x92: {  	[bflag:$0x0] =	sbarrier.arrive $0xFFFF  }
0x93: {  	p0 =	sne.s32 s4, $0x0;
	_ =	strace $0x9000004D  }
0x94: {  	s0 =	sadd.s32 @!p0 $0x100000, s0;
	[bflag:$0x2] =	sbarrier.arrive $0xFFFF  }
0x95: {  	[sflag:s0] =	ssyncadd.tile.s32 @!p0 $0x1;
	_ =	shalt  }
.Lfunc_end2:
_tile_overlayer_lowered:
.L_overlay_start_2:
0x96: {  	(tag) =	ssettag $0x2  }
0x97: {  	s0 =	rddreg [dreg:$0x0];
	s2 =	stileid.u32  }
0x98: {  	s1 =	rddreg [dreg:$0x1];
	p0 =	sne.s32 s2, $0x0  }
0x99: {  	s3 =	rddreg [dreg:$0x2];
	[bflag:$0x3] =	sbarrier.arrive $0xFFFF;
	s2 =	simm.s32 @!p0 $0x1C02  }
0x9a: {  	[timem:s3], [sflag:s2] =	dma.local @!p0 [hbm:s0], s1  }
0x9b: {  	s0 =	simm.s32 @!p0 $0x2  }
0x9c: {  	_ =	swait.ge @!p0 [sflag:s0], s1  }
0x9d: {  	s1 =	ssub.s32 @!p0 $0x0, s1;
	[sflag:s0] =	ssyncset.done @!p0 $0x0  }
0x9e: {  	[sflag:s0] =	ssyncadd.s32 @!p0 s1  }
0x9f: {  	[bflag:$0x3] =	sbarrier.arrive $0xFFFF  }
0xa0: {  	_ =	shalt  }

</sc_bundles>
